<compile_context>
chip_gen: v7x
topology: tpu7x:2x2x1
jax: 0.10.2.dev20260603
libtpu: 0.0.44.dev20260713+nightly
codegen_flags: <defaults>
</compile_context>

<pallas_src>
import functools

import jax
import jax.numpy as jnp
from jax import lax
from jax.experimental import pallas as pl
from jax.experimental.pallas import tpu as pltpu
from jax.experimental.pallas import tpu_sc as plsc

_NSC = 2
_NTILE = 16
_LANES = 16
_CH = 128
_F32 = jnp.float32


def _mesh():
    return plsc.VectorSubcoreMesh(
        core_axis_name="c", subcore_axis_name="s",
        num_cores=_NSC, num_subcores=_NTILE)


def _sc_degree(npad, chunks_per_tile):
    rows_per_tile = npad // _NTILE
    nz = rows_per_tile // 8
    iblk = 32
    nblk = chunks_per_tile // iblk
    assert chunks_per_tile % iblk == 0

    @functools.partial(
        pl.kernel,
        out_type=jax.ShapeDtypeStruct((_NSC, npad, 128), _F32),
        mesh=_mesh(),
        scratch_types=[
            pltpu.VMEM((iblk, _CH), jnp.int32),
            pltpu.VMEM((_CH, 128), _F32),
            pltpu.VMEM((8, 128), _F32),
            pltpu.VMEM_SHARED((npad, 128), _F32),
        ],
    )
    def deg_kernel(dst_hbm, out_hbm, idx_v, ones_v, zv, acc):
        c = lax.axis_index("c")
        s = lax.axis_index("s")
        base = (c * _NTILE + s) * chunks_per_tile

        def fill_ones(i, carry):
            for q in range(128 // _LANES):
                ones_v[i, pl.ds(q * _LANES, _LANES)] = jnp.ones((_LANES,), _F32)
            return carry
        lax.fori_loop(0, _CH, fill_ones, 0)

        def fill_z(i, carry):
            for q in range(128 // _LANES):
                zv[i, pl.ds(q * _LANES, _LANES)] = jnp.zeros((_LANES,), _F32)
            return carry
        lax.fori_loop(0, 8, fill_z, 0)

        def zcopy(i, carry):
            pltpu.sync_copy(zv, acc.at[pl.ds((s * nz + i) * 8, 8)])
            return carry
        lax.fori_loop(0, nz, zcopy, 0)
        plsc.subcore_barrier()

        def blk(bi, carry):
            pltpu.sync_copy(dst_hbm.at[pl.ds(base + bi * iblk, iblk)], idx_v)

            def body(j, carry2):
                pltpu.sync_copy(ones_v, acc.at[idx_v.at[j]], add=True)
                return carry2
            lax.fori_loop(0, iblk, body, 0)
            return carry
        lax.fori_loop(0, nblk, blk, 0)
        plsc.subcore_barrier()

        pltpu.sync_copy(acc.at[pl.ds(s * rows_per_tile, rows_per_tile)],
                        out_hbm.at[c, pl.ds(s * rows_per_tile, rows_per_tile)])

    return deg_kernel


def _sc_aggregate(npad, d, chunks_per_tile, edge_split):
    rows_per_tile = npad // _NTILE
    nz = rows_per_tile // 8
    iblk = 32
    nblk = chunks_per_tile // iblk
    assert chunks_per_tile % iblk == 0
    tab_shape = (npad, d) if edge_split else (_NSC, npad, d)

    @functools.partial(
        pl.kernel,
        out_type=jax.ShapeDtypeStruct((_NSC, npad, d), _F32),
        mesh=_mesh(),
        scratch_types=[
            pltpu.VMEM((iblk, _CH), jnp.int32),
            pltpu.VMEM((iblk, _CH), jnp.int32),
            pltpu.VMEM((_CH, d), _F32),
            pltpu.VMEM((_CH, d), _F32),
            pltpu.VMEM((8, d), _F32),
            pltpu.VMEM_SHARED((npad, d), _F32),
            pltpu.SemaphoreType.DMA,
            pltpu.SemaphoreType.DMA,
        ],
    )
    def agg_kernel(tab_hbm, src_hbm, dst_hbm, out_hbm,
                   sidx, didx, gb0, gb1, zv, acc, sem0, sem1):
        c = lax.axis_index("c")
        s = lax.axis_index("s")
        if edge_split:
            base = (c * _NTILE + s) * chunks_per_tile
            tab = tab_hbm
        else:
            base = s * chunks_per_tile
            tab = tab_hbm.at[c]

        def fill_z(i, carry):
            for q in range(d // _LANES):
                zv[i, pl.ds(q * _LANES, _LANES)] = jnp.zeros((_LANES,), _F32)
            return carry
        lax.fori_loop(0, 8, fill_z, 0)

        def zcopy(i, carry):
            pltpu.sync_copy(zv, acc.at[pl.ds((s * nz + i) * 8, 8)])
            return carry
        lax.fori_loop(0, nz, zcopy, 0)
        plsc.subcore_barrier()

        def blk(bi, carry):
            pltpu.sync_copy(src_hbm.at[pl.ds(base + bi * iblk, iblk)], sidx)
            pltpu.sync_copy(dst_hbm.at[pl.ds(base + bi * iblk, iblk)], didx)

            pltpu.async_copy(tab.at[sidx.at[0]], gb0, sem0)

            def body(t, carry2):
                j = 2 * t
                pltpu.async_copy(tab.at[sidx.at[j + 1]], gb1, sem1)
                pltpu.make_async_copy(tab.at[sidx.at[j]], gb0, sem0).wait()
                pltpu.sync_copy(gb0, acc.at[didx.at[j]], add=True)

                @pl.when(t < iblk // 2 - 1)
                def _():
                    pltpu.async_copy(tab.at[sidx.at[j + 2]], gb0, sem0)

                pltpu.make_async_copy(tab.at[sidx.at[j + 1]], gb1, sem1).wait()
                pltpu.sync_copy(gb1, acc.at[didx.at[j + 1]], add=True)
                return carry2
            lax.fori_loop(0, iblk // 2, body, 0)
            return carry
        lax.fori_loop(0, nblk, blk, 0)
        plsc.subcore_barrier()

        pltpu.sync_copy(acc.at[pl.ds(s * rows_per_tile, rows_per_tile)],
                        out_hbm.at[c, pl.ds(s * rows_per_tile, rows_per_tile)])

    return agg_kernel


_DOT = functools.partial(jnp.dot, precision=lax.Precision.HIGHEST)


def _prep_body(degp_ref, xpad_ref, dinv_ref, xs_ref):
    deg = degp_ref[0, :, 0:1] + degp_ref[1, :, 0:1] + 1.0
    dinv = lax.rsqrt(deg)
    dinv_ref[...] = dinv
    xs_ref[...] = xpad_ref[...] * dinv


def _d1_body(a1p_ref, xs_ref, dinv_ref, w1_ref, b1_ref, out_ref):
    dinv = dinv_ref[...]
    agg = (a1p_ref[0] + a1p_ref[1] + xs_ref[...]) * dinv
    w1 = w1_ref[...]
    b1 = b1_ref[...]
    for b in range(4):
        hb = jnp.maximum(_DOT(agg[:, 12 * b:12 * b + 12], w1) + b1, 0.0)
        c, o = divmod(b, 2)
        out_ref[c, :, 64 * o:64 * o + 64] = hb * dinv


def _d2_body(a2_ref, hs_ref, dinv_ref, w2_ref, b2_ref, wr_ref, wz_ref,
             wn_ref, br_ref, bz_ref, bn_ref, outr_ref, outz_ref, outn_ref):
    dinv = dinv_ref[...]
    w2 = w2_ref[...]
    b2 = b2_ref[...]
    for b in range(4):
        c, o = divmod(b, 2)
        zb = (a2_ref[c, :, 64 * o:64 * o + 64]
              + hs_ref[c, :, 64 * o:64 * o + 64]) * dinv
        h2 = jnp.maximum(_DOT(zb, w2) + b2, 0.0)
        outr_ref[b] = _DOT(h2, wr_ref[...]) + br_ref[...]
        outz_ref[b] = _DOT(h2, wz_ref[...]) + bz_ref[...]
        outn_ref[b] = _DOT(h2, wn_ref[...]) + bn_ref[...]


def _gru_body(rows, gxr_ref, gxz_ref, gxn_ref, wr_ref, wz_ref, wn_ref,
              bn_ref, out_ref, h_scr):
    @pl.when(pl.program_id(0) == 0)
    def _():
        h_scr[...] = jnp.zeros(h_scr.shape, _F32)

    wr = wr_ref[...]
    wz = wz_ref[...]
    wn = wn_ref[...]
    bn = bn_ref[...]

    def step(i, h):
        ghr = _DOT(h, wr)
        ghz = _DOT(h, wz)
        ghn = _DOT(h, wn) + bn
        r = jax.nn.sigmoid(gxr_ref[:, i, :] + ghr)
        z = jax.nn.sigmoid(gxz_ref[:, i, :] + ghz)
        n = jnp.tanh(gxn_ref[:, i, :] + r * ghn)
        h = (1.0 - z) * n + z * h
        out_ref[:, i, :] = h
        return h

    h = lax.fori_loop(0, rows, step, h_scr[0:4, :], unroll=8)
    h_scr[0:4, :] = h


def _head_body(g_ref, wfc_ref, bfc_ref, out_ref):
    wfc = wfc_ref[...]
    bfc = bfc_ref[...]
    for b in range(4):
        out_ref[b] = _DOT(g_ref[b], wfc) + bfc


def kernel(x, edge_index, W1, b1, W2, b2, W_ih, W_hh, b_ih, b_hh, W_fc, b_fc):
    B, T, N = x.shape
    H = W1.shape[1]
    E = edge_index.shape[1]
    NPAD = -(-N // 1024) * 1024
    EPAD = -(-E // (32 * _CH * 8)) * (32 * _CH * 8)
    chunks1 = EPAD // (32 * _CH)
    chunks2 = EPAD // (16 * _CH)
    BLK = 1024
    RG = 1000

    pad_dst = N + jnp.arange(EPAD - E, dtype=jnp.int32) % (NPAD - N)
    src = jnp.concatenate(
        [edge_index[0], jnp.full((EPAD - E,), N, jnp.int32)]).reshape(-1, _CH)
    dst = jnp.concatenate([edge_index[1], pad_dst]).reshape(-1, _CH)

    x48 = x.transpose(2, 0, 1).reshape(N, B * T)
    xpad = jnp.pad(x48, ((0, NPAD - N), (0, 128 - B * T)))

    b1r = b1.reshape(1, -1)
    b2r = b2.reshape(1, -1)
    wih_t = W_ih.T
    wir, wiz, win = wih_t[:, 0:H], wih_t[:, H:2 * H], wih_t[:, 2 * H:3 * H]
    bir = (b_ih[0:H] + b_hh[0:H]).reshape(1, -1)
    biz = (b_ih[H:2 * H] + b_hh[H:2 * H]).reshape(1, -1)
    bin_ = b_ih[2 * H:3 * H].reshape(1, -1)
    whh_t = W_hh.T
    whr, whz, whn = whh_t[:, 0:H], whh_t[:, H:2 * H], whh_t[:, 2 * H:3 * H]
    bhn = b_hh[2 * H:3 * H].reshape(1, -1)
    bfcr = b_fc.reshape(1, -1)

    degp = _sc_degree(NPAD, chunks1)(dst)

    grid = NPAD // BLK
    dinv, xs = pl.pallas_call(
        _prep_body,
        grid=(grid,),
        in_specs=[
            pl.BlockSpec((_NSC, BLK, 128), lambda i: (0, i, 0)),
            pl.BlockSpec((BLK, 128), lambda i: (i, 0)),
        ],
        out_specs=[
            pl.BlockSpec((BLK, 1), lambda i: (i, 0)),
            pl.BlockSpec((BLK, 128), lambda i: (i, 0)),
        ],
        out_shape=[
            jax.ShapeDtypeStruct((NPAD, 1), _F32),
            jax.ShapeDtypeStruct((NPAD, 128), _F32),
        ],
    )(degp, xpad)

    a1p = _sc_aggregate(NPAD, 128, chunks1, True)(xs, src, dst)

    hs = pl.pallas_call(
        _d1_body,
        grid=(grid,),
        in_specs=[
            pl.BlockSpec((_NSC, BLK, 128), lambda i: (0, i, 0)),
            pl.BlockSpec((BLK, 128), lambda i: (i, 0)),
            pl.BlockSpec((BLK, 1), lambda i: (i, 0)),
            pl.BlockSpec((12, 64), lambda i: (0, 0)),
            pl.BlockSpec((1, 64), lambda i: (0, 0)),
        ],
        out_specs=pl.BlockSpec((_NSC, BLK, 128), lambda i: (0, i, 0)),
        out_shape=jax.ShapeDtypeStruct((_NSC, NPAD, 128), _F32),
    )(a1p, xs, dinv, W1, b1r)

    a2 = _sc_aggregate(NPAD, 128, chunks2, False)(hs, src, dst)

    wspec = pl.BlockSpec((64, 64), lambda i: (0, 0))
    bspec = pl.BlockSpec((1, 64), lambda i: (0, 0))
    gxr, gxz, gxn = pl.pallas_call(
        _d2_body,
        grid=(grid,),
        in_specs=[
            pl.BlockSpec((_NSC, BLK, 128), lambda i: (0, i, 0)),
            pl.BlockSpec((_NSC, BLK, 128), lambda i: (0, i, 0)),
            pl.BlockSpec((BLK, 1), lambda i: (i, 0)),
            wspec, bspec,
            wspec, wspec, wspec,
            bspec, bspec, bspec,
        ],
        out_specs=[pl.BlockSpec((4, BLK, 64), lambda i: (0, i, 0))] * 3,
        out_shape=[jax.ShapeDtypeStruct((4, NPAD, 64), _F32)] * 3,
    )(a2, hs, dinv, W2, b2r, wir, wiz, win, bir, biz, bin_)

    gspec = pl.BlockSpec((4, RG, 64), lambda i: (0, i, 0))
    hseq = pl.pallas_call(
        functools.partial(_gru_body, RG),
        grid=(N // RG,),
        in_specs=[
            gspec, gspec, gspec,
            wspec, wspec, wspec,
            bspec,
        ],
        out_specs=pl.BlockSpec((4, RG, 64), lambda i: (0, i, 0)),
        out_shape=jax.ShapeDtypeStruct((B, N, 64), _F32),
        scratch_shapes=[pltpu.VMEM((8, 64), _F32)],
    )(gxr, gxz, gxn, whr, whz, whn, bhn)

    out = pl.pallas_call(
        _head_body,
        grid=(N // RG,),
        in_specs=[
            pl.BlockSpec((4, RG, 64), lambda i: (0, i, 0)),
            pl.BlockSpec((64, 12), lambda i: (0, 0)),
            pl.BlockSpec((1, 12), lambda i: (0, 0)),
        ],
        out_specs=pl.BlockSpec((4, RG, 12), lambda i: (0, i, 0)),
        out_shape=jax.ShapeDtypeStruct((B, N, 12), _F32),
    )(hseq, W_fc, bfcr)

    return out

# --- scband reference (transcript-rebuilt; emitter-appended) ---
"""Pipeline reference for scband-stgnn-87479893885337 (READ-ONLY COPY).

The authoritative reference and input builder live on the scoring server;
editing this copy changes nothing except your own understanding.
"""

import jax, jax.numpy as jnp
import numpy as np

N = 10000
E = 640000
IN_STEPS = 12
OUT_STEPS = 12
H = 64
B = 4


def setup_inputs(seed: int = 0) -> dict:
    key = jax.random.key(seed)
    ks = jax.random.split(key, 16)
    inp = {}
    inp["x"] = jax.random.normal(ks[0], (B, IN_STEPS, N), dtype=jnp.float32)
    inp["edge_index"] = jax.random.randint(ks[1], (2, E), 0, N, dtype=jnp.int32)

    def w(k, shape, fan):
        return jax.random.normal(k, shape, dtype=jnp.float32) / np.sqrt(fan)

    inp["W1"] = w(ks[2], (IN_STEPS, H), IN_STEPS)
    inp["b1"] = jnp.zeros((H,), jnp.float32)
    inp["W2"] = w(ks[3], (H, H), H)
    inp["b2"] = jnp.zeros((H,), jnp.float32)
    inp["W_ih"] = w(ks[4], (3 * H, H), H)
    inp["W_hh"] = w(ks[5], (3 * H, H), H)
    inp["b_ih"] = jnp.zeros((3 * H,), jnp.float32)
    inp["b_hh"] = jnp.zeros((3 * H,), jnp.float32)
    inp["W_fc"] = w(ks[6], (H, OUT_STEPS), H)
    inp["b_fc"] = jnp.zeros((OUT_STEPS,), jnp.float32)
    return inp


def _gcn(x, src, dst, W, b):
    # PyG-style GCNConv: add self-loops, symmetric deg normalization
    n = x.shape[0]
    loop = jnp.arange(n, dtype=src.dtype)
    s = jnp.concatenate([src, loop])
    d = jnp.concatenate([dst, loop])
    deg = jax.ops.segment_sum(jnp.ones(s.shape[0], dtype=x.dtype), d, num_segments=n)
    dinv = jnp.where(deg > 0, jax.lax.rsqrt(jnp.maximum(deg, 1e-12)), 0.0)
    norm = dinv[s] * dinv[d]
    h = x @ W
    msg = h[s] * norm[:, None]
    agg = jax.ops.segment_sum(msg, d, num_segments=n)
    return agg + b


def _gru(xs, W_ih, W_hh, b_ih, b_hh):
    # xs: [B, T, H], batch_first single-layer GRU (PyTorch gate order r,z,n)
    Hd = W_hh.shape[1]

    def cell(h, x_t):
        gx = x_t @ W_ih.T + b_ih
        gh = h @ W_hh.T + b_hh
        xr, xz, xn = jnp.split(gx, 3, axis=-1)
        hr, hz, hn = jnp.split(gh, 3, axis=-1)
        r = jax.nn.sigmoid(xr + hr)
        z = jax.nn.sigmoid(xz + hz)
        nn_ = jnp.tanh(xn + r * hn)
        h_new = (1.0 - z) * nn_ + z * h
        return h_new, h_new

    h0 = jnp.zeros((xs.shape[0], Hd), xs.dtype)
    _, ys = jax.lax.scan(cell, h0, jnp.swapaxes(xs, 0, 1))
    return jnp.swapaxes(ys, 0, 1)


def reference(x, edge_index, W1, b1, W2, b2, W_ih, W_hh, b_ih, b_hh, W_fc, b_fc):
    src, dst = edge_index[0], edge_index[1]
    xp = jnp.transpose(x, (0, 2, 1))  # [B, N, in_steps]
    outs = []
    for i in range(xp.shape[0]):
        h = jax.nn.relu(_gcn(xp[i], src, dst, W1, b1))
        h = jax.nn.relu(_gcn(h, src, dst, W2, b2))
        outs.append(h)
    hseq = jnp.stack(outs)  # [B, N, H]
    g = _gru(hseq, W_ih, W_hh, b_ih, b_hh)  # [B, N, H]
    return g @ W_fc + b_fc  # [B, N, out_steps]

if __name__ == "__main__":
    import jax
    _d = setup_inputs()
    print(jax.jit(kernel)(*tuple(_d.values())))

</pallas_src>

<mosaic_0001>
#map = affine_map<(d0, d1) -> (0, 0)>
#map1 = affine_map<(d0, d1) -> (0, 0, 0)>
module attributes {stable_mosaic.version = 14 : i64} {
  func.func @agg_kernel(%arg0: i32, %arg1: i32, %arg2: memref<10240x128xf32, #tpu.memory_space<hbm>>, %arg3: memref<5120x128xi32, #tpu.memory_space<hbm>>, %arg4: memref<5120x128xi32, #tpu.memory_space<hbm>>, %arg5: memref<2x10240x128xf32, #tpu.memory_space<hbm>>, %arg6: memref<32x128xi32, #tpu.memory_space<vmem>>, %arg7: memref<32x128xi32, #tpu.memory_space<vmem>>, %arg8: memref<128x128xf32, #tpu.memory_space<vmem>>, %arg9: memref<128x128xf32, #tpu.memory_space<vmem>>, %arg10: memref<8x128xf32, #tpu.memory_space<vmem>>, %arg11: memref<10240x128xf32, #tpu.memory_space<vmem_shared>>, %arg12: memref<!tpu.dma_semaphore, #tpu.memory_space<semaphore_mem>>, %arg13: memref<!tpu.dma_semaphore, #tpu.memory_space<semaphore_mem>>) attributes {dimension_semantics = [#tpu.dimension_semantics<core_parallel>, #tpu.dimension_semantics<subcore_parallel>], iteration_bounds = array<i64: 2, 16>, scalar_prefetch = 0 : i64, scratch_operands = 8 : i64, tpu.core_type = #tpu.core_type<sc_vector_subcore>, window_params = [{transform_indices = #map}, {transform_indices = #map}, {transform_indices = #map}, {transform_indices = #map1}]} {
    %mul3A = arith.constant 16 : i32
    %mul3A_0 = arith.muli %arg0, %mul3A : i32
    %add3A = arith.addi %mul3A_0, %arg1 : i32
    %mul3A_1 = arith.constant 160 : i32
    %mul3A_2 = arith.muli %add3A, %mul3A_1 : i32
    %scan3A = arith.constant 0 : i32
    %scan3A_3 = arith.constant 0 : i32
    %scan3A_4 = arith.constant 8 : i32
    %scan3A_5 = arith.addi %scan3A_3, %scan3A_4 : i32
    %scan3A_6 = arith.constant 1 : i32
    scf.for %scan3A_25 = %scan3A_3 to %scan3A_5 step %scan3A_6  : i32 {
      %broadcast_in_dim3A = arith.constant 0.000000e+00 : f32
      %broadcast_in_dim3A_26 = vector.broadcast %broadcast_in_dim3A : f32 to vector<16xf32>
      %swap3A = arith.index_cast %scan3A_25 : i32 to index
      %swap3A_27 = arith.constant 0 : index
      %swap3A_28 = tpu.vector_load %arg10[%swap3A, %swap3A_27] {strides = array<i32>} : memref<8x128xf32, #tpu.memory_space<vmem>>, vector<1x16xf32>,
      %swap3A_29 = vector.shape_cast %swap3A_28 : vector<1x16xf32> to vector<16xf32>
      %swap3A_30 = vector.shape_cast %broadcast_in_dim3A_26 : vector<16xf32> to vector<1x16xf32>
      tpu.vector_store %arg10[%swap3A, %swap3A_27], %swap3A_30 {strides = array<i32>} : memref<8x128xf32, #tpu.memory_space<vmem>>, vector<1x16xf32>,
      %broadcast_in_dim3A_31 = arith.constant 0.000000e+00 : f32
      %broadcast_in_dim3A_32 = vector.broadcast %broadcast_in_dim3A_31 : f32 to vector<16xf32>
      %swap3A_33 = arith.index_cast %scan3A_25 : i32 to index
      %swap3A_34 = arith.constant 16 : index
      %swap3A_35 = tpu.vector_load %arg10[%swap3A_33, %swap3A_34] {strides = array<i32>} : memref<8x128xf32, #tpu.memory_space<vmem>>, vector<1x16xf32>,
      %swap3A_36 = vector.shape_cast %swap3A_35 : vector<1x16xf32> to vector<16xf32>
      %swap3A_37 = vector.shape_cast %broadcast_in_dim3A_32 : vector<16xf32> to vector<1x16xf32>
      tpu.vector_store %arg10[%swap3A_33, %swap3A_34], %swap3A_37 {strides = array<i32>} : memref<8x128xf32, #tpu.memory_space<vmem>>, vector<1x16xf32>,
      %broadcast_in_dim3A_38 = arith.constant 0.000000e+00 : f32
      %broadcast_in_dim3A_39 = vector.broadcast %broadcast_in_dim3A_38 : f32 to vector<16xf32>
      %swap3A_40 = arith.index_cast %scan3A_25 : i32 to index
      %swap3A_41 = arith.constant 32 : index
      %swap3A_42 = tpu.vector_load %arg10[%swap3A_40, %swap3A_41] {strides = array<i32>} : memref<8x128xf32, #tpu.memory_space<vmem>>, vector<1x16xf32>,
      %swap3A_43 = vector.shape_cast %swap3A_42 : vector<1x16xf32> to vector<16xf32>
      %swap3A_44 = vector.shape_cast %broadcast_in_dim3A_39 : vector<16xf32> to vector<1x16xf32>
      tpu.vector_store %arg10[%swap3A_40, %swap3A_41], %swap3A_44 {strides = array<i32>} : memref<8x128xf32, #tpu.memory_space<vmem>>, vector<1x16xf32>,
      %broadcast_in_dim3A_45 = arith.constant 0.000000e+00 : f32
      %broadcast_in_dim3A_46 = vector.broadcast %broadcast_in_dim3A_45 : f32 to vector<16xf32>
      %swap3A_47 = arith.index_cast %scan3A_25 : i32 to index
      %swap3A_48 = arith.constant 48 : index
      %swap3A_49 = tpu.vector_load %arg10[%swap3A_47, %swap3A_48] {strides = array<i32>} : memref<8x128xf32, #tpu.memory_space<vmem>>, vector<1x16xf32>,
      %swap3A_50 = vector.shape_cast %swap3A_49 : vector<1x16xf32> to vector<16xf32>
      %swap3A_51 = vector.shape_cast %broadcast_in_dim3A_46 : vector<16xf32> to vector<1x16xf32>
      tpu.vector_store %arg10[%swap3A_47, %swap3A_48], %swap3A_51 {strides = array<i32>} : memref<8x128xf32, #tpu.memory_space<vmem>>, vector<1x16xf32>,
      %broadcast_in_dim3A_52 = arith.constant 0.000000e+00 : f32
      %broadcast_in_dim3A_53 = vector.broadcast %broadcast_in_dim3A_52 : f32 to vector<16xf32>
      %swap3A_54 = arith.index_cast %scan3A_25 : i32 to index
      %swap3A_55 = arith.constant 64 : index
      %swap3A_56 = tpu.vector_load %arg10[%swap3A_54, %swap3A_55] {strides = array<i32>} : memref<8x128xf32, #tpu.memory_space<vmem>>, vector<1x16xf32>,
      %swap3A_57 = vector.shape_cast %swap3A_56 : vector<1x16xf32> to vector<16xf32>
      %swap3A_58 = vector.shape_cast %broadcast_in_dim3A_53 : vector<16xf32> to vector<1x16xf32>
      tpu.vector_store %arg10[%swap3A_54, %swap3A_55], %swap3A_58 {strides = array<i32>} : memref<8x128xf32, #tpu.memory_space<vmem>>, vector<1x16xf32>,
      %broadcast_in_dim3A_59 = arith.constant 0.000000e+00 : f32
      %broadcast_in_dim3A_60 = vector.broadcast %broadcast_in_dim3A_59 : f32 to vector<16xf32>
      %swap3A_61 = arith.index_cast %scan3A_25 : i32 to index
      %swap3A_62 = arith.constant 80 : index
      %swap3A_63 = tpu.vector_load %arg10[%swap3A_61, %swap3A_62] {strides = array<i32>} : memref<8x128xf32, #tpu.memory_space<vmem>>, vector<1x16xf32>,
      %swap3A_64 = vector.shape_cast %swap3A_63 : vector<1x16xf32> to vector<16xf32>
      %swap3A_65 = vector.shape_cast %broadcast_in_dim3A_60 : vector<16xf32> to vector<1x16xf32>
      tpu.vector_store %arg10[%swap3A_61, %swap3A_62], %swap3A_65 {strides = array<i32>} : memref<8x128xf32, #tpu.memory_space<vmem>>, vector<1x16xf32>,
      %broadcast_in_dim3A_66 = arith.constant 0.000000e+00 : f32
      %broadcast_in_dim3A_67 = vector.broadcast %broadcast_in_dim3A_66 : f32 to vector<16xf32>
      %swap3A_68 = arith.index_cast %scan3A_25 : i32 to index
      %swap3A_69 = arith.constant 96 : index
      %swap3A_70 = tpu.vector_load %arg10[%swap3A_68, %swap3A_69] {strides = array<i32>} : memref<8x128xf32, #tpu.memory_space<vmem>>, vector<1x16xf32>,
      %swap3A_71 = vector.shape_cast %swap3A_70 : vector<1x16xf32> to vector<16xf32>
      %swap3A_72 = vector.shape_cast %broadcast_in_dim3A_67 : vector<16xf32> to vector<1x16xf32>
      tpu.vector_store %arg10[%swap3A_68, %swap3A_69], %swap3A_72 {strides = array<i32>} : memref<8x128xf32, #tpu.memory_space<vmem>>, vector<1x16xf32>,
      %broadcast_in_dim3A_73 = arith.constant 0.000000e+00 : f32
      %broadcast_in_dim3A_74 = vector.broadcast %broadcast_in_dim3A_73 : f32 to vector<16xf32>
      %swap3A_75 = arith.index_cast %scan3A_25 : i32 to index
      %swap3A_76 = arith.constant 112 : index
      %swap3A_77 = tpu.vector_load %arg10[%swap3A_75, %swap3A_76] {strides = array<i32>} : memref<8x128xf32, #tpu.memory_space<vmem>>, vector<1x16xf32>,
      %swap3A_78 = vector.shape_cast %swap3A_77 : vector<1x16xf32> to vector<16xf32>
      %swap3A_79 = vector.shape_cast %broadcast_in_dim3A_74 : vector<16xf32> to vector<1x16xf32>
      tpu.vector_store %arg10[%swap3A_75, %swap3A_76], %swap3A_79 {strides = array<i32>} : memref<8x128xf32, #tpu.memory_space<vmem>>, vector<1x16xf32>,
    }
    %scan3A_7 = arith.constant 8 : i32
    %scan3A_8 = arith.constant 0 : i32
    %scan3A_9 = arith.constant 0 : i32
    %scan3A_10 = arith.constant 80 : i32
    %scan3A_11 = arith.addi %scan3A_9, %scan3A_10 : i32
    %scan3A_12 = arith.constant 1 : i32
    scf.for %scan3A_25 = %scan3A_9 to %scan3A_11 step %scan3A_12  : i32 {
      %mul3A_26 = arith.constant 80 : i32
      %mul3A_27 = arith.muli %arg1, %mul3A_26 : i32
      %add3A_28 = arith.addi %mul3A_27, %scan3A_25 : i32
      %mul3A_29 = arith.constant 8 : i32
      %mul3A_30 = arith.muli %add3A_28, %mul3A_29 : i32
      "tpu.region"() ({
        %run_scoped3A = tpu.sem_alloc : memref<!tpu.dma_semaphore, #tpu.memory_space<semaphore_mem>>
        %dma_start3A = arith.constant 0 : i32
        %dma_start3A_31 = tpu.memref_slice %arg11[%mul3A_30, %dma_start3A] : memref<10240x128xf32, #tpu.memory_space<vmem_shared>> -> memref<8x128xf32, #tpu.memory_space<vmem_shared>>
        %dma_start3A_32 = arith.constant 0 : i32
        %dma_start3A_33 = tpu.memref_slice %arg11[%mul3A_30, %dma_start3A_32] : memref<10240x128xf32, #tpu.memory_space<vmem_shared>> -> memref<8x128xf32, #tpu.memory_space<vmem_shared>>
        tpu.enqueue_dma source(%arg10 : memref<8x128xf32, #tpu.memory_space<vmem>>) target(%dma_start3A_33 : memref<8x128xf32, #tpu.memory_space<vmem_shared>>) target_semaphore(%run_scoped3A : memref<!tpu.dma_semaphore, #tpu.memory_space<semaphore_mem>>)
        %dma_wait3A = arith.constant 0 : i32
        %dma_wait3A_34 = tpu.memref_slice %arg11[%mul3A_30, %dma_wait3A] : memref<10240x128xf32, #tpu.memory_space<vmem_shared>> -> memref<8x128xf32, #tpu.memory_space<vmem_shared>>
        %dma_wait3A_35 = arith.constant 0 : i32
        %dma_wait3A_36 = tpu.memref_slice %arg11[%mul3A_30, %dma_wait3A_35] : memref<10240x128xf32, #tpu.memory_space<vmem_shared>> -> memref<8x128xf32, #tpu.memory_space<vmem_shared>>
        tpu.wait_dma2 semaphore(%run_scoped3A : memref<!tpu.dma_semaphore, #tpu.memory_space<semaphore_mem>>) src(%arg10 : memref<8x128xf32, #tpu.memory_space<vmem>>) dst(%dma_wait3A_36 : memref<8x128xf32, #tpu.memory_space<vmem_shared>>)
        tpu.yield
      }) : () -> ()
    }
    %scan3A_13 = arith.constant 80 : i32
    %barrier3A = arith.constant 0 : index
    tpu.barrier barrier_id(%barrier3A)
    %scan3A_14 = arith.constant 0 : i32
    %scan3A_15 = arith.constant 0 : i32
    %scan3A_16 = arith.constant 5 : i32
    %scan3A_17 = arith.addi %scan3A_15, %scan3A_16 : i32
    %scan3A_18 = arith.constant 1 : i32
    scf.for %scan3A_25 = %scan3A_15 to %scan3A_17 step %scan3A_18  : i32 {
      %mul3A_26 = arith.constant 32 : i32
      %mul3A_27 = arith.muli %scan3A_25, %mul3A_26 : i32
      %add3A_28 = arith.addi %mul3A_2, %mul3A_27 : i32
      "tpu.region"() ({
        %run_scoped3A = tpu.sem_alloc : memref<!tpu.dma_semaphore, #tpu.memory_space<semaphore_mem>>
        %dma_start3A_44 = arith.constant 0 : i32
        %dma_start3A_45 = tpu.memref_slice %arg3[%add3A_28, %dma_start3A_44] : memref<5120x128xi32, #tpu.memory_space<hbm>> -> memref<32x128xi32, #tpu.memory_space<hbm>>
        %dma_start3A_46 = arith.constant 0 : i32
        %dma_start3A_47 = tpu.memref_slice %arg3[%add3A_28, %dma_start3A_46] : memref<5120x128xi32, #tpu.memory_space<hbm>> -> memref<32x128xi32, #tpu.memory_space<hbm>>
        tpu.enqueue_dma source(%dma_start3A_47 : memref<32x128xi32, #tpu.memory_space<hbm>>) target(%arg6 : memref<32x128xi32, #tpu.memory_space<vmem>>) target_semaphore(%run_scoped3A : memref<!tpu.dma_semaphore, #tpu.memory_space<semaphore_mem>>)
        %dma_wait3A = arith.constant 0 : i32
        %dma_wait3A_48 = tpu.memref_slice %arg3[%add3A_28, %dma_wait3A] : memref<5120x128xi32, #tpu.memory_space<hbm>> -> memref<32x128xi32, #tpu.memory_space<hbm>>
        %dma_wait3A_49 = arith.constant 0 : i32
        %dma_wait3A_50 = tpu.memref_slice %arg3[%add3A_28, %dma_wait3A_49] : memref<5120x128xi32, #tpu.memory_space<hbm>> -> memref<32x128xi32, #tpu.memory_space<hbm>>
        tpu.wait_dma2 semaphore(%run_scoped3A : memref<!tpu.dma_semaphore, #tpu.memory_space<semaphore_mem>>) src(%dma_wait3A_50 : memref<32x128xi32, #tpu.memory_space<hbm>>) dst(%arg6 : memref<32x128xi32, #tpu.memory_space<vmem>>)
        tpu.yield
      }) : () -> ()
      %mul3A_29 = arith.constant 32 : i32
      %mul3A_30 = arith.muli %scan3A_25, %mul3A_29 : i32
      %add3A_31 = arith.addi %mul3A_2, %mul3A_30 : i32
      "tpu.region"() ({
        %run_scoped3A = tpu.sem_alloc : memref<!tpu.dma_semaphore, #tpu.memory_space<semaphore_mem>>
        %dma_start3A_44 = arith.constant 0 : i32
        %dma_start3A_45 = tpu.memref_slice %arg4[%add3A_31, %dma_start3A_44] : memref<5120x128xi32, #tpu.memory_space<hbm>> -> memref<32x128xi32, #tpu.memory_space<hbm>>
        %dma_start3A_46 = arith.constant 0 : i32
        %dma_start3A_47 = tpu.memref_slice %arg4[%add3A_31, %dma_start3A_46] : memref<5120x128xi32, #tpu.memory_space<hbm>> -> memref<32x128xi32, #tpu.memory_space<hbm>>
        tpu.enqueue_dma source(%dma_start3A_47 : memref<32x128xi32, #tpu.memory_space<hbm>>) target(%arg7 : memref<32x128xi32, #tpu.memory_space<vmem>>) target_semaphore(%run_scoped3A : memref<!tpu.dma_semaphore, #tpu.memory_space<semaphore_mem>>)
        %dma_wait3A = arith.constant 0 : i32
        %dma_wait3A_48 = tpu.memref_slice %arg4[%add3A_31, %dma_wait3A] : memref<5120x128xi32, #tpu.memory_space<hbm>> -> memref<32x128xi32, #tpu.memory_space<hbm>>
        %dma_wait3A_49 = arith.constant 0 : i32
        %dma_wait3A_50 = tpu.memref_slice %arg4[%add3A_31, %dma_wait3A_49] : memref<5120x128xi32, #tpu.memory_space<hbm>> -> memref<32x128xi32, #tpu.memory_space<hbm>>
        tpu.wait_dma2 semaphore(%run_scoped3A : memref<!tpu.dma_semaphore, #tpu.memory_space<semaphore_mem>>) src(%dma_wait3A_50 : memref<32x128xi32, #tpu.memory_space<hbm>>) dst(%arg7 : memref<32x128xi32, #tpu.memory_space<vmem>>)
        tpu.yield
      }) : () -> ()
      %dma_start3A = arith.constant 0 : i32
      %dma_start3A_32 = arith.constant 0 : i32
      %dma_start3A_33 = tpu.memref_slice %arg6[%dma_start3A, %dma_start3A_32] : memref<32x128xi32, #tpu.memory_space<vmem>> -> memref<1x128xi32, #tpu.memory_space<vmem>>
      %dma_start3A_34 = tpu.memref_squeeze %dma_start3A_33 : memref<1x128xi32, #tpu.memory_space<vmem>> -> memref<128xi32, #tpu.memory_space<vmem>>
      %dma_start3A_35 = arith.constant 0 : i32
      %dma_start3A_36 = arith.constant 0 : i32
      %dma_start3A_37 = tpu.memref_slice %arg2[%dma_start3A_35, %dma_start3A_36] : memref<10240x128xf32, #tpu.memory_space<hbm>> -> memref<10240x128xf32, #tpu.memory_space<hbm>>
      tpu.enqueue_indirect_dma source(%dma_start3A_37 : memref<10240x128xf32, #tpu.memory_space<hbm>>) target(%arg8 : memref<128x128xf32, #tpu.memory_space<vmem>>) offsets(%dma_start3A_34 : memref<128xi32, #tpu.memory_space<vmem>>) semaphore(%arg12 : memref<!tpu.dma_semaphore, #tpu.memory_space<semaphore_mem>>)
      %scan3A_38 = arith.constant 0 : i32
      %scan3A_39 = arith.constant 0 : i32
      %scan3A_40 = arith.constant 16 : i32
      %scan3A_41 = arith.addi %scan3A_39, %scan3A_40 : i32
      %scan3A_42 = arith.constant 1 : i32
      scf.for %scan3A_44 = %scan3A_39 to %scan3A_41 step %scan3A_42  : i32 {
        %mul3A_45 = arith.constant 2 : i32
        %mul3A_46 = arith.muli %mul3A_45, %scan3A_44 : i32
        %add3A_47 = arith.constant 1 : i32
        %add3A_48 = arith.addi %mul3A_46, %add3A_47 : i32
        %dma_start3A_49 = arith.constant 0 : i32
        %dma_start3A_50 = tpu.memref_slice %arg6[%add3A_48, %dma_start3A_49] : memref<32x128xi32, #tpu.memory_space<vmem>> -> memref<1x128xi32, #tpu.memory_space<vmem>>
        %dma_start3A_51 = tpu.memref_squeeze %dma_start3A_50 : memref<1x128xi32, #tpu.memory_space<vmem>> -> memref<128xi32, #tpu.memory_space<vmem>>
        %dma_start3A_52 = arith.constant 0 : i32
        %dma_start3A_53 = arith.constant 0 : i32
        %dma_start3A_54 = tpu.memref_slice %arg2[%dma_start3A_52, %dma_start3A_53] : memref<10240x128xf32, #tpu.memory_space<hbm>> -> memref<10240x128xf32, #tpu.memory_space<hbm>>
        tpu.enqueue_indirect_dma source(%dma_start3A_54 : memref<10240x128xf32, #tpu.memory_space<hbm>>) target(%arg9 : memref<128x128xf32, #tpu.memory_space<vmem>>) offsets(%dma_start3A_51 : memref<128xi32, #tpu.memory_space<vmem>>) semaphore(%arg13 : memref<!tpu.dma_semaphore, #tpu.memory_space<semaphore_mem>>)
        %dma_wait3A = arith.constant 0 : i32
        %dma_wait3A_55 = tpu.memref_slice %arg6[%mul3A_46, %dma_wait3A] : memref<32x128xi32, #tpu.memory_space<vmem>> -> memref<1x128xi32, #tpu.memory_space<vmem>>
        %dma_wait3A_56 = tpu.memref_squeeze %dma_wait3A_55 : memref<1x128xi32, #tpu.memory_space<vmem>> -> memref<128xi32, #tpu.memory_space<vmem>>
        %dma_wait3A_57 = arith.constant 0 : i32
        %dma_wait3A_58 = arith.constant 0 : i32
        %dma_wait3A_59 = tpu.memref_slice %arg2[%dma_wait3A_57, %dma_wait3A_58] : memref<10240x128xf32, #tpu.memory_space<hbm>> -> memref<10240x128xf32, #tpu.memory_space<hbm>>
        tpu.wait_indirect_dma semaphore(%arg12 : memref<!tpu.dma_semaphore, #tpu.memory_space<semaphore_mem>>) src(%dma_wait3A_59 : memref<10240x128xf32, #tpu.memory_space<hbm>>) dst(%arg8 : memref<128x128xf32, #tpu.memory_space<vmem>>)
        "tpu.region"() ({
          %run_scoped3A = tpu.sem_alloc : memref<!tpu.dma_semaphore, #tpu.memory_space<semaphore_mem>>
          %dma_start3A_72 = arith.constant 0 : i32
          %dma_start3A_73 = tpu.memref_slice %arg7[%mul3A_46, %dma_start3A_72] : memref<32x128xi32, #tpu.memory_space<vmem>> -> memref<1x128xi32, #tpu.memory_space<vmem>>
          %dma_start3A_74 = tpu.memref_squeeze %dma_start3A_73 : memref<1x128xi32, #tpu.memory_space<vmem>> -> memref<128xi32, #tpu.memory_space<vmem>>
          %dma_start3A_75 = arith.constant 0 : i32
          %dma_start3A_76 = arith.constant 0 : i32
          %dma_start3A_77 = tpu.memref_slice %arg11[%dma_start3A_75, %dma_start3A_76] : memref<10240x128xf32, #tpu.memory_space<vmem_shared>> -> memref<10240x128xf32, #tpu.memory_space<vmem_shared>>
          tpu.enqueue_indirect_dma source(%arg8 : memref<128x128xf32, #tpu.memory_space<vmem>>) target(%dma_start3A_77 : memref<10240x128xf32, #tpu.memory_space<vmem_shared>>) offsets(%dma_start3A_74 : memref<128xi32, #tpu.memory_space<vmem>>) semaphore(%run_scoped3A : memref<!tpu.dma_semaphore, #tpu.memory_space<semaphore_mem>>) {add = true}
          %dma_wait3A_78 = arith.constant 0 : i32
          %dma_wait3A_79 = tpu.memref_slice %arg7[%mul3A_46, %dma_wait3A_78] : memref<32x128xi32, #tpu.memory_space<vmem>> -> memref<1x128xi32, #tpu.memory_space<vmem>>
          %dma_wait3A_80 = tpu.memref_squeeze %dma_wait3A_79 : memref<1x128xi32, #tpu.memory_space<vmem>> -> memref<128xi32, #tpu.memory_space<vmem>>
          %dma_wait3A_81 = arith.constant 0 : i32
          %dma_wait3A_82 = arith.constant 0 : i32
          %dma_wait3A_83 = tpu.memref_slice %arg11[%dma_wait3A_81, %dma_wait3A_82] : memref<10240x128xf32, #tpu.memory_space<vmem_shared>> -> memref<10240x128xf32, #tpu.memory_space<vmem_shared>>
          tpu.wait_indirect_dma semaphore(%run_scoped3A : memref<!tpu.dma_semaphore, #tpu.memory_space<semaphore_mem>>) src(%arg8 : memref<128x128xf32, #tpu.memory_space<vmem>>) dst(%dma_wait3A_83 : memref<10240x128xf32, #tpu.memory_space<vmem_shared>>)
          tpu.yield
        }) : () -> ()
        %lt3A = arith.constant 15 : i32
        %lt3A_60 = arith.cmpi slt, %scan3A_44, %lt3A : i32
        %convert_element_type3A = arith.extui %lt3A_60 : i1 to i32
        %cond3A = arith.constant 0 : i32
        %cond3A_61 = arith.cmpi ne, %convert_element_type3A, %cond3A : i32
        scf.if %cond3A_61 {
          %add3A_72 = arith.constant 2 : i32
          %add3A_73 = arith.addi %mul3A_46, %add3A_72 : i32
          %dma_start3A_74 = arith.constant 0 : i32
          %dma_start3A_75 = tpu.memref_slice %arg6[%add3A_73, %dma_start3A_74] : memref<32x128xi32, #tpu.memory_space<vmem>> -> memref<1x128xi32, #tpu.memory_space<vmem>>
          %dma_start3A_76 = tpu.memref_squeeze %dma_start3A_75 : memref<1x128xi32, #tpu.memory_space<vmem>> -> memref<128xi32, #tpu.memory_space<vmem>>
          %dma_start3A_77 = arith.constant 0 : i32
          %dma_start3A_78 = arith.constant 0 : i32
          %dma_start3A_79 = tpu.memref_slice %arg2[%dma_start3A_77, %dma_start3A_78] : memref<10240x128xf32, #tpu.memory_space<hbm>> -> memref<10240x128xf32, #tpu.memory_space<hbm>>
          tpu.enqueue_indirect_dma source(%dma_start3A_79 : memref<10240x128xf32, #tpu.memory_space<hbm>>) target(%arg8 : memref<128x128xf32, #tpu.memory_space<vmem>>) offsets(%dma_start3A_76 : memref<128xi32, #tpu.memory_space<vmem>>) semaphore(%arg12 : memref<!tpu.dma_semaphore, #tpu.memory_space<semaphore_mem>>)
        } else {
        }
        %add3A_62 = arith.constant 1 : i32
        %add3A_63 = arith.addi %mul3A_46, %add3A_62 : i32
        %dma_wait3A_64 = arith.constant 0 : i32
        %dma_wait3A_65 = tpu.memref_slice %arg6[%add3A_63, %dma_wait3A_64] : memref<32x128xi32, #tpu.memory_space<vmem>> -> memref<1x128xi32, #tpu.memory_space<vmem>>
        %dma_wait3A_66 = tpu.memref_squeeze %dma_wait3A_65 : memref<1x128xi32, #tpu.memory_space<vmem>> -> memref<128xi32, #tpu.memory_space<vmem>>
        %dma_wait3A_67 = arith.constant 0 : i32
        %dma_wait3A_68 = arith.constant 0 : i32
        %dma_wait3A_69 = tpu.memref_slice %arg2[%dma_wait3A_67, %dma_wait3A_68] : memref<10240x128xf32, #tpu.memory_space<hbm>> -> memref<10240x128xf32, #tpu.memory_space<hbm>>
        tpu.wait_indirect_dma semaphore(%arg13 : memref<!tpu.dma_semaphore, #tpu.memory_space<semaphore_mem>>) src(%dma_wait3A_69 : memref<10240x128xf32, #tpu.memory_space<hbm>>) dst(%arg9 : memref<128x128xf32, #tpu.memory_space<vmem>>)
        %add3A_70 = arith.constant 1 : i32
        %add3A_71 = arith.addi %mul3A_46, %add3A_70 : i32
        "tpu.region"() ({
          %run_scoped3A = tpu.sem_alloc : memref<!tpu.dma_semaphore, #tpu.memory_space<semaphore_mem>>
          %dma_start3A_72 = arith.constant 0 : i32
          %dma_start3A_73 = tpu.memref_slice %arg7[%add3A_71, %dma_start3A_72] : memref<32x128xi32, #tpu.memory_space<vmem>> -> memref<1x128xi32, #tpu.memory_space<vmem>>
          %dma_start3A_74 = tpu.memref_squeeze %dma_start3A_73 : memref<1x128xi32, #tpu.memory_space<vmem>> -> memref<128xi32, #tpu.memory_space<vmem>>
          %dma_start3A_75 = arith.constant 0 : i32
          %dma_start3A_76 = arith.constant 0 : i32
          %dma_start3A_77 = tpu.memref_slice %arg11[%dma_start3A_75, %dma_start3A_76] : memref<10240x128xf32, #tpu.memory_space<vmem_shared>> -> memref<10240x128xf32, #tpu.memory_space<vmem_shared>>
          tpu.enqueue_indirect_dma source(%arg9 : memref<128x128xf32, #tpu.memory_space<vmem>>) target(%dma_start3A_77 : memref<10240x128xf32, #tpu.memory_space<vmem_shared>>) offsets(%dma_start3A_74 : memref<128xi32, #tpu.memory_space<vmem>>) semaphore(%run_scoped3A : memref<!tpu.dma_semaphore, #tpu.memory_space<semaphore_mem>>) {add = true}
          %dma_wait3A_78 = arith.constant 0 : i32
          %dma_wait3A_79 = tpu.memref_slice %arg7[%add3A_71, %dma_wait3A_78] : memref<32x128xi32, #tpu.memory_space<vmem>> -> memref<1x128xi32, #tpu.memory_space<vmem>>
          %dma_wait3A_80 = tpu.memref_squeeze %dma_wait3A_79 : memref<1x128xi32, #tpu.memory_space<vmem>> -> memref<128xi32, #tpu.memory_space<vmem>>
          %dma_wait3A_81 = arith.constant 0 : i32
          %dma_wait3A_82 = arith.constant 0 : i32
          %dma_wait3A_83 = tpu.memref_slice %arg11[%dma_wait3A_81, %dma_wait3A_82] : memref<10240x128xf32, #tpu.memory_space<vmem_shared>> -> memref<10240x128xf32, #tpu.memory_space<vmem_shared>>
          tpu.wait_indirect_dma semaphore(%run_scoped3A : memref<!tpu.dma_semaphore, #tpu.memory_space<semaphore_mem>>) src(%arg9 : memref<128x128xf32, #tpu.memory_space<vmem>>) dst(%dma_wait3A_83 : memref<10240x128xf32, #tpu.memory_space<vmem_shared>>)
          tpu.yield
        }) : () -> ()
      }
      %scan3A_43 = arith.constant 16 : i32
    }
    %scan3A_19 = arith.constant 5 : i32
    %barrier3A_20 = arith.constant 0 : index
    tpu.barrier barrier_id(%barrier3A_20)
    %mul3A_21 = arith.constant 640 : i32
    %mul3A_22 = arith.muli %arg1, %mul3A_21 : i32
    %mul3A_23 = arith.constant 640 : i32
    %mul3A_24 = arith.muli %arg1, %mul3A_23 : i32
    "tpu.region"() ({
      %run_scoped3A = tpu.sem_alloc : memref<!tpu.dma_semaphore, #tpu.memory_space<semaphore_mem>>
      %dma_start3A = arith.constant 0 : i32
      %dma_start3A_25 = tpu.memref_slice %arg5[%arg0, %mul3A_24, %dma_start3A] : memref<2x10240x128xf32, #tpu.memory_space<hbm>> -> memref<1x640x128xf32, #tpu.memory_space<hbm>>
      %dma_start3A_26 = tpu.memref_squeeze %dma_start3A_25 : memref<1x640x128xf32, #tpu.memory_space<hbm>> -> memref<640x128xf32, #tpu.memory_space<hbm>>
      %dma_start3A_27 = arith.constant 0 : i32
      %dma_start3A_28 = tpu.memref_slice %arg11[%mul3A_22, %dma_start3A_27] : memref<10240x128xf32, #tpu.memory_space<vmem_shared>> -> memref<640x128xf32, #tpu.memory_space<vmem_shared>>
      tpu.enqueue_dma source(%dma_start3A_28 : memref<640x128xf32, #tpu.memory_space<vmem_shared>>) target(%dma_start3A_26 : memref<640x128xf32, #tpu.memory_space<hbm>>) target_semaphore(%run_scoped3A : memref<!tpu.dma_semaphore, #tpu.memory_space<semaphore_mem>>)
      %dma_wait3A = arith.constant 0 : i32
      %dma_wait3A_29 = tpu.memref_slice %arg5[%arg0, %mul3A_24, %dma_wait3A] : memref<2x10240x128xf32, #tpu.memory_space<hbm>> -> memref<1x640x128xf32, #tpu.memory_space<hbm>>
      %dma_wait3A_30 = tpu.memref_squeeze %dma_wait3A_29 : memref<1x640x128xf32, #tpu.memory_space<hbm>> -> memref<640x128xf32, #tpu.memory_space<hbm>>
      %dma_wait3A_31 = arith.constant 0 : i32
      %dma_wait3A_32 = tpu.memref_slice %arg11[%mul3A_22, %dma_wait3A_31] : memref<10240x128xf32, #tpu.memory_space<vmem_shared>> -> memref<640x128xf32, #tpu.memory_space<vmem_shared>>
      tpu.wait_dma2 semaphore(%run_scoped3A : memref<!tpu.dma_semaphore, #tpu.memory_space<semaphore_mem>>) src(%dma_wait3A_32 : memref<640x128xf32, #tpu.memory_space<vmem_shared>>) dst(%dma_wait3A_30 : memref<640x128xf32, #tpu.memory_space<hbm>>)
      tpu.yield
    }) : () -> ()
    return
  }
}

#map = affine_map<(d0, d1) -> (0, 0, 0)>
#map1 = affine_map<(d0, d1) -> (0, 0)>
module attributes {stable_mosaic.version = 14 : i64} {
  func.func @agg_kernel(%arg0: i32, %arg1: i32, %arg2: memref<2x10240x128xf32, #tpu.memory_space<hbm>>, %arg3: memref<5120x128xi32, #tpu.memory_space<hbm>>, %arg4: memref<5120x128xi32, #tpu.memory_space<hbm>>, %arg5: memref<2x10240x128xf32, #tpu.memory_space<hbm>>, %arg6: memref<32x128xi32, #tpu.memory_space<vmem>>, %arg7: memref<32x128xi32, #tpu.memory_space<vmem>>, %arg8: memref<128x128xf32, #tpu.memory_space<vmem>>, %arg9: memref<128x128xf32, #tpu.memory_space<vmem>>, %arg10: memref<8x128xf32, #tpu.memory_space<vmem>>, %arg11: memref<10240x128xf32, #tpu.memory_space<vmem_shared>>, %arg12: memref<!tpu.dma_semaphore, #tpu.memory_space<semaphore_mem>>, %arg13: memref<!tpu.dma_semaphore, #tpu.memory_space<semaphore_mem>>) attributes {dimension_semantics = [#tpu.dimension_semantics<core_parallel>, #tpu.dimension_semantics<subcore_parallel>], iteration_bounds = array<i64: 2, 16>, scalar_prefetch = 0 : i64, scratch_operands = 8 : i64, tpu.core_type = #tpu.core_type<sc_vector_subcore>, window_params = [{transform_indices = #map}, {transform_indices = #map1}, {transform_indices = #map1}, {transform_indices = #map}]} {
    %mul3A = arith.constant 320 : i32
    %mul3A_0 = arith.muli %arg1, %mul3A : i32
    %scan3A = arith.constant 0 : i32
    %scan3A_1 = arith.constant 0 : i32
    %scan3A_2 = arith.constant 8 : i32
    %scan3A_3 = arith.addi %scan3A_1, %scan3A_2 : i32
    %scan3A_4 = arith.constant 1 : i32
    scf.for %scan3A_23 = %scan3A_1 to %scan3A_3 step %scan3A_4  : i32 {
      %broadcast_in_dim3A = arith.constant 0.000000e+00 : f32
      %broadcast_in_dim3A_24 = vector.broadcast %broadcast_in_dim3A : f32 to vector<16xf32>
      %swap3A = arith.index_cast %scan3A_23 : i32 to index
      %swap3A_25 = arith.constant 0 : index
      %swap3A_26 = tpu.vector_load %arg10[%swap3A, %swap3A_25] {strides = array<i32>} : memref<8x128xf32, #tpu.memory_space<vmem>>, vector<1x16xf32>,
      %swap3A_27 = vector.shape_cast %swap3A_26 : vector<1x16xf32> to vector<16xf32>
      %swap3A_28 = vector.shape_cast %broadcast_in_dim3A_24 : vector<16xf32> to vector<1x16xf32>
      tpu.vector_store %arg10[%swap3A, %swap3A_25], %swap3A_28 {strides = array<i32>} : memref<8x128xf32, #tpu.memory_space<vmem>>, vector<1x16xf32>,
      %broadcast_in_dim3A_29 = arith.constant 0.000000e+00 : f32
      %broadcast_in_dim3A_30 = vector.broadcast %broadcast_in_dim3A_29 : f32 to vector<16xf32>
      %swap3A_31 = arith.index_cast %scan3A_23 : i32 to index
      %swap3A_32 = arith.constant 16 : index
      %swap3A_33 = tpu.vector_load %arg10[%swap3A_31, %swap3A_32] {strides = array<i32>} : memref<8x128xf32, #tpu.memory_space<vmem>>, vector<1x16xf32>,
      %swap3A_34 = vector.shape_cast %swap3A_33 : vector<1x16xf32> to vector<16xf32>
      %swap3A_35 = vector.shape_cast %broadcast_in_dim3A_30 : vector<16xf32> to vector<1x16xf32>
      tpu.vector_store %arg10[%swap3A_31, %swap3A_32], %swap3A_35 {strides = array<i32>} : memref<8x128xf32, #tpu.memory_space<vmem>>, vector<1x16xf32>,
      %broadcast_in_dim3A_36 = arith.constant 0.000000e+00 : f32
      %broadcast_in_dim3A_37 = vector.broadcast %broadcast_in_dim3A_36 : f32 to vector<16xf32>
      %swap3A_38 = arith.index_cast %scan3A_23 : i32 to index
      %swap3A_39 = arith.constant 32 : index
      %swap3A_40 = tpu.vector_load %arg10[%swap3A_38, %swap3A_39] {strides = array<i32>} : memref<8x128xf32, #tpu.memory_space<vmem>>, vector<1x16xf32>,
      %swap3A_41 = vector.shape_cast %swap3A_40 : vector<1x16xf32> to vector<16xf32>
      %swap3A_42 = vector.shape_cast %broadcast_in_dim3A_37 : vector<16xf32> to vector<1x16xf32>
      tpu.vector_store %arg10[%swap3A_38, %swap3A_39], %swap3A_42 {strides = array<i32>} : memref<8x128xf32, #tpu.memory_space<vmem>>, vector<1x16xf32>,
      %broadcast_in_dim3A_43 = arith.constant 0.000000e+00 : f32
      %broadcast_in_dim3A_44 = vector.broadcast %broadcast_in_dim3A_43 : f32 to vector<16xf32>
      %swap3A_45 = arith.index_cast %scan3A_23 : i32 to index
      %swap3A_46 = arith.constant 48 : index
      %swap3A_47 = tpu.vector_load %arg10[%swap3A_45, %swap3A_46] {strides = array<i32>} : memref<8x128xf32, #tpu.memory_space<vmem>>, vector<1x16xf32>,
      %swap3A_48 = vector.shape_cast %swap3A_47 : vector<1x16xf32> to vector<16xf32>
      %swap3A_49 = vector.shape_cast %broadcast_in_dim3A_44 : vector<16xf32> to vector<1x16xf32>
      tpu.vector_store %arg10[%swap3A_45, %swap3A_46], %swap3A_49 {strides = array<i32>} : memref<8x128xf32, #tpu.memory_space<vmem>>, vector<1x16xf32>,
      %broadcast_in_dim3A_50 = arith.constant 0.000000e+00 : f32
      %broadcast_in_dim3A_51 = vector.broadcast %broadcast_in_dim3A_50 : f32 to vector<16xf32>
      %swap3A_52 = arith.index_cast %scan3A_23 : i32 to index
      %swap3A_53 = arith.constant 64 : index
      %swap3A_54 = tpu.vector_load %arg10[%swap3A_52, %swap3A_53] {strides = array<i32>} : memref<8x128xf32, #tpu.memory_space<vmem>>, vector<1x16xf32>,
      %swap3A_55 = vector.shape_cast %swap3A_54 : vector<1x16xf32> to vector<16xf32>
      %swap3A_56 = vector.shape_cast %broadcast_in_dim3A_51 : vector<16xf32> to vector<1x16xf32>
      tpu.vector_store %arg10[%swap3A_52, %swap3A_53], %swap3A_56 {strides = array<i32>} : memref<8x128xf32, #tpu.memory_space<vmem>>, vector<1x16xf32>,
      %broadcast_in_dim3A_57 = arith.constant 0.000000e+00 : f32
      %broadcast_in_dim3A_58 = vector.broadcast %broadcast_in_dim3A_57 : f32 to vector<16xf32>
      %swap3A_59 = arith.index_cast %scan3A_23 : i32 to index
      %swap3A_60 = arith.constant 80 : index
      %swap3A_61 = tpu.vector_load %arg10[%swap3A_59, %swap3A_60] {strides = array<i32>} : memref<8x128xf32, #tpu.memory_space<vmem>>, vector<1x16xf32>,
      %swap3A_62 = vector.shape_cast %swap3A_61 : vector<1x16xf32> to vector<16xf32>
      %swap3A_63 = vector.shape_cast %broadcast_in_dim3A_58 : vector<16xf32> to vector<1x16xf32>
      tpu.vector_store %arg10[%swap3A_59, %swap3A_60], %swap3A_63 {strides = array<i32>} : memref<8x128xf32, #tpu.memory_space<vmem>>, vector<1x16xf32>,
      %broadcast_in_dim3A_64 = arith.constant 0.000000e+00 : f32
      %broadcast_in_dim3A_65 = vector.broadcast %broadcast_in_dim3A_64 : f32 to vector<16xf32>
      %swap3A_66 = arith.index_cast %scan3A_23 : i32 to index
      %swap3A_67 = arith.constant 96 : index
      %swap3A_68 = tpu.vector_load %arg10[%swap3A_66, %swap3A_67] {strides = array<i32>} : memref<8x128xf32, #tpu.memory_space<vmem>>, vector<1x16xf32>,
      %swap3A_69 = vector.shape_cast %swap3A_68 : vector<1x16xf32> to vector<16xf32>
      %swap3A_70 = vector.shape_cast %broadcast_in_dim3A_65 : vector<16xf32> to vector<1x16xf32>
      tpu.vector_store %arg10[%swap3A_66, %swap3A_67], %swap3A_70 {strides = array<i32>} : memref<8x128xf32, #tpu.memory_space<vmem>>, vector<1x16xf32>,
      %broadcast_in_dim3A_71 = arith.constant 0.000000e+00 : f32
      %broadcast_in_dim3A_72 = vector.broadcast %broadcast_in_dim3A_71 : f32 to vector<16xf32>
      %swap3A_73 = arith.index_cast %scan3A_23 : i32 to index
      %swap3A_74 = arith.constant 112 : index
      %swap3A_75 = tpu.vector_load %arg10[%swap3A_73, %swap3A_74] {strides = array<i32>} : memref<8x128xf32, #tpu.memory_space<vmem>>, vector<1x16xf32>,
      %swap3A_76 = vector.shape_cast %swap3A_75 : vector<1x16xf32> to vector<16xf32>
      %swap3A_77 = vector.shape_cast %broadcast_in_dim3A_72 : vector<16xf32> to vector<1x16xf32>
      tpu.vector_store %arg10[%swap3A_73, %swap3A_74], %swap3A_77 {strides = array<i32>} : memref<8x128xf32, #tpu.memory_space<vmem>>, vector<1x16xf32>,
    }
    %scan3A_5 = arith.constant 8 : i32
    %scan3A_6 = arith.constant 0 : i32
    %scan3A_7 = arith.constant 0 : i32
    %scan3A_8 = arith.constant 80 : i32
    %scan3A_9 = arith.addi %scan3A_7, %scan3A_8 : i32
    %scan3A_10 = arith.constant 1 : i32
    scf.for %scan3A_23 = %scan3A_7 to %scan3A_9 step %scan3A_10  : i32 {
      %mul3A_24 = arith.constant 80 : i32
      %mul3A_25 = arith.muli %arg1, %mul3A_24 : i32
      %add3A = arith.addi %mul3A_25, %scan3A_23 : i32
      %mul3A_26 = arith.constant 8 : i32
      %mul3A_27 = arith.muli %add3A, %mul3A_26 : i32
      "tpu.region"() ({
        %run_scoped3A = tpu.sem_alloc : memref<!tpu.dma_semaphore, #tpu.memory_space<semaphore_mem>>
        %dma_start3A = arith.constant 0 : i32
        %dma_start3A_28 = tpu.memref_slice %arg11[%mul3A_27, %dma_start3A] : memref<10240x128xf32, #tpu.memory_space<vmem_shared>> -> memref<8x128xf32, #tpu.memory_space<vmem_shared>>
        %dma_start3A_29 = arith.constant 0 : i32
        %dma_start3A_30 = tpu.memref_slice %arg11[%mul3A_27, %dma_start3A_29] : memref<10240x128xf32, #tpu.memory_space<vmem_shared>> -> memref<8x128xf32, #tpu.memory_space<vmem_shared>>
        tpu.enqueue_dma source(%arg10 : memref<8x128xf32, #tpu.memory_space<vmem>>) target(%dma_start3A_30 : memref<8x128xf32, #tpu.memory_space<vmem_shared>>) target_semaphore(%run_scoped3A : memref<!tpu.dma_semaphore, #tpu.memory_space<semaphore_mem>>)
        %dma_wait3A = arith.constant 0 : i32
        %dma_wait3A_31 = tpu.memref_slice %arg11[%mul3A_27, %dma_wait3A] : memref<10240x128xf32, #tpu.memory_space<vmem_shared>> -> memref<8x128xf32, #tpu.memory_space<vmem_shared>>
        %dma_wait3A_32 = arith.constant 0 : i32
        %dma_wait3A_33 = tpu.memref_slice %arg11[%mul3A_27, %dma_wait3A_32] : memref<10240x128xf32, #tpu.memory_space<vmem_shared>> -> memref<8x128xf32, #tpu.memory_space<vmem_shared>>
        tpu.wait_dma2 semaphore(%run_scoped3A : memref<!tpu.dma_semaphore, #tpu.memory_space<semaphore_mem>>) src(%arg10 : memref<8x128xf32, #tpu.memory_space<vmem>>) dst(%dma_wait3A_33 : memref<8x128xf32, #tpu.memory_space<vmem_shared>>)
        tpu.yield
      }) : () -> ()
    }
    %scan3A_11 = arith.constant 80 : i32
    %barrier3A = arith.constant 0 : index
    tpu.barrier barrier_id(%barrier3A)
    %scan3A_12 = arith.constant 0 : i32
    %scan3A_13 = arith.constant 0 : i32
    %scan3A_14 = arith.constant 10 : i32
    %scan3A_15 = arith.addi %scan3A_13, %scan3A_14 : i32
    %scan3A_16 = arith.constant 1 : i32
    scf.for %scan3A_23 = %scan3A_13 to %scan3A_15 step %scan3A_16  : i32 {
      %mul3A_24 = arith.constant 32 : i32
      %mul3A_25 = arith.muli %scan3A_23, %mul3A_24 : i32
      %add3A = arith.addi %mul3A_0, %mul3A_25 : i32
      "tpu.region"() ({
        %run_scoped3A = tpu.sem_alloc : memref<!tpu.dma_semaphore, #tpu.memory_space<semaphore_mem>>
        %dma_start3A_45 = arith.constant 0 : i32
        %dma_start3A_46 = tpu.memref_slice %arg3[%add3A, %dma_start3A_45] : memref<5120x128xi32, #tpu.memory_space<hbm>> -> memref<32x128xi32, #tpu.memory_space<hbm>>
        %dma_start3A_47 = arith.constant 0 : i32
        %dma_start3A_48 = tpu.memref_slice %arg3[%add3A, %dma_start3A_47] : memref<5120x128xi32, #tpu.memory_space<hbm>> -> memref<32x128xi32, #tpu.memory_space<hbm>>
        tpu.enqueue_dma source(%dma_start3A_48 : memref<32x128xi32, #tpu.memory_space<hbm>>) target(%arg6 : memref<32x128xi32, #tpu.memory_space<vmem>>) target_semaphore(%run_scoped3A : memref<!tpu.dma_semaphore, #tpu.memory_space<semaphore_mem>>)
        %dma_wait3A = arith.constant 0 : i32
        %dma_wait3A_49 = tpu.memref_slice %arg3[%add3A, %dma_wait3A] : memref<5120x128xi32, #tpu.memory_space<hbm>> -> memref<32x128xi32, #tpu.memory_space<hbm>>
        %dma_wait3A_50 = arith.constant 0 : i32
        %dma_wait3A_51 = tpu.memref_slice %arg3[%add3A, %dma_wait3A_50] : memref<5120x128xi32, #tpu.memory_space<hbm>> -> memref<32x128xi32, #tpu.memory_space<hbm>>
        tpu.wait_dma2 semaphore(%run_scoped3A : memref<!tpu.dma_semaphore, #tpu.memory_space<semaphore_mem>>) src(%dma_wait3A_51 : memref<32x128xi32, #tpu.memory_space<hbm>>) dst(%arg6 : memref<32x128xi32, #tpu.memory_space<vmem>>)
        tpu.yield
      }) : () -> ()
      %mul3A_26 = arith.constant 32 : i32
      %mul3A_27 = arith.muli %scan3A_23, %mul3A_26 : i32
      %add3A_28 = arith.addi %mul3A_0, %mul3A_27 : i32
      "tpu.region"() ({
        %run_scoped3A = tpu.sem_alloc : memref<!tpu.dma_semaphore, #tpu.memory_space<semaphore_mem>>
        %dma_start3A_45 = arith.constant 0 : i32
        %dma_start3A_46 = tpu.memref_slice %arg4[%add3A_28, %dma_start3A_45] : memref<5120x128xi32, #tpu.memory_space<hbm>> -> memref<32x128xi32, #tpu.memory_space<hbm>>
        %dma_start3A_47 = arith.constant 0 : i32
        %dma_start3A_48 = tpu.memref_slice %arg4[%add3A_28, %dma_start3A_47] : memref<5120x128xi32, #tpu.memory_space<hbm>> -> memref<32x128xi32, #tpu.memory_space<hbm>>
        tpu.enqueue_dma source(%dma_start3A_48 : memref<32x128xi32, #tpu.memory_space<hbm>>) target(%arg7 : memref<32x128xi32, #tpu.memory_space<vmem>>) target_semaphore(%run_scoped3A : memref<!tpu.dma_semaphore, #tpu.memory_space<semaphore_mem>>)
        %dma_wait3A = arith.constant 0 : i32
        %dma_wait3A_49 = tpu.memref_slice %arg4[%add3A_28, %dma_wait3A] : memref<5120x128xi32, #tpu.memory_space<hbm>> -> memref<32x128xi32, #tpu.memory_space<hbm>>
        %dma_wait3A_50 = arith.constant 0 : i32
        %dma_wait3A_51 = tpu.memref_slice %arg4[%add3A_28, %dma_wait3A_50] : memref<5120x128xi32, #tpu.memory_space<hbm>> -> memref<32x128xi32, #tpu.memory_space<hbm>>
        tpu.wait_dma2 semaphore(%run_scoped3A : memref<!tpu.dma_semaphore, #tpu.memory_space<semaphore_mem>>) src(%dma_wait3A_51 : memref<32x128xi32, #tpu.memory_space<hbm>>) dst(%arg7 : memref<32x128xi32, #tpu.memory_space<vmem>>)
        tpu.yield
      }) : () -> ()
      %dma_start3A = arith.constant 0 : i32
      %dma_start3A_29 = arith.constant 0 : i32
      %dma_start3A_30 = tpu.memref_slice %arg6[%dma_start3A, %dma_start3A_29] : memref<32x128xi32, #tpu.memory_space<vmem>> -> memref<1x128xi32, #tpu.memory_space<vmem>>
      %dma_start3A_31 = tpu.memref_squeeze %dma_start3A_30 : memref<1x128xi32, #tpu.memory_space<vmem>> -> memref<128xi32, #tpu.memory_space<vmem>>
      %dma_start3A_32 = arith.constant 0 : i32
      %dma_start3A_33 = arith.constant 0 : i32
      %dma_start3A_34 = tpu.memref_slice %arg2[%arg0, %dma_start3A_32, %dma_start3A_33] : memref<2x10240x128xf32, #tpu.memory_space<hbm>> -> memref<1x10240x128xf32, #tpu.memory_space<hbm>>
      %dma_start3A_35 = tpu.memref_squeeze %dma_start3A_34 : memref<1x10240x128xf32, #tpu.memory_space<hbm>> -> memref<10240x128xf32, #tpu.memory_space<hbm>>
      %dma_start3A_36 = arith.constant 0 : i32
      %dma_start3A_37 = arith.constant 0 : i32
      %dma_start3A_38 = tpu.memref_slice %dma_start3A_35[%dma_start3A_36, %dma_start3A_37] : memref<10240x128xf32, #tpu.memory_space<hbm>> -> memref<10240x128xf32, #tpu.memory_space<hbm>>
      tpu.enqueue_indirect_dma source(%dma_start3A_38 : memref<10240x128xf32, #tpu.memory_space<hbm>>) target(%arg8 : memref<128x128xf32, #tpu.memory_space<vmem>>) offsets(%dma_start3A_31 : memref<128xi32, #tpu.memory_space<vmem>>) semaphore(%arg12 : memref<!tpu.dma_semaphore, #tpu.memory_space<semaphore_mem>>)
      %scan3A_39 = arith.constant 0 : i32
      %scan3A_40 = arith.constant 0 : i32
      %scan3A_41 = arith.constant 16 : i32
      %scan3A_42 = arith.addi %scan3A_40, %scan3A_41 : i32
      %scan3A_43 = arith.constant 1 : i32
      scf.for %scan3A_45 = %scan3A_40 to %scan3A_42 step %scan3A_43  : i32 {
        %mul3A_46 = arith.constant 2 : i32
        %mul3A_47 = arith.muli %mul3A_46, %scan3A_45 : i32
        %add3A_48 = arith.constant 1 : i32
        %add3A_49 = arith.addi %mul3A_47, %add3A_48 : i32
        %dma_start3A_50 = arith.constant 0 : i32
        %dma_start3A_51 = tpu.memref_slice %arg6[%add3A_49, %dma_start3A_50] : memref<32x128xi32, #tpu.memory_space<vmem>> -> memref<1x128xi32, #tpu.memory_space<vmem>>
        %dma_start3A_52 = tpu.memref_squeeze %dma_start3A_51 : memref<1x128xi32, #tpu.memory_space<vmem>> -> memref<128xi32, #tpu.memory_space<vmem>>
        %dma_start3A_53 = arith.constant 0 : i32
        %dma_start3A_54 = arith.constant 0 : i32
        %dma_start3A_55 = tpu.memref_slice %arg2[%arg0, %dma_start3A_53, %dma_start3A_54] : memref<2x10240x128xf32, #tpu.memory_space<hbm>> -> memref<1x10240x128xf32, #tpu.memory_space<hbm>>
        %dma_start3A_56 = tpu.memref_squeeze %dma_start3A_55 : memref<1x10240x128xf32, #tpu.memory_space<hbm>> -> memref<10240x128xf32, #tpu.memory_space<hbm>>
        %dma_start3A_57 = arith.constant 0 : i32
        %dma_start3A_58 = arith.constant 0 : i32
        %dma_start3A_59 = tpu.memref_slice %dma_start3A_56[%dma_start3A_57, %dma_start3A_58] : memref<10240x128xf32, #tpu.memory_space<hbm>> -> memref<10240x128xf32, #tpu.memory_space<hbm>>
        tpu.enqueue_indirect_dma source(%dma_start3A_59 : memref<10240x128xf32, #tpu.memory_space<hbm>>) target(%arg9 : memref<128x128xf32, #tpu.memory_space<vmem>>) offsets(%dma_start3A_52 : memref<128xi32, #tpu.memory_space<vmem>>) semaphore(%arg13 : memref<!tpu.dma_semaphore, #tpu.memory_space<semaphore_mem>>)
        %dma_wait3A = arith.constant 0 : i32
        %dma_wait3A_60 = tpu.memref_slice %arg6[%mul3A_47, %dma_wait3A] : memref<32x128xi32, #tpu.memory_space<vmem>> -> memref<1x128xi32, #tpu.memory_space<vmem>>
        %dma_wait3A_61 = tpu.memref_squeeze %dma_wait3A_60 : memref<1x128xi32, #tpu.memory_space<vmem>> -> memref<128xi32, #tpu.memory_space<vmem>>
        %dma_wait3A_62 = arith.constant 0 : i32
        %dma_wait3A_63 = arith.constant 0 : i32
        %dma_wait3A_64 = tpu.memref_slice %arg2[%arg0, %dma_wait3A_62, %dma_wait3A_63] : memref<2x10240x128xf32, #tpu.memory_space<hbm>> -> memref<1x10240x128xf32, #tpu.memory_space<hbm>>
        %dma_wait3A_65 = tpu.memref_squeeze %dma_wait3A_64 : memref<1x10240x128xf32, #tpu.memory_space<hbm>> -> memref<10240x128xf32, #tpu.memory_space<hbm>>
        %dma_wait3A_66 = arith.constant 0 : i32
        %dma_wait3A_67 = arith.constant 0 : i32
        %dma_wait3A_68 = tpu.memref_slice %dma_wait3A_65[%dma_wait3A_66, %dma_wait3A_67] : memref<10240x128xf32, #tpu.memory_space<hbm>> -> memref<10240x128xf32, #tpu.memory_space<hbm>>
        tpu.wait_indirect_dma semaphore(%arg12 : memref<!tpu.dma_semaphore, #tpu.memory_space<semaphore_mem>>) src(%dma_wait3A_68 : memref<10240x128xf32, #tpu.memory_space<hbm>>) dst(%arg8 : memref<128x128xf32, #tpu.memory_space<vmem>>)
        "tpu.region"() ({
          %run_scoped3A = tpu.sem_alloc : memref<!tpu.dma_semaphore, #tpu.memory_space<semaphore_mem>>
          %dma_start3A_85 = arith.constant 0 : i32
          %dma_start3A_86 = tpu.memref_slice %arg7[%mul3A_47, %dma_start3A_85] : memref<32x128xi32, #tpu.memory_space<vmem>> -> memref<1x128xi32, #tpu.memory_space<vmem>>
          %dma_start3A_87 = tpu.memref_squeeze %dma_start3A_86 : memref<1x128xi32, #tpu.memory_space<vmem>> -> memref<128xi32, #tpu.memory_space<vmem>>
          %dma_start3A_88 = arith.constant 0 : i32
          %dma_start3A_89 = arith.constant 0 : i32
          %dma_start3A_90 = tpu.memref_slice %arg11[%dma_start3A_88, %dma_start3A_89] : memref<10240x128xf32, #tpu.memory_space<vmem_shared>> -> memref<10240x128xf32, #tpu.memory_space<vmem_shared>>
          tpu.enqueue_indirect_dma source(%arg8 : memref<128x128xf32, #tpu.memory_space<vmem>>) target(%dma_start3A_90 : memref<10240x128xf32, #tpu.memory_space<vmem_shared>>) offsets(%dma_start3A_87 : memref<128xi32, #tpu.memory_space<vmem>>) semaphore(%run_scoped3A : memref<!tpu.dma_semaphore, #tpu.memory_space<semaphore_mem>>) {add = true}
          %dma_wait3A_91 = arith.constant 0 : i32
          %dma_wait3A_92 = tpu.memref_slice %arg7[%mul3A_47, %dma_wait3A_91] : memref<32x128xi32, #tpu.memory_space<vmem>> -> memref<1x128xi32, #tpu.memory_space<vmem>>
          %dma_wait3A_93 = tpu.memref_squeeze %dma_wait3A_92 : memref<1x128xi32, #tpu.memory_space<vmem>> -> memref<128xi32, #tpu.memory_space<vmem>>
          %dma_wait3A_94 = arith.constant 0 : i32
          %dma_wait3A_95 = arith.constant 0 : i32
          %dma_wait3A_96 = tpu.memref_slice %arg11[%dma_wait3A_94, %dma_wait3A_95] : memref<10240x128xf32, #tpu.memory_space<vmem_shared>> -> memref<10240x128xf32, #tpu.memory_space<vmem_shared>>
          tpu.wait_indirect_dma semaphore(%run_scoped3A : memref<!tpu.dma_semaphore, #tpu.memory_space<semaphore_mem>>) src(%arg8 : memref<128x128xf32, #tpu.memory_space<vmem>>) dst(%dma_wait3A_96 : memref<10240x128xf32, #tpu.memory_space<vmem_shared>>)
          tpu.yield
        }) : () -> ()
        %lt3A = arith.constant 15 : i32
        %lt3A_69 = arith.cmpi slt, %scan3A_45, %lt3A : i32
        %convert_element_type3A = arith.extui %lt3A_69 : i1 to i32
        %cond3A = arith.constant 0 : i32
        %cond3A_70 = arith.cmpi ne, %convert_element_type3A, %cond3A : i32
        scf.if %cond3A_70 {
          %add3A_85 = arith.constant 2 : i32
          %add3A_86 = arith.addi %mul3A_47, %add3A_85 : i32
          %dma_start3A_87 = arith.constant 0 : i32
          %dma_start3A_88 = tpu.memref_slice %arg6[%add3A_86, %dma_start3A_87] : memref<32x128xi32, #tpu.memory_space<vmem>> -> memref<1x128xi32, #tpu.memory_space<vmem>>
          %dma_start3A_89 = tpu.memref_squeeze %dma_start3A_88 : memref<1x128xi32, #tpu.memory_space<vmem>> -> memref<128xi32, #tpu.memory_space<vmem>>
          %dma_start3A_90 = arith.constant 0 : i32
          %dma_start3A_91 = arith.constant 0 : i32
          %dma_start3A_92 = tpu.memref_slice %arg2[%arg0, %dma_start3A_90, %dma_start3A_91] : memref<2x10240x128xf32, #tpu.memory_space<hbm>> -> memref<1x10240x128xf32, #tpu.memory_space<hbm>>
          %dma_start3A_93 = tpu.memref_squeeze %dma_start3A_92 : memref<1x10240x128xf32, #tpu.memory_space<hbm>> -> memref<10240x128xf32, #tpu.memory_space<hbm>>
          %dma_start3A_94 = arith.constant 0 : i32
          %dma_start3A_95 = arith.constant 0 : i32
          %dma_start3A_96 = tpu.memref_slice %dma_start3A_93[%dma_start3A_94, %dma_start3A_95] : memref<10240x128xf32, #tpu.memory_space<hbm>> -> memref<10240x128xf32, #tpu.memory_space<hbm>>
          tpu.enqueue_indirect_dma source(%dma_start3A_96 : memref<10240x128xf32, #tpu.memory_space<hbm>>) target(%arg8 : memref<128x128xf32, #tpu.memory_space<vmem>>) offsets(%dma_start3A_89 : memref<128xi32, #tpu.memory_space<vmem>>) semaphore(%arg12 : memref<!tpu.dma_semaphore, #tpu.memory_space<semaphore_mem>>)
        } else {
        }
        %add3A_71 = arith.constant 1 : i32
        %add3A_72 = arith.addi %mul3A_47, %add3A_71 : i32
        %dma_wait3A_73 = arith.constant 0 : i32
        %dma_wait3A_74 = tpu.memref_slice %arg6[%add3A_72, %dma_wait3A_73] : memref<32x128xi32, #tpu.memory_space<vmem>> -> memref<1x128xi32, #tpu.memory_space<vmem>>
        %dma_wait3A_75 = tpu.memref_squeeze %dma_wait3A_74 : memref<1x128xi32, #tpu.memory_space<vmem>> -> memref<128xi32, #tpu.memory_space<vmem>>
        %dma_wait3A_76 = arith.constant 0 : i32
        %dma_wait3A_77 = arith.constant 0 : i32
        %dma_wait3A_78 = tpu.memref_slice %arg2[%arg0, %dma_wait3A_76, %dma_wait3A_77] : memref<2x10240x128xf32, #tpu.memory_space<hbm>> -> memref<1x10240x128xf32, #tpu.memory_space<hbm>>
        %dma_wait3A_79 = tpu.memref_squeeze %dma_wait3A_78 : memref<1x10240x128xf32, #tpu.memory_space<hbm>> -> memref<10240x128xf32, #tpu.memory_space<hbm>>
        %dma_wait3A_80 = arith.constant 0 : i32
        %dma_wait3A_81 = arith.constant 0 : i32
        %dma_wait3A_82 = tpu.memref_slice %dma_wait3A_79[%dma_wait3A_80, %dma_wait3A_81] : memref<10240x128xf32, #tpu.memory_space<hbm>> -> memref<10240x128xf32, #tpu.memory_space<hbm>>
        tpu.wait_indirect_dma semaphore(%arg13 : memref<!tpu.dma_semaphore, #tpu.memory_space<semaphore_mem>>) src(%dma_wait3A_82 : memref<10240x128xf32, #tpu.memory_space<hbm>>) dst(%arg9 : memref<128x128xf32, #tpu.memory_space<vmem>>)
        %add3A_83 = arith.constant 1 : i32
        %add3A_84 = arith.addi %mul3A_47, %add3A_83 : i32
        "tpu.region"() ({
          %run_scoped3A = tpu.sem_alloc : memref<!tpu.dma_semaphore, #tpu.memory_space<semaphore_mem>>
          %dma_start3A_85 = arith.constant 0 : i32
          %dma_start3A_86 = tpu.memref_slice %arg7[%add3A_84, %dma_start3A_85] : memref<32x128xi32, #tpu.memory_space<vmem>> -> memref<1x128xi32, #tpu.memory_space<vmem>>
          %dma_start3A_87 = tpu.memref_squeeze %dma_start3A_86 : memref<1x128xi32, #tpu.memory_space<vmem>> -> memref<128xi32, #tpu.memory_space<vmem>>
          %dma_start3A_88 = arith.constant 0 : i32
          %dma_start3A_89 = arith.constant 0 : i32
          %dma_start3A_90 = tpu.memref_slice %arg11[%dma_start3A_88, %dma_start3A_89] : memref<10240x128xf32, #tpu.memory_space<vmem_shared>> -> memref<10240x128xf32, #tpu.memory_space<vmem_shared>>
          tpu.enqueue_indirect_dma source(%arg9 : memref<128x128xf32, #tpu.memory_space<vmem>>) target(%dma_start3A_90 : memref<10240x128xf32, #tpu.memory_space<vmem_shared>>) offsets(%dma_start3A_87 : memref<128xi32, #tpu.memory_space<vmem>>) semaphore(%run_scoped3A : memref<!tpu.dma_semaphore, #tpu.memory_space<semaphore_mem>>) {add = true}
          %dma_wait3A_91 = arith.constant 0 : i32
          %dma_wait3A_92 = tpu.memref_slice %arg7[%add3A_84, %dma_wait3A_91] : memref<32x128xi32, #tpu.memory_space<vmem>> -> memref<1x128xi32, #tpu.memory_space<vmem>>
          %dma_wait3A_93 = tpu.memref_squeeze %dma_wait3A_92 : memref<1x128xi32, #tpu.memory_space<vmem>> -> memref<128xi32, #tpu.memory_space<vmem>>
          %dma_wait3A_94 = arith.constant 0 : i32
          %dma_wait3A_95 = arith.constant 0 : i32
          %dma_wait3A_96 = tpu.memref_slice %arg11[%dma_wait3A_94, %dma_wait3A_95] : memref<10240x128xf32, #tpu.memory_space<vmem_shared>> -> memref<10240x128xf32, #tpu.memory_space<vmem_shared>>
          tpu.wait_indirect_dma semaphore(%run_scoped3A : memref<!tpu.dma_semaphore, #tpu.memory_space<semaphore_mem>>) src(%arg9 : memref<128x128xf32, #tpu.memory_space<vmem>>) dst(%dma_wait3A_96 : memref<10240x128xf32, #tpu.memory_space<vmem_shared>>)
          tpu.yield
        }) : () -> ()
      }
      %scan3A_44 = arith.constant 16 : i32
    }
    %scan3A_17 = arith.constant 10 : i32
    %barrier3A_18 = arith.constant 0 : index
    tpu.barrier barrier_id(%barrier3A_18)
    %mul3A_19 = arith.constant 640 : i32
    %mul3A_20 = arith.muli %arg1, %mul3A_19 : i32
    %mul3A_21 = arith.constant 640 : i32
    %mul3A_22 = arith.muli %arg1, %mul3A_21 : i32
    "tpu.region"() ({
      %run_scoped3A = tpu.sem_alloc : memref<!tpu.dma_semaphore, #tpu.memory_space<semaphore_mem>>
      %dma_start3A = arith.constant 0 : i32
      %dma_start3A_23 = tpu.memref_slice %arg5[%arg0, %mul3A_22, %dma_start3A] : memref<2x10240x128xf32, #tpu.memory_space<hbm>> -> memref<1x640x128xf32, #tpu.memory_space<hbm>>
      %dma_start3A_24 = tpu.memref_squeeze %dma_start3A_23 : memref<1x640x128xf32, #tpu.memory_space<hbm>> -> memref<640x128xf32, #tpu.memory_space<hbm>>
      %dma_start3A_25 = arith.constant 0 : i32
      %dma_start3A_26 = tpu.memref_slice %arg11[%mul3A_20, %dma_start3A_25] : memref<10240x128xf32, #tpu.memory_space<vmem_shared>> -> memref<640x128xf32, #tpu.memory_space<vmem_shared>>
      tpu.enqueue_dma source(%dma_start3A_26 : memref<640x128xf32, #tpu.memory_space<vmem_shared>>) target(%dma_start3A_24 : memref<640x128xf32, #tpu.memory_space<hbm>>) target_semaphore(%run_scoped3A : memref<!tpu.dma_semaphore, #tpu.memory_space<semaphore_mem>>)
      %dma_wait3A = arith.constant 0 : i32
      %dma_wait3A_27 = tpu.memref_slice %arg5[%arg0, %mul3A_22, %dma_wait3A] : memref<2x10240x128xf32, #tpu.memory_space<hbm>> -> memref<1x640x128xf32, #tpu.memory_space<hbm>>
      %dma_wait3A_28 = tpu.memref_squeeze %dma_wait3A_27 : memref<1x640x128xf32, #tpu.memory_space<hbm>> -> memref<640x128xf32, #tpu.memory_space<hbm>>
      %dma_wait3A_29 = arith.constant 0 : i32
      %dma_wait3A_30 = tpu.memref_slice %arg11[%mul3A_20, %dma_wait3A_29] : memref<10240x128xf32, #tpu.memory_space<vmem_shared>> -> memref<640x128xf32, #tpu.memory_space<vmem_shared>>
      tpu.wait_dma2 semaphore(%run_scoped3A : memref<!tpu.dma_semaphore, #tpu.memory_space<semaphore_mem>>) src(%dma_wait3A_30 : memref<640x128xf32, #tpu.memory_space<vmem_shared>>) dst(%dma_wait3A_28 : memref<640x128xf32, #tpu.memory_space<hbm>>)
      tpu.yield
    }) : () -> ()
    return
  }
}

#map = affine_map<(d0, d1) -> (0, 0)>
#map1 = affine_map<(d0, d1) -> (0, 0, 0)>
module attributes {stable_mosaic.version = 14 : i64} {
  func.func @deg_kernel(%arg0: i32, %arg1: i32, %arg2: memref<5120x128xi32, #tpu.memory_space<hbm>>, %arg3: memref<2x10240x128xf32, #tpu.memory_space<hbm>>, %arg4: memref<32x128xi32, #tpu.memory_space<vmem>>, %arg5: memref<128x128xf32, #tpu.memory_space<vmem>>, %arg6: memref<8x128xf32, #tpu.memory_space<vmem>>, %arg7: memref<10240x128xf32, #tpu.memory_space<vmem_shared>>) attributes {dimension_semantics = [#tpu.dimension_semantics<core_parallel>, #tpu.dimension_semantics<subcore_parallel>], iteration_bounds = array<i64: 2, 16>, scalar_prefetch = 0 : i64, scratch_operands = 4 : i64, tpu.core_type = #tpu.core_type<sc_vector_subcore>, window_params = [{transform_indices = #map}, {transform_indices = #map1}]} {
    %mul3A = arith.constant 16 : i32
    %mul3A_0 = arith.muli %arg0, %mul3A : i32
    %add3A = arith.addi %mul3A_0, %arg1 : i32
    %mul3A_1 = arith.constant 160 : i32
    %mul3A_2 = arith.muli %add3A, %mul3A_1 : i32
    %scan3A = arith.constant 0 : i32
    %scan3A_3 = arith.constant 0 : i32
    %scan3A_4 = arith.constant 128 : i32
    %scan3A_5 = arith.addi %scan3A_3, %scan3A_4 : i32
    %scan3A_6 = arith.constant 1 : i32
    scf.for %scan3A_31 = %scan3A_3 to %scan3A_5 step %scan3A_6  : i32 {
      %broadcast_in_dim3A = arith.constant 1.000000e+00 : f32
      %broadcast_in_dim3A_32 = vector.broadcast %broadcast_in_dim3A : f32 to vector<16xf32>
      %swap3A = arith.index_cast %scan3A_31 : i32 to index
      %swap3A_33 = arith.constant 0 : index
      %swap3A_34 = tpu.vector_load %arg5[%swap3A, %swap3A_33] {strides = array<i32>} : memref<128x128xf32, #tpu.memory_space<vmem>>, vector<1x16xf32>,
      %swap3A_35 = vector.shape_cast %swap3A_34 : vector<1x16xf32> to vector<16xf32>
      %swap3A_36 = vector.shape_cast %broadcast_in_dim3A_32 : vector<16xf32> to vector<1x16xf32>
      tpu.vector_store %arg5[%swap3A, %swap3A_33], %swap3A_36 {strides = array<i32>} : memref<128x128xf32, #tpu.memory_space<vmem>>, vector<1x16xf32>,
      %broadcast_in_dim3A_37 = arith.constant 1.000000e+00 : f32
      %broadcast_in_dim3A_38 = vector.broadcast %broadcast_in_dim3A_37 : f32 to vector<16xf32>
      %swap3A_39 = arith.index_cast %scan3A_31 : i32 to index
      %swap3A_40 = arith.constant 16 : index
      %swap3A_41 = tpu.vector_load %arg5[%swap3A_39, %swap3A_40] {strides = array<i32>} : memref<128x128xf32, #tpu.memory_space<vmem>>, vector<1x16xf32>,
      %swap3A_42 = vector.shape_cast %swap3A_41 : vector<1x16xf32> to vector<16xf32>
      %swap3A_43 = vector.shape_cast %broadcast_in_dim3A_38 : vector<16xf32> to vector<1x16xf32>
      tpu.vector_store %arg5[%swap3A_39, %swap3A_40], %swap3A_43 {strides = array<i32>} : memref<128x128xf32, #tpu.memory_space<vmem>>, vector<1x16xf32>,
      %broadcast_in_dim3A_44 = arith.constant 1.000000e+00 : f32
      %broadcast_in_dim3A_45 = vector.broadcast %broadcast_in_dim3A_44 : f32 to vector<16xf32>
      %swap3A_46 = arith.index_cast %scan3A_31 : i32 to index
      %swap3A_47 = arith.constant 32 : index
      %swap3A_48 = tpu.vector_load %arg5[%swap3A_46, %swap3A_47] {strides = array<i32>} : memref<128x128xf32, #tpu.memory_space<vmem>>, vector<1x16xf32>,
      %swap3A_49 = vector.shape_cast %swap3A_48 : vector<1x16xf32> to vector<16xf32>
      %swap3A_50 = vector.shape_cast %broadcast_in_dim3A_45 : vector<16xf32> to vector<1x16xf32>
      tpu.vector_store %arg5[%swap3A_46, %swap3A_47], %swap3A_50 {strides = array<i32>} : memref<128x128xf32, #tpu.memory_space<vmem>>, vector<1x16xf32>,
      %broadcast_in_dim3A_51 = arith.constant 1.000000e+00 : f32
      %broadcast_in_dim3A_52 = vector.broadcast %broadcast_in_dim3A_51 : f32 to vector<16xf32>
      %swap3A_53 = arith.index_cast %scan3A_31 : i32 to index
      %swap3A_54 = arith.constant 48 : index
      %swap3A_55 = tpu.vector_load %arg5[%swap3A_53, %swap3A_54] {strides = array<i32>} : memref<128x128xf32, #tpu.memory_space<vmem>>, vector<1x16xf32>,
      %swap3A_56 = vector.shape_cast %swap3A_55 : vector<1x16xf32> to vector<16xf32>
      %swap3A_57 = vector.shape_cast %broadcast_in_dim3A_52 : vector<16xf32> to vector<1x16xf32>
      tpu.vector_store %arg5[%swap3A_53, %swap3A_54], %swap3A_57 {strides = array<i32>} : memref<128x128xf32, #tpu.memory_space<vmem>>, vector<1x16xf32>,
      %broadcast_in_dim3A_58 = arith.constant 1.000000e+00 : f32
      %broadcast_in_dim3A_59 = vector.broadcast %broadcast_in_dim3A_58 : f32 to vector<16xf32>
      %swap3A_60 = arith.index_cast %scan3A_31 : i32 to index
      %swap3A_61 = arith.constant 64 : index
      %swap3A_62 = tpu.vector_load %arg5[%swap3A_60, %swap3A_61] {strides = array<i32>} : memref<128x128xf32, #tpu.memory_space<vmem>>, vector<1x16xf32>,
      %swap3A_63 = vector.shape_cast %swap3A_62 : vector<1x16xf32> to vector<16xf32>
      %swap3A_64 = vector.shape_cast %broadcast_in_dim3A_59 : vector<16xf32> to vector<1x16xf32>
      tpu.vector_store %arg5[%swap3A_60, %swap3A_61], %swap3A_64 {strides = array<i32>} : memref<128x128xf32, #tpu.memory_space<vmem>>, vector<1x16xf32>,
      %broadcast_in_dim3A_65 = arith.constant 1.000000e+00 : f32
      %broadcast_in_dim3A_66 = vector.broadcast %broadcast_in_dim3A_65 : f32 to vector<16xf32>
      %swap3A_67 = arith.index_cast %scan3A_31 : i32 to index
      %swap3A_68 = arith.constant 80 : index
      %swap3A_69 = tpu.vector_load %arg5[%swap3A_67, %swap3A_68] {strides = array<i32>} : memref<128x128xf32, #tpu.memory_space<vmem>>, vector<1x16xf32>,
      %swap3A_70 = vector.shape_cast %swap3A_69 : vector<1x16xf32> to vector<16xf32>
      %swap3A_71 = vector.shape_cast %broadcast_in_dim3A_66 : vector<16xf32> to vector<1x16xf32>
      tpu.vector_store %arg5[%swap3A_67, %swap3A_68], %swap3A_71 {strides = array<i32>} : memref<128x128xf32, #tpu.memory_space<vmem>>, vector<1x16xf32>,
      %broadcast_in_dim3A_72 = arith.constant 1.000000e+00 : f32
      %broadcast_in_dim3A_73 = vector.broadcast %broadcast_in_dim3A_72 : f32 to vector<16xf32>
      %swap3A_74 = arith.index_cast %scan3A_31 : i32 to index
      %swap3A_75 = arith.constant 96 : index
      %swap3A_76 = tpu.vector_load %arg5[%swap3A_74, %swap3A_75] {strides = array<i32>} : memref<128x128xf32, #tpu.memory_space<vmem>>, vector<1x16xf32>,
      %swap3A_77 = vector.shape_cast %swap3A_76 : vector<1x16xf32> to vector<16xf32>
      %swap3A_78 = vector.shape_cast %broadcast_in_dim3A_73 : vector<16xf32> to vector<1x16xf32>
      tpu.vector_store %arg5[%swap3A_74, %swap3A_75], %swap3A_78 {strides = array<i32>} : memref<128x128xf32, #tpu.memory_space<vmem>>, vector<1x16xf32>,
      %broadcast_in_dim3A_79 = arith.constant 1.000000e+00 : f32
      %broadcast_in_dim3A_80 = vector.broadcast %broadcast_in_dim3A_79 : f32 to vector<16xf32>
      %swap3A_81 = arith.index_cast %scan3A_31 : i32 to index
      %swap3A_82 = arith.constant 112 : index
      %swap3A_83 = tpu.vector_load %arg5[%swap3A_81, %swap3A_82] {strides = array<i32>} : memref<128x128xf32, #tpu.memory_space<vmem>>, vector<1x16xf32>,
      %swap3A_84 = vector.shape_cast %swap3A_83 : vector<1x16xf32> to vector<16xf32>
      %swap3A_85 = vector.shape_cast %broadcast_in_dim3A_80 : vector<16xf32> to vector<1x16xf32>
      tpu.vector_store %arg5[%swap3A_81, %swap3A_82], %swap3A_85 {strides = array<i32>} : memref<128x128xf32, #tpu.memory_space<vmem>>, vector<1x16xf32>,
    }
    %scan3A_7 = arith.constant 128 : i32
    %scan3A_8 = arith.constant 0 : i32
    %scan3A_9 = arith.constant 0 : i32
    %scan3A_10 = arith.constant 8 : i32
    %scan3A_11 = arith.addi %scan3A_9, %scan3A_10 : i32
    %scan3A_12 = arith.constant 1 : i32
    scf.for %scan3A_31 = %scan3A_9 to %scan3A_11 step %scan3A_12  : i32 {
      %broadcast_in_dim3A = arith.constant 0.000000e+00 : f32
      %broadcast_in_dim3A_32 = vector.broadcast %broadcast_in_dim3A : f32 to vector<16xf32>
      %swap3A = arith.index_cast %scan3A_31 : i32 to index
      %swap3A_33 = arith.constant 0 : index
      %swap3A_34 = tpu.vector_load %arg6[%swap3A, %swap3A_33] {strides = array<i32>} : memref<8x128xf32, #tpu.memory_space<vmem>>, vector<1x16xf32>,
      %swap3A_35 = vector.shape_cast %swap3A_34 : vector<1x16xf32> to vector<16xf32>
      %swap3A_36 = vector.shape_cast %broadcast_in_dim3A_32 : vector<16xf32> to vector<1x16xf32>
      tpu.vector_store %arg6[%swap3A, %swap3A_33], %swap3A_36 {strides = array<i32>} : memref<8x128xf32, #tpu.memory_space<vmem>>, vector<1x16xf32>,
      %broadcast_in_dim3A_37 = arith.constant 0.000000e+00 : f32
      %broadcast_in_dim3A_38 = vector.broadcast %broadcast_in_dim3A_37 : f32 to vector<16xf32>
      %swap3A_39 = arith.index_cast %scan3A_31 : i32 to index
      %swap3A_40 = arith.constant 16 : index
      %swap3A_41 = tpu.vector_load %arg6[%swap3A_39, %swap3A_40] {strides = array<i32>} : memref<8x128xf32, #tpu.memory_space<vmem>>, vector<1x16xf32>,
      %swap3A_42 = vector.shape_cast %swap3A_41 : vector<1x16xf32> to vector<16xf32>
      %swap3A_43 = vector.shape_cast %broadcast_in_dim3A_38 : vector<16xf32> to vector<1x16xf32>
      tpu.vector_store %arg6[%swap3A_39, %swap3A_40], %swap3A_43 {strides = array<i32>} : memref<8x128xf32, #tpu.memory_space<vmem>>, vector<1x16xf32>,
      %broadcast_in_dim3A_44 = arith.constant 0.000000e+00 : f32
      %broadcast_in_dim3A_45 = vector.broadcast %broadcast_in_dim3A_44 : f32 to vector<16xf32>
      %swap3A_46 = arith.index_cast %scan3A_31 : i32 to index
      %swap3A_47 = arith.constant 32 : index
      %swap3A_48 = tpu.vector_load %arg6[%swap3A_46, %swap3A_47] {strides = array<i32>} : memref<8x128xf32, #tpu.memory_space<vmem>>, vector<1x16xf32>,
      %swap3A_49 = vector.shape_cast %swap3A_48 : vector<1x16xf32> to vector<16xf32>
      %swap3A_50 = vector.shape_cast %broadcast_in_dim3A_45 : vector<16xf32> to vector<1x16xf32>
      tpu.vector_store %arg6[%swap3A_46, %swap3A_47], %swap3A_50 {strides = array<i32>} : memref<8x128xf32, #tpu.memory_space<vmem>>, vector<1x16xf32>,
      %broadcast_in_dim3A_51 = arith.constant 0.000000e+00 : f32
      %broadcast_in_dim3A_52 = vector.broadcast %broadcast_in_dim3A_51 : f32 to vector<16xf32>
      %swap3A_53 = arith.index_cast %scan3A_31 : i32 to index
      %swap3A_54 = arith.constant 48 : index
      %swap3A_55 = tpu.vector_load %arg6[%swap3A_53, %swap3A_54] {strides = array<i32>} : memref<8x128xf32, #tpu.memory_space<vmem>>, vector<1x16xf32>,
      %swap3A_56 = vector.shape_cast %swap3A_55 : vector<1x16xf32> to vector<16xf32>
      %swap3A_57 = vector.shape_cast %broadcast_in_dim3A_52 : vector<16xf32> to vector<1x16xf32>
      tpu.vector_store %arg6[%swap3A_53, %swap3A_54], %swap3A_57 {strides = array<i32>} : memref<8x128xf32, #tpu.memory_space<vmem>>, vector<1x16xf32>,
      %broadcast_in_dim3A_58 = arith.constant 0.000000e+00 : f32
      %broadcast_in_dim3A_59 = vector.broadcast %broadcast_in_dim3A_58 : f32 to vector<16xf32>
      %swap3A_60 = arith.index_cast %scan3A_31 : i32 to index
      %swap3A_61 = arith.constant 64 : index
      %swap3A_62 = tpu.vector_load %arg6[%swap3A_60, %swap3A_61] {strides = array<i32>} : memref<8x128xf32, #tpu.memory_space<vmem>>, vector<1x16xf32>,
      %swap3A_63 = vector.shape_cast %swap3A_62 : vector<1x16xf32> to vector<16xf32>
      %swap3A_64 = vector.shape_cast %broadcast_in_dim3A_59 : vector<16xf32> to vector<1x16xf32>
      tpu.vector_store %arg6[%swap3A_60, %swap3A_61], %swap3A_64 {strides = array<i32>} : memref<8x128xf32, #tpu.memory_space<vmem>>, vector<1x16xf32>,
      %broadcast_in_dim3A_65 = arith.constant 0.000000e+00 : f32
      %broadcast_in_dim3A_66 = vector.broadcast %broadcast_in_dim3A_65 : f32 to vector<16xf32>
      %swap3A_67 = arith.index_cast %scan3A_31 : i32 to index
      %swap3A_68 = arith.constant 80 : index
      %swap3A_69 = tpu.vector_load %arg6[%swap3A_67, %swap3A_68] {strides = array<i32>} : memref<8x128xf32, #tpu.memory_space<vmem>>, vector<1x16xf32>,
      %swap3A_70 = vector.shape_cast %swap3A_69 : vector<1x16xf32> to vector<16xf32>
      %swap3A_71 = vector.shape_cast %broadcast_in_dim3A_66 : vector<16xf32> to vector<1x16xf32>
      tpu.vector_store %arg6[%swap3A_67, %swap3A_68], %swap3A_71 {strides = array<i32>} : memref<8x128xf32, #tpu.memory_space<vmem>>, vector<1x16xf32>,
      %broadcast_in_dim3A_72 = arith.constant 0.000000e+00 : f32
      %broadcast_in_dim3A_73 = vector.broadcast %broadcast_in_dim3A_72 : f32 to vector<16xf32>
      %swap3A_74 = arith.index_cast %scan3A_31 : i32 to index
      %swap3A_75 = arith.constant 96 : index
      %swap3A_76 = tpu.vector_load %arg6[%swap3A_74, %swap3A_75] {strides = array<i32>} : memref<8x128xf32, #tpu.memory_space<vmem>>, vector<1x16xf32>,
      %swap3A_77 = vector.shape_cast %swap3A_76 : vector<1x16xf32> to vector<16xf32>
      %swap3A_78 = vector.shape_cast %broadcast_in_dim3A_73 : vector<16xf32> to vector<1x16xf32>
      tpu.vector_store %arg6[%swap3A_74, %swap3A_75], %swap3A_78 {strides = array<i32>} : memref<8x128xf32, #tpu.memory_space<vmem>>, vector<1x16xf32>,
      %broadcast_in_dim3A_79 = arith.constant 0.000000e+00 : f32
      %broadcast_in_dim3A_80 = vector.broadcast %broadcast_in_dim3A_79 : f32 to vector<16xf32>
      %swap3A_81 = arith.index_cast %scan3A_31 : i32 to index
      %swap3A_82 = arith.constant 112 : index
      %swap3A_83 = tpu.vector_load %arg6[%swap3A_81, %swap3A_82] {strides = array<i32>} : memref<8x128xf32, #tpu.memory_space<vmem>>, vector<1x16xf32>,
      %swap3A_84 = vector.shape_cast %swap3A_83 : vector<1x16xf32> to vector<16xf32>
      %swap3A_85 = vector.shape_cast %broadcast_in_dim3A_80 : vector<16xf32> to vector<1x16xf32>
      tpu.vector_store %arg6[%swap3A_81, %swap3A_82], %swap3A_85 {strides = array<i32>} : memref<8x128xf32, #tpu.memory_space<vmem>>, vector<1x16xf32>,
    }
    %scan3A_13 = arith.constant 8 : i32
    %scan3A_14 = arith.constant 0 : i32
    %scan3A_15 = arith.constant 0 : i32
    %scan3A_16 = arith.constant 80 : i32
    %scan3A_17 = arith.addi %scan3A_15, %scan3A_16 : i32
    %scan3A_18 = arith.constant 1 : i32
    scf.for %scan3A_31 = %scan3A_15 to %scan3A_17 step %scan3A_18  : i32 {
      %mul3A_32 = arith.constant 80 : i32
      %mul3A_33 = arith.muli %arg1, %mul3A_32 : i32
      %add3A_34 = arith.addi %mul3A_33, %scan3A_31 : i32
      %mul3A_35 = arith.constant 8 : i32
      %mul3A_36 = arith.muli %add3A_34, %mul3A_35 : i32
      "tpu.region"() ({
        %run_scoped3A = tpu.sem_alloc : memref<!tpu.dma_semaphore, #tpu.memory_space<semaphore_mem>>
        %dma_start3A = arith.constant 0 : i32
        %dma_start3A_37 = tpu.memref_slice %arg7[%mul3A_36, %dma_start3A] : memref<10240x128xf32, #tpu.memory_space<vmem_shared>> -> memref<8x128xf32, #tpu.memory_space<vmem_shared>>
        %dma_start3A_38 = arith.constant 0 : i32
        %dma_start3A_39 = tpu.memref_slice %arg7[%mul3A_36, %dma_start3A_38] : memref<10240x128xf32, #tpu.memory_space<vmem_shared>> -> memref<8x128xf32, #tpu.memory_space<vmem_shared>>
        tpu.enqueue_dma source(%arg6 : memref<8x128xf32, #tpu.memory_space<vmem>>) target(%dma_start3A_39 : memref<8x128xf32, #tpu.memory_space<vmem_shared>>) target_semaphore(%run_scoped3A : memref<!tpu.dma_semaphore, #tpu.memory_space<semaphore_mem>>)
        %dma_wait3A = arith.constant 0 : i32
        %dma_wait3A_40 = tpu.memref_slice %arg7[%mul3A_36, %dma_wait3A] : memref<10240x128xf32, #tpu.memory_space<vmem_shared>> -> memref<8x128xf32, #tpu.memory_space<vmem_shared>>
        %dma_wait3A_41 = arith.constant 0 : i32
        %dma_wait3A_42 = tpu.memref_slice %arg7[%mul3A_36, %dma_wait3A_41] : memref<10240x128xf32, #tpu.memory_space<vmem_shared>> -> memref<8x128xf32, #tpu.memory_space<vmem_shared>>
        tpu.wait_dma2 semaphore(%run_scoped3A : memref<!tpu.dma_semaphore, #tpu.memory_space<semaphore_mem>>) src(%arg6 : memref<8x128xf32, #tpu.memory_space<vmem>>) dst(%dma_wait3A_42 : memref<8x128xf32, #tpu.memory_space<vmem_shared>>)
        tpu.yield
      }) : () -> ()
    }
    %scan3A_19 = arith.constant 80 : i32
    %barrier3A = arith.constant 0 : index
    tpu.barrier barrier_id(%barrier3A)
    %scan3A_20 = arith.constant 0 : i32
    %scan3A_21 = arith.constant 0 : i32
    %scan3A_22 = arith.constant 5 : i32
    %scan3A_23 = arith.addi %scan3A_21, %scan3A_22 : i32
    %scan3A_24 = arith.constant 1 : i32
    scf.for %scan3A_31 = %scan3A_21 to %scan3A_23 step %scan3A_24  : i32 {
      %mul3A_32 = arith.constant 32 : i32
      %mul3A_33 = arith.muli %scan3A_31, %mul3A_32 : i32
      %add3A_34 = arith.addi %mul3A_2, %mul3A_33 : i32
      "tpu.region"() ({
        %run_scoped3A = tpu.sem_alloc : memref<!tpu.dma_semaphore, #tpu.memory_space<semaphore_mem>>
        %dma_start3A = arith.constant 0 : i32
        %dma_start3A_41 = tpu.memref_slice %arg2[%add3A_34, %dma_start3A] : memref<5120x128xi32, #tpu.memory_space<hbm>> -> memref<32x128xi32, #tpu.memory_space<hbm>>
        %dma_start3A_42 = arith.constant 0 : i32
        %dma_start3A_43 = tpu.memref_slice %arg2[%add3A_34, %dma_start3A_42] : memref<5120x128xi32, #tpu.memory_space<hbm>> -> memref<32x128xi32, #tpu.memory_space<hbm>>
        tpu.enqueue_dma source(%dma_start3A_43 : memref<32x128xi32, #tpu.memory_space<hbm>>) target(%arg4 : memref<32x128xi32, #tpu.memory_space<vmem>>) target_semaphore(%run_scoped3A : memref<!tpu.dma_semaphore, #tpu.memory_space<semaphore_mem>>)
        %dma_wait3A = arith.constant 0 : i32
        %dma_wait3A_44 = tpu.memref_slice %arg2[%add3A_34, %dma_wait3A] : memref<5120x128xi32, #tpu.memory_space<hbm>> -> memref<32x128xi32, #tpu.memory_space<hbm>>
        %dma_wait3A_45 = arith.constant 0 : i32
        %dma_wait3A_46 = tpu.memref_slice %arg2[%add3A_34, %dma_wait3A_45] : memref<5120x128xi32, #tpu.memory_space<hbm>> -> memref<32x128xi32, #tpu.memory_space<hbm>>
        tpu.wait_dma2 semaphore(%run_scoped3A : memref<!tpu.dma_semaphore, #tpu.memory_space<semaphore_mem>>) src(%dma_wait3A_46 : memref<32x128xi32, #tpu.memory_space<hbm>>) dst(%arg4 : memref<32x128xi32, #tpu.memory_space<vmem>>)
        tpu.yield
      }) : () -> ()
      %scan3A_35 = arith.constant 0 : i32
      %scan3A_36 = arith.constant 0 : i32
      %scan3A_37 = arith.constant 32 : i32
      %scan3A_38 = arith.addi %scan3A_36, %scan3A_37 : i32
      %scan3A_39 = arith.constant 1 : i32
      scf.for %scan3A_41 = %scan3A_36 to %scan3A_38 step %scan3A_39  : i32 {
        "tpu.region"() ({
          %run_scoped3A = tpu.sem_alloc : memref<!tpu.dma_semaphore, #tpu.memory_space<semaphore_mem>>
          %dma_start3A = arith.constant 0 : i32
          %dma_start3A_42 = tpu.memref_slice %arg4[%scan3A_41, %dma_start3A] : memref<32x128xi32, #tpu.memory_space<vmem>> -> memref<1x128xi32, #tpu.memory_space<vmem>>
          %dma_start3A_43 = tpu.memref_squeeze %dma_start3A_42 : memref<1x128xi32, #tpu.memory_space<vmem>> -> memref<128xi32, #tpu.memory_space<vmem>>
          %dma_start3A_44 = arith.constant 0 : i32
          %dma_start3A_45 = arith.constant 0 : i32
          %dma_start3A_46 = tpu.memref_slice %arg7[%dma_start3A_44, %dma_start3A_45] : memref<10240x128xf32, #tpu.memory_space<vmem_shared>> -> memref<10240x128xf32, #tpu.memory_space<vmem_shared>>
          tpu.enqueue_indirect_dma source(%arg5 : memref<128x128xf32, #tpu.memory_space<vmem>>) target(%dma_start3A_46 : memref<10240x128xf32, #tpu.memory_space<vmem_shared>>) offsets(%dma_start3A_43 : memref<128xi32, #tpu.memory_space<vmem>>) semaphore(%run_scoped3A : memref<!tpu.dma_semaphore, #tpu.memory_space<semaphore_mem>>) {add = true}
          %dma_wait3A = arith.constant 0 : i32
          %dma_wait3A_47 = tpu.memref_slice %arg4[%scan3A_41, %dma_wait3A] : memref<32x128xi32, #tpu.memory_space<vmem>> -> memref<1x128xi32, #tpu.memory_space<vmem>>
          %dma_wait3A_48 = tpu.memref_squeeze %dma_wait3A_47 : memref<1x128xi32, #tpu.memory_space<vmem>> -> memref<128xi32, #tpu.memory_space<vmem>>
          %dma_wait3A_49 = arith.constant 0 : i32
          %dma_wait3A_50 = arith.constant 0 : i32
          %dma_wait3A_51 = tpu.memref_slice %arg7[%dma_wait3A_49, %dma_wait3A_50] : memref<10240x128xf32, #tpu.memory_space<vmem_shared>> -> memref<10240x128xf32, #tpu.memory_space<vmem_shared>>
          tpu.wait_indirect_dma semaphore(%run_scoped3A : memref<!tpu.dma_semaphore, #tpu.memory_space<semaphore_mem>>) src(%arg5 : memref<128x128xf32, #tpu.memory_space<vmem>>) dst(%dma_wait3A_51 : memref<10240x128xf32, #tpu.memory_space<vmem_shared>>)
          tpu.yield
        }) : () -> ()
      }
      %scan3A_40 = arith.constant 32 : i32
    }
    %scan3A_25 = arith.constant 5 : i32
    %barrier3A_26 = arith.constant 0 : index
    tpu.barrier barrier_id(%barrier3A_26)
    %mul3A_27 = arith.constant 640 : i32
    %mul3A_28 = arith.muli %arg1, %mul3A_27 : i32
    %mul3A_29 = arith.constant 640 : i32
    %mul3A_30 = arith.muli %arg1, %mul3A_29 : i32
    "tpu.region"() ({
      %run_scoped3A = tpu.sem_alloc : memref<!tpu.dma_semaphore, #tpu.memory_space<semaphore_mem>>
      %dma_start3A = arith.constant 0 : i32
      %dma_start3A_31 = tpu.memref_slice %arg3[%arg0, %mul3A_30, %dma_start3A] : memref<2x10240x128xf32, #tpu.memory_space<hbm>> -> memref<1x640x128xf32, #tpu.memory_space<hbm>>
      %dma_start3A_32 = tpu.memref_squeeze %dma_start3A_31 : memref<1x640x128xf32, #tpu.memory_space<hbm>> -> memref<640x128xf32, #tpu.memory_space<hbm>>
      %dma_start3A_33 = arith.constant 0 : i32
      %dma_start3A_34 = tpu.memref_slice %arg7[%mul3A_28, %dma_start3A_33] : memref<10240x128xf32, #tpu.memory_space<vmem_shared>> -> memref<640x128xf32, #tpu.memory_space<vmem_shared>>
      tpu.enqueue_dma source(%dma_start3A_34 : memref<640x128xf32, #tpu.memory_space<vmem_shared>>) target(%dma_start3A_32 : memref<640x128xf32, #tpu.memory_space<hbm>>) target_semaphore(%run_scoped3A : memref<!tpu.dma_semaphore, #tpu.memory_space<semaphore_mem>>)
      %dma_wait3A = arith.constant 0 : i32
      %dma_wait3A_35 = tpu.memref_slice %arg3[%arg0, %mul3A_30, %dma_wait3A] : memref<2x10240x128xf32, #tpu.memory_space<hbm>> -> memref<1x640x128xf32, #tpu.memory_space<hbm>>
      %dma_wait3A_36 = tpu.memref_squeeze %dma_wait3A_35 : memref<1x640x128xf32, #tpu.memory_space<hbm>> -> memref<640x128xf32, #tpu.memory_space<hbm>>
      %dma_wait3A_37 = arith.constant 0 : i32
      %dma_wait3A_38 = tpu.memref_slice %arg7[%mul3A_28, %dma_wait3A_37] : memref<10240x128xf32, #tpu.memory_space<vmem_shared>> -> memref<640x128xf32, #tpu.memory_space<vmem_shared>>
      tpu.wait_dma2 semaphore(%run_scoped3A : memref<!tpu.dma_semaphore, #tpu.memory_space<semaphore_mem>>) src(%dma_wait3A_38 : memref<640x128xf32, #tpu.memory_space<vmem_shared>>) dst(%dma_wait3A_36 : memref<640x128xf32, #tpu.memory_space<hbm>>)
      tpu.yield
    }) : () -> ()
    return
  }
}

module attributes {stable_mosaic.version = 14 : i64} {
  func.func @_prep_body(%arg0: i32, %arg1: memref<2x1024x128xf32, #tpu.memory_space<vmem>>, %arg2: memref<1024x128xf32, #tpu.memory_space<vmem>>, %arg3: memref<1024x1xf32, #tpu.memory_space<vmem>>, %arg4: memref<1024x128xf32, #tpu.memory_space<vmem>>) attributes {dimension_semantics = [#tpu.dimension_semantics<arbitrary>], iteration_bounds = array<i64: 10>, scalar_prefetch = 0 : i64, scratch_operands = 0 : i64, tpu.core_type = #tpu.core_type<tc>, window_params = [{transform_indices = @transform_0, window_bounds = array<i64: 2, 1024, 128>}, {transform_indices = @transform_1, window_bounds = array<i64: 1024, 128>}, {transform_indices = @transform_2, window_bounds = array<i64: 1024, 1>}, {transform_indices = @transform_3, window_bounds = array<i64: 1024, 128>}]} {
    %get3A = arith.constant 0 : index
    %get3A_0 = arith.constant 0 : index
    %get3A_1 = arith.constant 0 : index
    %get3A_2 = vector.load %arg1[%get3A, %get3A_0, %get3A_1] : memref<2x1024x128xf32, #tpu.memory_space<vmem>>, vector<1x1024x1xf32>
    %get3A_3 = vector.shape_cast %get3A_2 : vector<1x1024x1xf32> to vector<1024x1xf32>
    %get3A_4 = arith.constant 1 : index
    %get3A_5 = arith.constant 0 : index
    %get3A_6 = arith.constant 0 : index
    %get3A_7 = vector.load %arg1[%get3A_4, %get3A_5, %get3A_6] : memref<2x1024x128xf32, #tpu.memory_space<vmem>>, vector<1x1024x1xf32>
    %get3A_8 = vector.shape_cast %get3A_7 : vector<1x1024x1xf32> to vector<1024x1xf32>
    %add3A = arith.addf %get3A_3, %get3A_8 : vector<1024x1xf32>
    %add3A_9 = arith.constant 1.000000e+00 : f32
    %add3A_10 = vector.broadcast %add3A_9 : f32 to vector<1024x1xf32>
    %add3A_11 = arith.addf %add3A, %add3A_10 : vector<1024x1xf32>
    %rsqrt3A = math.rsqrt %add3A_11 : vector<1024x1xf32>
    %swap3A = arith.constant 0 : index
    %swap3A_12 = arith.constant 0 : index
    %swap3A_13 = vector.load %arg3[%swap3A, %swap3A_12] : memref<1024x1xf32, #tpu.memory_space<vmem>>, vector<1024x1xf32>
    tpu.vector_store %arg3[%swap3A, %swap3A_12], %rsqrt3A {strides = array<i32>} : memref<1024x1xf32, #tpu.memory_space<vmem>>, vector<1024x1xf32>,
    %get3A_14 = arith.constant 0 : index
    %get3A_15 = arith.constant 0 : index
    %get3A_16 = vector.load %arg2[%get3A_14, %get3A_15] : memref<1024x128xf32, #tpu.memory_space<vmem>>, vector<1024x128xf32>
    %mul3A = vector.broadcast %rsqrt3A : vector<1024x1xf32> to vector<1024x128xf32>
    %mul3A_17 = arith.mulf %get3A_16, %mul3A : vector<1024x128xf32>
    %swap3A_18 = arith.constant 0 : index
    %swap3A_19 = arith.constant 0 : index
    %swap3A_20 = vector.load %arg4[%swap3A_18, %swap3A_19] : memref<1024x128xf32, #tpu.memory_space<vmem>>, vector<1024x128xf32>
    tpu.vector_store %arg4[%swap3A_18, %swap3A_19], %mul3A_17 {strides = array<i32>} : memref<1024x128xf32, #tpu.memory_space<vmem>>, vector<1024x128xf32>,
    return
  }
  func.func @transform_0(%arg0: i32) -> (i32, i32, i32) {
    %c0_i32 = arith.constant 0 : i32
    %c0_i32_0 = arith.constant 0 : i32
    %c0_i32_1 = arith.constant 0 : i32
    return %c0_i32, %arg0, %c0_i32_0 : i32, i32, i32
  }
  func.func @transform_1(%arg0: i32) -> (i32, i32) {
    %c0_i32 = arith.constant 0 : i32
    %c0_i32_0 = arith.constant 0 : i32
    return %arg0, %c0_i32 : i32, i32
  }
  func.func @transform_2(%arg0: i32) -> (i32, i32) {
    %c0_i32 = arith.constant 0 : i32
    %c0_i32_0 = arith.constant 0 : i32
    return %arg0, %c0_i32 : i32, i32
  }
  func.func @transform_3(%arg0: i32) -> (i32, i32) {
    %c0_i32 = arith.constant 0 : i32
    %c0_i32_0 = arith.constant 0 : i32
    return %arg0, %c0_i32 : i32, i32
  }
}

module attributes {stable_mosaic.version = 14 : i64} {
  func.func @_d1_body(%arg0: i32, %arg1: memref<2x1024x128xf32, #tpu.memory_space<vmem>>, %arg2: memref<1024x128xf32, #tpu.memory_space<vmem>>, %arg3: memref<1024x1xf32, #tpu.memory_space<vmem>>, %arg4: memref<12x64xf32, #tpu.memory_space<vmem>>, %arg5: memref<1x64xf32, #tpu.memory_space<vmem>>, %arg6: memref<2x1024x128xf32, #tpu.memory_space<vmem>>) attributes {dimension_semantics = [#tpu.dimension_semantics<arbitrary>], iteration_bounds = array<i64: 10>, scalar_prefetch = 0 : i64, scratch_operands = 0 : i64, tpu.core_type = #tpu.core_type<tc>, window_params = [{transform_indices = @transform_0, window_bounds = array<i64: 2, 1024, 128>}, {transform_indices = @transform_1, window_bounds = array<i64: 1024, 128>}, {transform_indices = @transform_2, window_bounds = array<i64: 1024, 1>}, {pipeline_mode = #tpu.pipeline_mode<synchronous>, transform_indices = @transform_3, window_bounds = array<i64: 12, 64>}, {pipeline_mode = #tpu.pipeline_mode<synchronous>, transform_indices = @transform_4, window_bounds = array<i64: 1, 64>}, {transform_indices = @transform_5, window_bounds = array<i64: 2, 1024, 128>}]} {
    %get3A = arith.constant 0 : index
    %get3A_0 = arith.constant 0 : index
    %get3A_1 = vector.load %arg3[%get3A, %get3A_0] : memref<1024x1xf32, #tpu.memory_space<vmem>>, vector<1024x1xf32>
    %get3A_2 = arith.constant 0 : index
    %get3A_3 = arith.constant 0 : index
    %get3A_4 = arith.constant 0 : index
    %get3A_5 = vector.load %arg1[%get3A_2, %get3A_3, %get3A_4] : memref<2x1024x128xf32, #tpu.memory_space<vmem>>, vector<1x1024x128xf32>
    %get3A_6 = vector.shape_cast %get3A_5 : vector<1x1024x128xf32> to vector<1024x128xf32>
    %get3A_7 = arith.constant 1 : index
    %get3A_8 = arith.constant 0 : index
    %get3A_9 = arith.constant 0 : index
    %get3A_10 = vector.load %arg1[%get3A_7, %get3A_8, %get3A_9] : memref<2x1024x128xf32, #tpu.memory_space<vmem>>, vector<1x1024x128xf32>
    %get3A_11 = vector.shape_cast %get3A_10 : vector<1x1024x128xf32> to vector<1024x128xf32>
    %add3A = arith.addf %get3A_6, %get3A_11 : vector<1024x128xf32>
    %get3A_12 = arith.constant 0 : index
    %get3A_13 = arith.constant 0 : index
    %get3A_14 = vector.load %arg2[%get3A_12, %get3A_13] : memref<1024x128xf32, #tpu.memory_space<vmem>>, vector<1024x128xf32>
    %add3A_15 = arith.addf %add3A, %get3A_14 : vector<1024x128xf32>
    %mul3A = vector.broadcast %get3A_1 : vector<1024x1xf32> to vector<1024x128xf32>
    %mul3A_16 = arith.mulf %add3A_15, %mul3A : vector<1024x128xf32>
    %get3A_17 = arith.constant 0 : index
    %get3A_18 = arith.constant 0 : index
    %get3A_19 = vector.load %arg4[%get3A_17, %get3A_18] : memref<12x64xf32, #tpu.memory_space<vmem>>, vector<12x64xf32>
    %get3A_20 = arith.constant 0 : index
    %get3A_21 = arith.constant 0 : index
    %get3A_22 = vector.load %arg5[%get3A_20, %get3A_21] : memref<1x64xf32, #tpu.memory_space<vmem>>, vector<1x64xf32>
    %slice3A = vector.extract_strided_slice %mul3A_16 {offsets = [0, 0], sizes = [1024, 12], strides = [1, 1]} : vector<1024x128xf32> to vector<1024x12xf32>
    %dot_general3A = arith.constant dense<0.000000e+00> : vector<1024x64xf32>
    %dot_general3A_23 = tpu.matmul %slice3A, %get3A_19, %dot_general3A {dimension_numbers = #tpu.dot_dimension_numbers<[1], [0], [0], [1], [0, 0, 1, 1], [], []>, precision = #tpu.contract_precision<fp32>, transpose_lhs_hint = false} : vector<1024x12xf32>, vector<12x64xf32>, vector<1024x64xf32> -> vector<1024x64xf32>
    %add3A_24 = vector.broadcast %get3A_22 : vector<1x64xf32> to vector<1024x64xf32>
    %add3A_25 = arith.addf %dot_general3A_23, %add3A_24 : vector<1024x64xf32>
    %max3A = arith.constant 0.000000e+00 : f32
    %max3A_26 = vector.broadcast %max3A : f32 to vector<1024x64xf32>
    %max3A_27 = arith.maximumf %add3A_25, %max3A_26 : vector<1024x64xf32>
    %mul3A_28 = vector.broadcast %get3A_1 : vector<1024x1xf32> to vector<1024x64xf32>
    %mul3A_29 = arith.mulf %max3A_27, %mul3A_28 : vector<1024x64xf32>
    %swap3A = arith.constant 0 : index
    %swap3A_30 = arith.constant 0 : index
    %swap3A_31 = arith.constant 0 : index
    %swap3A_32 = vector.load %arg6[%swap3A, %swap3A_30, %swap3A_31] : memref<2x1024x128xf32, #tpu.memory_space<vmem>>, vector<1x1024x64xf32>
    %swap3A_33 = vector.shape_cast %swap3A_32 : vector<1x1024x64xf32> to vector<1024x64xf32>
    %swap3A_34 = vector.shape_cast %mul3A_29 : vector<1024x64xf32> to vector<1x1024x64xf32>
    tpu.vector_store %arg6[%swap3A, %swap3A_30, %swap3A_31], %swap3A_34 {strides = array<i32>} : memref<2x1024x128xf32, #tpu.memory_space<vmem>>, vector<1x1024x64xf32>,
    %slice3A_35 = vector.extract_strided_slice %mul3A_16 {offsets = [0, 12], sizes = [1024, 12], strides = [1, 1]} : vector<1024x128xf32> to vector<1024x12xf32>
    %dot_general3A_36 = arith.constant dense<0.000000e+00> : vector<1024x64xf32>
    %dot_general3A_37 = tpu.matmul %slice3A_35, %get3A_19, %dot_general3A_36 {dimension_numbers = #tpu.dot_dimension_numbers<[1], [0], [0], [1], [0, 0, 1, 1], [], []>, precision = #tpu.contract_precision<fp32>, transpose_lhs_hint = false} : vector<1024x12xf32>, vector<12x64xf32>, vector<1024x64xf32> -> vector<1024x64xf32>
    %add3A_38 = vector.broadcast %get3A_22 : vector<1x64xf32> to vector<1024x64xf32>
    %add3A_39 = arith.addf %dot_general3A_37, %add3A_38 : vector<1024x64xf32>
    %max3A_40 = arith.constant 0.000000e+00 : f32
    %max3A_41 = vector.broadcast %max3A_40 : f32 to vector<1024x64xf32>
    %max3A_42 = arith.maximumf %add3A_39, %max3A_41 : vector<1024x64xf32>
    %mul3A_43 = vector.broadcast %get3A_1 : vector<1024x1xf32> to vector<1024x64xf32>
    %mul3A_44 = arith.mulf %max3A_42, %mul3A_43 : vector<1024x64xf32>
    %swap3A_45 = arith.constant 0 : index
    %swap3A_46 = arith.constant 0 : index
    %swap3A_47 = arith.constant 64 : index
    %swap3A_48 = vector.load %arg6[%swap3A_45, %swap3A_46, %swap3A_47] : memref<2x1024x128xf32, #tpu.memory_space<vmem>>, vector<1x1024x64xf32>
    %swap3A_49 = vector.shape_cast %swap3A_48 : vector<1x1024x64xf32> to vector<1024x64xf32>
    %swap3A_50 = vector.shape_cast %mul3A_44 : vector<1024x64xf32> to vector<1x1024x64xf32>
    tpu.vector_store %arg6[%swap3A_45, %swap3A_46, %swap3A_47], %swap3A_50 {strides = array<i32>} : memref<2x1024x128xf32, #tpu.memory_space<vmem>>, vector<1x1024x64xf32>,
    %slice3A_51 = vector.extract_strided_slice %mul3A_16 {offsets = [0, 24], sizes = [1024, 12], strides = [1, 1]} : vector<1024x128xf32> to vector<1024x12xf32>
    %dot_general3A_52 = arith.constant dense<0.000000e+00> : vector<1024x64xf32>
    %dot_general3A_53 = tpu.matmul %slice3A_51, %get3A_19, %dot_general3A_52 {dimension_numbers = #tpu.dot_dimension_numbers<[1], [0], [0], [1], [0, 0, 1, 1], [], []>, precision = #tpu.contract_precision<fp32>, transpose_lhs_hint = false} : vector<1024x12xf32>, vector<12x64xf32>, vector<1024x64xf32> -> vector<1024x64xf32>
    %add3A_54 = vector.broadcast %get3A_22 : vector<1x64xf32> to vector<1024x64xf32>
    %add3A_55 = arith.addf %dot_general3A_53, %add3A_54 : vector<1024x64xf32>
    %max3A_56 = arith.constant 0.000000e+00 : f32
    %max3A_57 = vector.broadcast %max3A_56 : f32 to vector<1024x64xf32>
    %max3A_58 = arith.maximumf %add3A_55, %max3A_57 : vector<1024x64xf32>
    %mul3A_59 = vector.broadcast %get3A_1 : vector<1024x1xf32> to vector<1024x64xf32>
    %mul3A_60 = arith.mulf %max3A_58, %mul3A_59 : vector<1024x64xf32>
    %swap3A_61 = arith.constant 1 : index
    %swap3A_62 = arith.constant 0 : index
    %swap3A_63 = arith.constant 0 : index
    %swap3A_64 = vector.load %arg6[%swap3A_61, %swap3A_62, %swap3A_63] : memref<2x1024x128xf32, #tpu.memory_space<vmem>>, vector<1x1024x64xf32>
    %swap3A_65 = vector.shape_cast %swap3A_64 : vector<1x1024x64xf32> to vector<1024x64xf32>
    %swap3A_66 = vector.shape_cast %mul3A_60 : vector<1024x64xf32> to vector<1x1024x64xf32>
    tpu.vector_store %arg6[%swap3A_61, %swap3A_62, %swap3A_63], %swap3A_66 {strides = array<i32>} : memref<2x1024x128xf32, #tpu.memory_space<vmem>>, vector<1x1024x64xf32>,
    %slice3A_67 = vector.extract_strided_slice %mul3A_16 {offsets = [0, 36], sizes = [1024, 12], strides = [1, 1]} : vector<1024x128xf32> to vector<1024x12xf32>
    %dot_general3A_68 = arith.constant dense<0.000000e+00> : vector<1024x64xf32>
    %dot_general3A_69 = tpu.matmul %slice3A_67, %get3A_19, %dot_general3A_68 {dimension_numbers = #tpu.dot_dimension_numbers<[1], [0], [0], [1], [0, 0, 1, 1], [], []>, precision = #tpu.contract_precision<fp32>, transpose_lhs_hint = false} : vector<1024x12xf32>, vector<12x64xf32>, vector<1024x64xf32> -> vector<1024x64xf32>
    %add3A_70 = vector.broadcast %get3A_22 : vector<1x64xf32> to vector<1024x64xf32>
    %add3A_71 = arith.addf %dot_general3A_69, %add3A_70 : vector<1024x64xf32>
    %max3A_72 = arith.constant 0.000000e+00 : f32
    %max3A_73 = vector.broadcast %max3A_72 : f32 to vector<1024x64xf32>
    %max3A_74 = arith.maximumf %add3A_71, %max3A_73 : vector<1024x64xf32>
    %mul3A_75 = vector.broadcast %get3A_1 : vector<1024x1xf32> to vector<1024x64xf32>
    %mul3A_76 = arith.mulf %max3A_74, %mul3A_75 : vector<1024x64xf32>
    %swap3A_77 = arith.constant 1 : index
    %swap3A_78 = arith.constant 0 : index
    %swap3A_79 = arith.constant 64 : index
    %swap3A_80 = vector.load %arg6[%swap3A_77, %swap3A_78, %swap3A_79] : memref<2x1024x128xf32, #tpu.memory_space<vmem>>, vector<1x1024x64xf32>
    %swap3A_81 = vector.shape_cast %swap3A_80 : vector<1x1024x64xf32> to vector<1024x64xf32>
    %swap3A_82 = vector.shape_cast %mul3A_76 : vector<1024x64xf32> to vector<1x1024x64xf32>
    tpu.vector_store %arg6[%swap3A_77, %swap3A_78, %swap3A_79], %swap3A_82 {strides = array<i32>} : memref<2x1024x128xf32, #tpu.memory_space<vmem>>, vector<1x1024x64xf32>,
    return
  }
  func.func @transform_0(%arg0: i32) -> (i32, i32, i32) {
    %c0_i32 = arith.constant 0 : i32
    %c0_i32_0 = arith.constant 0 : i32
    %c0_i32_1 = arith.constant 0 : i32
    return %c0_i32, %arg0, %c0_i32_0 : i32, i32, i32
  }
  func.func @transform_1(%arg0: i32) -> (i32, i32) {
    %c0_i32 = arith.constant 0 : i32
    %c0_i32_0 = arith.constant 0 : i32
    return %arg0, %c0_i32 : i32, i32
  }
  func.func @transform_2(%arg0: i32) -> (i32, i32) {
    %c0_i32 = arith.constant 0 : i32
    %c0_i32_0 = arith.constant 0 : i32
    return %arg0, %c0_i32 : i32, i32
  }
  func.func @transform_3(%arg0: i32) -> (i32, i32) {
    %c0_i32 = arith.constant 0 : i32
    %c0_i32_0 = arith.constant 0 : i32
    %c0_i32_1 = arith.constant 0 : i32
    return %c0_i32, %c0_i32_0 : i32, i32
  }
  func.func @transform_4(%arg0: i32) -> (i32, i32) {
    %c0_i32 = arith.constant 0 : i32
    %c0_i32_0 = arith.constant 0 : i32
    %c0_i32_1 = arith.constant 0 : i32
    return %c0_i32, %c0_i32_0 : i32, i32
  }
  func.func @transform_5(%arg0: i32) -> (i32, i32, i32) {
    %c0_i32 = arith.constant 0 : i32
    %c0_i32_0 = arith.constant 0 : i32
    %c0_i32_1 = arith.constant 0 : i32
    return %c0_i32, %arg0, %c0_i32_0 : i32, i32, i32
  }
}

module attributes {stable_mosaic.version = 14 : i64} {
  func.func @_d2_body(%arg0: i32, %arg1: memref<2x1024x128xf32, #tpu.memory_space<vmem>>, %arg2: memref<2x1024x128xf32, #tpu.memory_space<vmem>>, %arg3: memref<1024x1xf32, #tpu.memory_space<vmem>>, %arg4: memref<64x64xf32, #tpu.memory_space<vmem>>, %arg5: memref<1x64xf32, #tpu.memory_space<vmem>>, %arg6: memref<64x64xf32, #tpu.memory_space<vmem>>, %arg7: memref<64x64xf32, #tpu.memory_space<vmem>>, %arg8: memref<64x64xf32, #tpu.memory_space<vmem>>, %arg9: memref<1x64xf32, #tpu.memory_space<vmem>>, %arg10: memref<1x64xf32, #tpu.memory_space<vmem>>, %arg11: memref<1x64xf32, #tpu.memory_space<vmem>>, %arg12: memref<4x1024x64xf32, #tpu.memory_space<vmem>>, %arg13: memref<4x1024x64xf32, #tpu.memory_space<vmem>>, %arg14: memref<4x1024x64xf32, #tpu.memory_space<vmem>>) attributes {dimension_semantics = [#tpu.dimension_semantics<arbitrary>], iteration_bounds = array<i64: 10>, scalar_prefetch = 0 : i64, scratch_operands = 0 : i64, tpu.core_type = #tpu.core_type<tc>, window_params = [{transform_indices = @transform_0, window_bounds = array<i64: 2, 1024, 128>}, {transform_indices = @transform_1, window_bounds = array<i64: 2, 1024, 128>}, {transform_indices = @transform_2, window_bounds = array<i64: 1024, 1>}, {pipeline_mode = #tpu.pipeline_mode<synchronous>, transform_indices = @transform_3, window_bounds = array<i64: 64, 64>}, {pipeline_mode = #tpu.pipeline_mode<synchronous>, transform_indices = @transform_4, window_bounds = array<i64: 1, 64>}, {pipeline_mode = #tpu.pipeline_mode<synchronous>, transform_indices = @transform_5, window_bounds = array<i64: 64, 64>}, {pipeline_mode = #tpu.pipeline_mode<synchronous>, transform_indices = @transform_6, window_bounds = array<i64: 64, 64>}, {pipeline_mode = #tpu.pipeline_mode<synchronous>, transform_indices = @transform_7, window_bounds = array<i64: 64, 64>}, {pipeline_mode = #tpu.pipeline_mode<synchronous>, transform_indices = @transform_8, window_bounds = array<i64: 1, 64>}, {pipeline_mode = #tpu.pipeline_mode<synchronous>, transform_indices = @transform_9, window_bounds = array<i64: 1, 64>}, {pipeline_mode = #tpu.pipeline_mode<synchronous>, transform_indices = @transform_10, window_bounds = array<i64: 1, 64>}, {transform_indices = @transform_11, window_bounds = array<i64: 4, 1024, 64>}, {transform_indices = @transform_12, window_bounds = array<i64: 4, 1024, 64>}, {transform_indices = @transform_13, window_bounds = array<i64: 4, 1024, 64>}]} {
    %get3A = arith.constant 0 : index
    %get3A_0 = arith.constant 0 : index
    %get3A_1 = vector.load %arg3[%get3A, %get3A_0] : memref<1024x1xf32, #tpu.memory_space<vmem>>, vector<1024x1xf32>
    %get3A_2 = arith.constant 0 : index
    %get3A_3 = arith.constant 0 : index
    %get3A_4 = vector.load %arg4[%get3A_2, %get3A_3] : memref<64x64xf32, #tpu.memory_space<vmem>>, vector<64x64xf32>
    %get3A_5 = arith.constant 0 : index
    %get3A_6 = arith.constant 0 : index
    %get3A_7 = vector.load %arg5[%get3A_5, %get3A_6] : memref<1x64xf32, #tpu.memory_space<vmem>>, vector<1x64xf32>
    %get3A_8 = arith.constant 0 : index
    %get3A_9 = arith.constant 0 : index
    %get3A_10 = arith.constant 0 : index
    %get3A_11 = vector.load %arg1[%get3A_8, %get3A_9, %get3A_10] : memref<2x1024x128xf32, #tpu.memory_space<vmem>>, vector<1x1024x64xf32>
    %get3A_12 = vector.shape_cast %get3A_11 : vector<1x1024x64xf32> to vector<1024x64xf32>
    %get3A_13 = arith.constant 0 : index
    %get3A_14 = arith.constant 0 : index
    %get3A_15 = arith.constant 0 : index
    %get3A_16 = vector.load %arg2[%get3A_13, %get3A_14, %get3A_15] : memref<2x1024x128xf32, #tpu.memory_space<vmem>>, vector<1x1024x64xf32>
    %get3A_17 = vector.shape_cast %get3A_16 : vector<1x1024x64xf32> to vector<1024x64xf32>
    %add3A = arith.addf %get3A_12, %get3A_17 : vector<1024x64xf32>
    %mul3A = vector.broadcast %get3A_1 : vector<1024x1xf32> to vector<1024x64xf32>
    %mul3A_18 = arith.mulf %add3A, %mul3A : vector<1024x64xf32>
    %dot_general3A = arith.constant dense<0.000000e+00> : vector<1024x64xf32>
    %dot_general3A_19 = tpu.matmul %mul3A_18, %get3A_4, %dot_general3A {dimension_numbers = #tpu.dot_dimension_numbers<[1], [0], [0], [1], [0, 0, 1, 1], [], []>, precision = #tpu.contract_precision<fp32>, transpose_lhs_hint = false} : vector<1024x64xf32>, vector<64x64xf32>, vector<1024x64xf32> -> vector<1024x64xf32>
    %add3A_20 = vector.broadcast %get3A_7 : vector<1x64xf32> to vector<1024x64xf32>
    %add3A_21 = arith.addf %dot_general3A_19, %add3A_20 : vector<1024x64xf32>
    %max3A = arith.constant 0.000000e+00 : f32
    %max3A_22 = vector.broadcast %max3A : f32 to vector<1024x64xf32>
    %max3A_23 = arith.maximumf %add3A_21, %max3A_22 : vector<1024x64xf32>
    %get3A_24 = arith.constant 0 : index
    %get3A_25 = arith.constant 0 : index
    %get3A_26 = vector.load %arg6[%get3A_24, %get3A_25] : memref<64x64xf32, #tpu.memory_space<vmem>>, vector<64x64xf32>
    %dot_general3A_27 = arith.constant dense<0.000000e+00> : vector<1024x64xf32>
    %dot_general3A_28 = tpu.matmul %max3A_23, %get3A_26, %dot_general3A_27 {dimension_numbers = #tpu.dot_dimension_numbers<[1], [0], [0], [1], [0, 0, 1, 1], [], []>, precision = #tpu.contract_precision<fp32>, transpose_lhs_hint = false} : vector<1024x64xf32>, vector<64x64xf32>, vector<1024x64xf32> -> vector<1024x64xf32>
    %get3A_29 = arith.constant 0 : index
    %get3A_30 = arith.constant 0 : index
    %get3A_31 = vector.load %arg9[%get3A_29, %get3A_30] : memref<1x64xf32, #tpu.memory_space<vmem>>, vector<1x64xf32>
    %add3A_32 = vector.broadcast %get3A_31 : vector<1x64xf32> to vector<1024x64xf32>
    %add3A_33 = arith.addf %dot_general3A_28, %add3A_32 : vector<1024x64xf32>
    %swap3A = arith.constant 0 : index
    %swap3A_34 = arith.constant 0 : index
    %swap3A_35 = arith.constant 0 : index
    %swap3A_36 = vector.load %arg12[%swap3A, %swap3A_34, %swap3A_35] : memref<4x1024x64xf32, #tpu.memory_space<vmem>>, vector<1x1024x64xf32>
    %swap3A_37 = vector.shape_cast %swap3A_36 : vector<1x1024x64xf32> to vector<1024x64xf32>
    %swap3A_38 = vector.shape_cast %add3A_33 : vector<1024x64xf32> to vector<1x1024x64xf32>
    tpu.vector_store %arg12[%swap3A, %swap3A_34, %swap3A_35], %swap3A_38 {strides = array<i32>} : memref<4x1024x64xf32, #tpu.memory_space<vmem>>, vector<1x1024x64xf32>,
    %get3A_39 = arith.constant 0 : index
    %get3A_40 = arith.constant 0 : index
    %get3A_41 = vector.load %arg7[%get3A_39, %get3A_40] : memref<64x64xf32, #tpu.memory_space<vmem>>, vector<64x64xf32>
    %dot_general3A_42 = arith.constant dense<0.000000e+00> : vector<1024x64xf32>
    %dot_general3A_43 = tpu.matmul %max3A_23, %get3A_41, %dot_general3A_42 {dimension_numbers = #tpu.dot_dimension_numbers<[1], [0], [0], [1], [0, 0, 1, 1], [], []>, precision = #tpu.contract_precision<fp32>, transpose_lhs_hint = false} : vector<1024x64xf32>, vector<64x64xf32>, vector<1024x64xf32> -> vector<1024x64xf32>
    %get3A_44 = arith.constant 0 : index
    %get3A_45 = arith.constant 0 : index
    %get3A_46 = vector.load %arg10[%get3A_44, %get3A_45] : memref<1x64xf32, #tpu.memory_space<vmem>>, vector<1x64xf32>
    %add3A_47 = vector.broadcast %get3A_46 : vector<1x64xf32> to vector<1024x64xf32>
    %add3A_48 = arith.addf %dot_general3A_43, %add3A_47 : vector<1024x64xf32>
    %swap3A_49 = arith.constant 0 : index
    %swap3A_50 = arith.constant 0 : index
    %swap3A_51 = arith.constant 0 : index
    %swap3A_52 = vector.load %arg13[%swap3A_49, %swap3A_50, %swap3A_51] : memref<4x1024x64xf32, #tpu.memory_space<vmem>>, vector<1x1024x64xf32>
    %swap3A_53 = vector.shape_cast %swap3A_52 : vector<1x1024x64xf32> to vector<1024x64xf32>
    %swap3A_54 = vector.shape_cast %add3A_48 : vector<1024x64xf32> to vector<1x1024x64xf32>
    tpu.vector_store %arg13[%swap3A_49, %swap3A_50, %swap3A_51], %swap3A_54 {strides = array<i32>} : memref<4x1024x64xf32, #tpu.memory_space<vmem>>, vector<1x1024x64xf32>,
    %get3A_55 = arith.constant 0 : index
    %get3A_56 = arith.constant 0 : index
    %get3A_57 = vector.load %arg8[%get3A_55, %get3A_56] : memref<64x64xf32, #tpu.memory_space<vmem>>, vector<64x64xf32>
    %dot_general3A_58 = arith.constant dense<0.000000e+00> : vector<1024x64xf32>
    %dot_general3A_59 = tpu.matmul %max3A_23, %get3A_57, %dot_general3A_58 {dimension_numbers = #tpu.dot_dimension_numbers<[1], [0], [0], [1], [0, 0, 1, 1], [], []>, precision = #tpu.contract_precision<fp32>, transpose_lhs_hint = false} : vector<1024x64xf32>, vector<64x64xf32>, vector<1024x64xf32> -> vector<1024x64xf32>
    %get3A_60 = arith.constant 0 : index
    %get3A_61 = arith.constant 0 : index
    %get3A_62 = vector.load %arg11[%get3A_60, %get3A_61] : memref<1x64xf32, #tpu.memory_space<vmem>>, vector<1x64xf32>
    %add3A_63 = vector.broadcast %get3A_62 : vector<1x64xf32> to vector<1024x64xf32>
    %add3A_64 = arith.addf %dot_general3A_59, %add3A_63 : vector<1024x64xf32>
    %swap3A_65 = arith.constant 0 : index
    %swap3A_66 = arith.constant 0 : index
    %swap3A_67 = arith.constant 0 : index
    %swap3A_68 = vector.load %arg14[%swap3A_65, %swap3A_66, %swap3A_67] : memref<4x1024x64xf32, #tpu.memory_space<vmem>>, vector<1x1024x64xf32>
    %swap3A_69 = vector.shape_cast %swap3A_68 : vector<1x1024x64xf32> to vector<1024x64xf32>
    %swap3A_70 = vector.shape_cast %add3A_64 : vector<1024x64xf32> to vector<1x1024x64xf32>
    tpu.vector_store %arg14[%swap3A_65, %swap3A_66, %swap3A_67], %swap3A_70 {strides = array<i32>} : memref<4x1024x64xf32, #tpu.memory_space<vmem>>, vector<1x1024x64xf32>,
    %get3A_71 = arith.constant 0 : index
    %get3A_72 = arith.constant 0 : index
    %get3A_73 = arith.constant 64 : index
    %get3A_74 = vector.load %arg1[%get3A_71, %get3A_72, %get3A_73] : memref<2x1024x128xf32, #tpu.memory_space<vmem>>, vector<1x1024x64xf32>
    %get3A_75 = vector.shape_cast %get3A_74 : vector<1x1024x64xf32> to vector<1024x64xf32>
    %get3A_76 = arith.constant 0 : index
    %get3A_77 = arith.constant 0 : index
    %get3A_78 = arith.constant 64 : index
    %get3A_79 = vector.load %arg2[%get3A_76, %get3A_77, %get3A_78] : memref<2x1024x128xf32, #tpu.memory_space<vmem>>, vector<1x1024x64xf32>
    %get3A_80 = vector.shape_cast %get3A_79 : vector<1x1024x64xf32> to vector<1024x64xf32>
    %add3A_81 = arith.addf %get3A_75, %get3A_80 : vector<1024x64xf32>
    %mul3A_82 = vector.broadcast %get3A_1 : vector<1024x1xf32> to vector<1024x64xf32>
    %mul3A_83 = arith.mulf %add3A_81, %mul3A_82 : vector<1024x64xf32>
    %dot_general3A_84 = arith.constant dense<0.000000e+00> : vector<1024x64xf32>
    %dot_general3A_85 = tpu.matmul %mul3A_83, %get3A_4, %dot_general3A_84 {dimension_numbers = #tpu.dot_dimension_numbers<[1], [0], [0], [1], [0, 0, 1, 1], [], []>, precision = #tpu.contract_precision<fp32>, transpose_lhs_hint = false} : vector<1024x64xf32>, vector<64x64xf32>, vector<1024x64xf32> -> vector<1024x64xf32>
    %add3A_86 = vector.broadcast %get3A_7 : vector<1x64xf32> to vector<1024x64xf32>
    %add3A_87 = arith.addf %dot_general3A_85, %add3A_86 : vector<1024x64xf32>
    %max3A_88 = arith.constant 0.000000e+00 : f32
    %max3A_89 = vector.broadcast %max3A_88 : f32 to vector<1024x64xf32>
    %max3A_90 = arith.maximumf %add3A_87, %max3A_89 : vector<1024x64xf32>
    %get3A_91 = arith.constant 0 : index
    %get3A_92 = arith.constant 0 : index
    %get3A_93 = vector.load %arg6[%get3A_91, %get3A_92] : memref<64x64xf32, #tpu.memory_space<vmem>>, vector<64x64xf32>
    %dot_general3A_94 = arith.constant dense<0.000000e+00> : vector<1024x64xf32>
    %dot_general3A_95 = tpu.matmul %max3A_90, %get3A_93, %dot_general3A_94 {dimension_numbers = #tpu.dot_dimension_numbers<[1], [0], [0], [1], [0, 0, 1, 1], [], []>, precision = #tpu.contract_precision<fp32>, transpose_lhs_hint = false} : vector<1024x64xf32>, vector<64x64xf32>, vector<1024x64xf32> -> vector<1024x64xf32>
    %get3A_96 = arith.constant 0 : index
    %get3A_97 = arith.constant 0 : index
    %get3A_98 = vector.load %arg9[%get3A_96, %get3A_97] : memref<1x64xf32, #tpu.memory_space<vmem>>, vector<1x64xf32>
    %add3A_99 = vector.broadcast %get3A_98 : vector<1x64xf32> to vector<1024x64xf32>
    %add3A_100 = arith.addf %dot_general3A_95, %add3A_99 : vector<1024x64xf32>
    %swap3A_101 = arith.constant 1 : index
    %swap3A_102 = arith.constant 0 : index
    %swap3A_103 = arith.constant 0 : index
    %swap3A_104 = vector.load %arg12[%swap3A_101, %swap3A_102, %swap3A_103] : memref<4x1024x64xf32, #tpu.memory_space<vmem>>, vector<1x1024x64xf32>
    %swap3A_105 = vector.shape_cast %swap3A_104 : vector<1x1024x64xf32> to vector<1024x64xf32>
    %swap3A_106 = vector.shape_cast %add3A_100 : vector<1024x64xf32> to vector<1x1024x64xf32>
    tpu.vector_store %arg12[%swap3A_101, %swap3A_102, %swap3A_103], %swap3A_106 {strides = array<i32>} : memref<4x1024x64xf32, #tpu.memory_space<vmem>>, vector<1x1024x64xf32>,
    %get3A_107 = arith.constant 0 : index
    %get3A_108 = arith.constant 0 : index
    %get3A_109 = vector.load %arg7[%get3A_107, %get3A_108] : memref<64x64xf32, #tpu.memory_space<vmem>>, vector<64x64xf32>
    %dot_general3A_110 = arith.constant dense<0.000000e+00> : vector<1024x64xf32>
    %dot_general3A_111 = tpu.matmul %max3A_90, %get3A_109, %dot_general3A_110 {dimension_numbers = #tpu.dot_dimension_numbers<[1], [0], [0], [1], [0, 0, 1, 1], [], []>, precision = #tpu.contract_precision<fp32>, transpose_lhs_hint = false} : vector<1024x64xf32>, vector<64x64xf32>, vector<1024x64xf32> -> vector<1024x64xf32>
    %get3A_112 = arith.constant 0 : index
    %get3A_113 = arith.constant 0 : index
    %get3A_114 = vector.load %arg10[%get3A_112, %get3A_113] : memref<1x64xf32, #tpu.memory_space<vmem>>, vector<1x64xf32>
    %add3A_115 = vector.broadcast %get3A_114 : vector<1x64xf32> to vector<1024x64xf32>
    %add3A_116 = arith.addf %dot_general3A_111, %add3A_115 : vector<1024x64xf32>
    %swap3A_117 = arith.constant 1 : index
    %swap3A_118 = arith.constant 0 : index
    %swap3A_119 = arith.constant 0 : index
    %swap3A_120 = vector.load %arg13[%swap3A_117, %swap3A_118, %swap3A_119] : memref<4x1024x64xf32, #tpu.memory_space<vmem>>, vector<1x1024x64xf32>
    %swap3A_121 = vector.shape_cast %swap3A_120 : vector<1x1024x64xf32> to vector<1024x64xf32>
    %swap3A_122 = vector.shape_cast %add3A_116 : vector<1024x64xf32> to vector<1x1024x64xf32>
    tpu.vector_store %arg13[%swap3A_117, %swap3A_118, %swap3A_119], %swap3A_122 {strides = array<i32>} : memref<4x1024x64xf32, #tpu.memory_space<vmem>>, vector<1x1024x64xf32>,
    %get3A_123 = arith.constant 0 : index
    %get3A_124 = arith.constant 0 : index
    %get3A_125 = vector.load %arg8[%get3A_123, %get3A_124] : memref<64x64xf32, #tpu.memory_space<vmem>>, vector<64x64xf32>
    %dot_general3A_126 = arith.constant dense<0.000000e+00> : vector<1024x64xf32>
    %dot_general3A_127 = tpu.matmul %max3A_90, %get3A_125, %dot_general3A_126 {dimension_numbers = #tpu.dot_dimension_numbers<[1], [0], [0], [1], [0, 0, 1, 1], [], []>, precision = #tpu.contract_precision<fp32>, transpose_lhs_hint = false} : vector<1024x64xf32>, vector<64x64xf32>, vector<1024x64xf32> -> vector<1024x64xf32>
    %get3A_128 = arith.constant 0 : index
    %get3A_129 = arith.constant 0 : index
    %get3A_130 = vector.load %arg11[%get3A_128, %get3A_129] : memref<1x64xf32, #tpu.memory_space<vmem>>, vector<1x64xf32>
    %add3A_131 = vector.broadcast %get3A_130 : vector<1x64xf32> to vector<1024x64xf32>
    %add3A_132 = arith.addf %dot_general3A_127, %add3A_131 : vector<1024x64xf32>
    %swap3A_133 = arith.constant 1 : index
    %swap3A_134 = arith.constant 0 : index
    %swap3A_135 = arith.constant 0 : index
    %swap3A_136 = vector.load %arg14[%swap3A_133, %swap3A_134, %swap3A_135] : memref<4x1024x64xf32, #tpu.memory_space<vmem>>, vector<1x1024x64xf32>
    %swap3A_137 = vector.shape_cast %swap3A_136 : vector<1x1024x64xf32> to vector<1024x64xf32>
    %swap3A_138 = vector.shape_cast %add3A_132 : vector<1024x64xf32> to vector<1x1024x64xf32>
    tpu.vector_store %arg14[%swap3A_133, %swap3A_134, %swap3A_135], %swap3A_138 {strides = array<i32>} : memref<4x1024x64xf32, #tpu.memory_space<vmem>>, vector<1x1024x64xf32>,
    %get3A_139 = arith.constant 1 : index
    %get3A_140 = arith.constant 0 : index
    %get3A_141 = arith.constant 0 : index
    %get3A_142 = vector.load %arg1[%get3A_139, %get3A_140, %get3A_141] : memref<2x1024x128xf32, #tpu.memory_space<vmem>>, vector<1x1024x64xf32>
    %get3A_143 = vector.shape_cast %get3A_142 : vector<1x1024x64xf32> to vector<1024x64xf32>
    %get3A_144 = arith.constant 1 : index
    %get3A_145 = arith.constant 0 : index
    %get3A_146 = arith.constant 0 : index
    %get3A_147 = vector.load %arg2[%get3A_144, %get3A_145, %get3A_146] : memref<2x1024x128xf32, #tpu.memory_space<vmem>>, vector<1x1024x64xf32>
    %get3A_148 = vector.shape_cast %get3A_147 : vector<1x1024x64xf32> to vector<1024x64xf32>
    %add3A_149 = arith.addf %get3A_143, %get3A_148 : vector<1024x64xf32>
    %mul3A_150 = vector.broadcast %get3A_1 : vector<1024x1xf32> to vector<1024x64xf32>
    %mul3A_151 = arith.mulf %add3A_149, %mul3A_150 : vector<1024x64xf32>
    %dot_general3A_152 = arith.constant dense<0.000000e+00> : vector<1024x64xf32>
    %dot_general3A_153 = tpu.matmul %mul3A_151, %get3A_4, %dot_general3A_152 {dimension_numbers = #tpu.dot_dimension_numbers<[1], [0], [0], [1], [0, 0, 1, 1], [], []>, precision = #tpu.contract_precision<fp32>, transpose_lhs_hint = false} : vector<1024x64xf32>, vector<64x64xf32>, vector<1024x64xf32> -> vector<1024x64xf32>
    %add3A_154 = vector.broadcast %get3A_7 : vector<1x64xf32> to vector<1024x64xf32>
    %add3A_155 = arith.addf %dot_general3A_153, %add3A_154 : vector<1024x64xf32>
    %max3A_156 = arith.constant 0.000000e+00 : f32
    %max3A_157 = vector.broadcast %max3A_156 : f32 to vector<1024x64xf32>
    %max3A_158 = arith.maximumf %add3A_155, %max3A_157 : vector<1024x64xf32>
    %get3A_159 = arith.constant 0 : index
    %get3A_160 = arith.constant 0 : index
    %get3A_161 = vector.load %arg6[%get3A_159, %get3A_160] : memref<64x64xf32, #tpu.memory_space<vmem>>, vector<64x64xf32>
    %dot_general3A_162 = arith.constant dense<0.000000e+00> : vector<1024x64xf32>
    %dot_general3A_163 = tpu.matmul %max3A_158, %get3A_161, %dot_general3A_162 {dimension_numbers = #tpu.dot_dimension_numbers<[1], [0], [0], [1], [0, 0, 1, 1], [], []>, precision = #tpu.contract_precision<fp32>, transpose_lhs_hint = false} : vector<1024x64xf32>, vector<64x64xf32>, vector<1024x64xf32> -> vector<1024x64xf32>
    %get3A_164 = arith.constant 0 : index
    %get3A_165 = arith.constant 0 : index
    %get3A_166 = vector.load %arg9[%get3A_164, %get3A_165] : memref<1x64xf32, #tpu.memory_space<vmem>>, vector<1x64xf32>
    %add3A_167 = vector.broadcast %get3A_166 : vector<1x64xf32> to vector<1024x64xf32>
    %add3A_168 = arith.addf %dot_general3A_163, %add3A_167 : vector<1024x64xf32>
    %swap3A_169 = arith.constant 2 : index
    %swap3A_170 = arith.constant 0 : index
    %swap3A_171 = arith.constant 0 : index
    %swap3A_172 = vector.load %arg12[%swap3A_169, %swap3A_170, %swap3A_171] : memref<4x1024x64xf32, #tpu.memory_space<vmem>>, vector<1x1024x64xf32>
    %swap3A_173 = vector.shape_cast %swap3A_172 : vector<1x1024x64xf32> to vector<1024x64xf32>
    %swap3A_174 = vector.shape_cast %add3A_168 : vector<1024x64xf32> to vector<1x1024x64xf32>
    tpu.vector_store %arg12[%swap3A_169, %swap3A_170, %swap3A_171], %swap3A_174 {strides = array<i32>} : memref<4x1024x64xf32, #tpu.memory_space<vmem>>, vector<1x1024x64xf32>,
    %get3A_175 = arith.constant 0 : index
    %get3A_176 = arith.constant 0 : index
    %get3A_177 = vector.load %arg7[%get3A_175, %get3A_176] : memref<64x64xf32, #tpu.memory_space<vmem>>, vector<64x64xf32>
    %dot_general3A_178 = arith.constant dense<0.000000e+00> : vector<1024x64xf32>
    %dot_general3A_179 = tpu.matmul %max3A_158, %get3A_177, %dot_general3A_178 {dimension_numbers = #tpu.dot_dimension_numbers<[1], [0], [0], [1], [0, 0, 1, 1], [], []>, precision = #tpu.contract_precision<fp32>, transpose_lhs_hint = false} : vector<1024x64xf32>, vector<64x64xf32>, vector<1024x64xf32> -> vector<1024x64xf32>
    %get3A_180 = arith.constant 0 : index
    %get3A_181 = arith.constant 0 : index
    %get3A_182 = vector.load %arg10[%get3A_180, %get3A_181] : memref<1x64xf32, #tpu.memory_space<vmem>>, vector<1x64xf32>
    %add3A_183 = vector.broadcast %get3A_182 : vector<1x64xf32> to vector<1024x64xf32>
    %add3A_184 = arith.addf %dot_general3A_179, %add3A_183 : vector<1024x64xf32>
    %swap3A_185 = arith.constant 2 : index
    %swap3A_186 = arith.constant 0 : index
    %swap3A_187 = arith.constant 0 : index
    %swap3A_188 = vector.load %arg13[%swap3A_185, %swap3A_186, %swap3A_187] : memref<4x1024x64xf32, #tpu.memory_space<vmem>>, vector<1x1024x64xf32>
    %swap3A_189 = vector.shape_cast %swap3A_188 : vector<1x1024x64xf32> to vector<1024x64xf32>
    %swap3A_190 = vector.shape_cast %add3A_184 : vector<1024x64xf32> to vector<1x1024x64xf32>
    tpu.vector_store %arg13[%swap3A_185, %swap3A_186, %swap3A_187], %swap3A_190 {strides = array<i32>} : memref<4x1024x64xf32, #tpu.memory_space<vmem>>, vector<1x1024x64xf32>,
    %get3A_191 = arith.constant 0 : index
    %get3A_192 = arith.constant 0 : index
    %get3A_193 = vector.load %arg8[%get3A_191, %get3A_192] : memref<64x64xf32, #tpu.memory_space<vmem>>, vector<64x64xf32>
    %dot_general3A_194 = arith.constant dense<0.000000e+00> : vector<1024x64xf32>
    %dot_general3A_195 = tpu.matmul %max3A_158, %get3A_193, %dot_general3A_194 {dimension_numbers = #tpu.dot_dimension_numbers<[1], [0], [0], [1], [0, 0, 1, 1], [], []>, precision = #tpu.contract_precision<fp32>, transpose_lhs_hint = false} : vector<1024x64xf32>, vector<64x64xf32>, vector<1024x64xf32> -> vector<1024x64xf32>
    %get3A_196 = arith.constant 0 : index
    %get3A_197 = arith.constant 0 : index
    %get3A_198 = vector.load %arg11[%get3A_196, %get3A_197] : memref<1x64xf32, #tpu.memory_space<vmem>>, vector<1x64xf32>
    %add3A_199 = vector.broadcast %get3A_198 : vector<1x64xf32> to vector<1024x64xf32>
    %add3A_200 = arith.addf %dot_general3A_195, %add3A_199 : vector<1024x64xf32>
    %swap3A_201 = arith.constant 2 : index
    %swap3A_202 = arith.constant 0 : index
    %swap3A_203 = arith.constant 0 : index
    %swap3A_204 = vector.load %arg14[%swap3A_201, %swap3A_202, %swap3A_203] : memref<4x1024x64xf32, #tpu.memory_space<vmem>>, vector<1x1024x64xf32>
    %swap3A_205 = vector.shape_cast %swap3A_204 : vector<1x1024x64xf32> to vector<1024x64xf32>
    %swap3A_206 = vector.shape_cast %add3A_200 : vector<1024x64xf32> to vector<1x1024x64xf32>
    tpu.vector_store %arg14[%swap3A_201, %swap3A_202, %swap3A_203], %swap3A_206 {strides = array<i32>} : memref<4x1024x64xf32, #tpu.memory_space<vmem>>, vector<1x1024x64xf32>,
    %get3A_207 = arith.constant 1 : index
    %get3A_208 = arith.constant 0 : index
    %get3A_209 = arith.constant 64 : index
    %get3A_210 = vector.load %arg1[%get3A_207, %get3A_208, %get3A_209] : memref<2x1024x128xf32, #tpu.memory_space<vmem>>, vector<1x1024x64xf32>
    %get3A_211 = vector.shape_cast %get3A_210 : vector<1x1024x64xf32> to vector<1024x64xf32>
    %get3A_212 = arith.constant 1 : index
    %get3A_213 = arith.constant 0 : index
    %get3A_214 = arith.constant 64 : index
    %get3A_215 = vector.load %arg2[%get3A_212, %get3A_213, %get3A_214] : memref<2x1024x128xf32, #tpu.memory_space<vmem>>, vector<1x1024x64xf32>
    %get3A_216 = vector.shape_cast %get3A_215 : vector<1x1024x64xf32> to vector<1024x64xf32>
    %add3A_217 = arith.addf %get3A_211, %get3A_216 : vector<1024x64xf32>
    %mul3A_218 = vector.broadcast %get3A_1 : vector<1024x1xf32> to vector<1024x64xf32>
    %mul3A_219 = arith.mulf %add3A_217, %mul3A_218 : vector<1024x64xf32>
    %dot_general3A_220 = arith.constant dense<0.000000e+00> : vector<1024x64xf32>
    %dot_general3A_221 = tpu.matmul %mul3A_219, %get3A_4, %dot_general3A_220 {dimension_numbers = #tpu.dot_dimension_numbers<[1], [0], [0], [1], [0, 0, 1, 1], [], []>, precision = #tpu.contract_precision<fp32>, transpose_lhs_hint = false} : vector<1024x64xf32>, vector<64x64xf32>, vector<1024x64xf32> -> vector<1024x64xf32>
    %add3A_222 = vector.broadcast %get3A_7 : vector<1x64xf32> to vector<1024x64xf32>
    %add3A_223 = arith.addf %dot_general3A_221, %add3A_222 : vector<1024x64xf32>
    %max3A_224 = arith.constant 0.000000e+00 : f32
    %max3A_225 = vector.broadcast %max3A_224 : f32 to vector<1024x64xf32>
    %max3A_226 = arith.maximumf %add3A_223, %max3A_225 : vector<1024x64xf32>
    %get3A_227 = arith.constant 0 : index
    %get3A_228 = arith.constant 0 : index
    %get3A_229 = vector.load %arg6[%get3A_227, %get3A_228] : memref<64x64xf32, #tpu.memory_space<vmem>>, vector<64x64xf32>
    %dot_general3A_230 = arith.constant dense<0.000000e+00> : vector<1024x64xf32>
    %dot_general3A_231 = tpu.matmul %max3A_226, %get3A_229, %dot_general3A_230 {dimension_numbers = #tpu.dot_dimension_numbers<[1], [0], [0], [1], [0, 0, 1, 1], [], []>, precision = #tpu.contract_precision<fp32>, transpose_lhs_hint = false} : vector<1024x64xf32>, vector<64x64xf32>, vector<1024x64xf32> -> vector<1024x64xf32>
    %get3A_232 = arith.constant 0 : index
    %get3A_233 = arith.constant 0 : index
    %get3A_234 = vector.load %arg9[%get3A_232, %get3A_233] : memref<1x64xf32, #tpu.memory_space<vmem>>, vector<1x64xf32>
    %add3A_235 = vector.broadcast %get3A_234 : vector<1x64xf32> to vector<1024x64xf32>
    %add3A_236 = arith.addf %dot_general3A_231, %add3A_235 : vector<1024x64xf32>
    %swap3A_237 = arith.constant 3 : index
    %swap3A_238 = arith.constant 0 : index
    %swap3A_239 = arith.constant 0 : index
    %swap3A_240 = vector.load %arg12[%swap3A_237, %swap3A_238, %swap3A_239] : memref<4x1024x64xf32, #tpu.memory_space<vmem>>, vector<1x1024x64xf32>
    %swap3A_241 = vector.shape_cast %swap3A_240 : vector<1x1024x64xf32> to vector<1024x64xf32>
    %swap3A_242 = vector.shape_cast %add3A_236 : vector<1024x64xf32> to vector<1x1024x64xf32>
    tpu.vector_store %arg12[%swap3A_237, %swap3A_238, %swap3A_239], %swap3A_242 {strides = array<i32>} : memref<4x1024x64xf32, #tpu.memory_space<vmem>>, vector<1x1024x64xf32>,
    %get3A_243 = arith.constant 0 : index
    %get3A_244 = arith.constant 0 : index
    %get3A_245 = vector.load %arg7[%get3A_243, %get3A_244] : memref<64x64xf32, #tpu.memory_space<vmem>>, vector<64x64xf32>
    %dot_general3A_246 = arith.constant dense<0.000000e+00> : vector<1024x64xf32>
    %dot_general3A_247 = tpu.matmul %max3A_226, %get3A_245, %dot_general3A_246 {dimension_numbers = #tpu.dot_dimension_numbers<[1], [0], [0], [1], [0, 0, 1, 1], [], []>, precision = #tpu.contract_precision<fp32>, transpose_lhs_hint = false} : vector<1024x64xf32>, vector<64x64xf32>, vector<1024x64xf32> -> vector<1024x64xf32>
    %get3A_248 = arith.constant 0 : index
    %get3A_249 = arith.constant 0 : index
    %get3A_250 = vector.load %arg10[%get3A_248, %get3A_249] : memref<1x64xf32, #tpu.memory_space<vmem>>, vector<1x64xf32>
    %add3A_251 = vector.broadcast %get3A_250 : vector<1x64xf32> to vector<1024x64xf32>
    %add3A_252 = arith.addf %dot_general3A_247, %add3A_251 : vector<1024x64xf32>
    %swap3A_253 = arith.constant 3 : index
    %swap3A_254 = arith.constant 0 : index
    %swap3A_255 = arith.constant 0 : index
    %swap3A_256 = vector.load %arg13[%swap3A_253, %swap3A_254, %swap3A_255] : memref<4x1024x64xf32, #tpu.memory_space<vmem>>, vector<1x1024x64xf32>
    %swap3A_257 = vector.shape_cast %swap3A_256 : vector<1x1024x64xf32> to vector<1024x64xf32>
    %swap3A_258 = vector.shape_cast %add3A_252 : vector<1024x64xf32> to vector<1x1024x64xf32>
    tpu.vector_store %arg13[%swap3A_253, %swap3A_254, %swap3A_255], %swap3A_258 {strides = array<i32>} : memref<4x1024x64xf32, #tpu.memory_space<vmem>>, vector<1x1024x64xf32>,
    %get3A_259 = arith.constant 0 : index
    %get3A_260 = arith.constant 0 : index
    %get3A_261 = vector.load %arg8[%get3A_259, %get3A_260] : memref<64x64xf32, #tpu.memory_space<vmem>>, vector<64x64xf32>
    %dot_general3A_262 = arith.constant dense<0.000000e+00> : vector<1024x64xf32>
    %dot_general3A_263 = tpu.matmul %max3A_226, %get3A_261, %dot_general3A_262 {dimension_numbers = #tpu.dot_dimension_numbers<[1], [0], [0], [1], [0, 0, 1, 1], [], []>, precision = #tpu.contract_precision<fp32>, transpose_lhs_hint = false} : vector<1024x64xf32>, vector<64x64xf32>, vector<1024x64xf32> -> vector<1024x64xf32>
    %get3A_264 = arith.constant 0 : index
    %get3A_265 = arith.constant 0 : index
    %get3A_266 = vector.load %arg11[%get3A_264, %get3A_265] : memref<1x64xf32, #tpu.memory_space<vmem>>, vector<1x64xf32>
    %add3A_267 = vector.broadcast %get3A_266 : vector<1x64xf32> to vector<1024x64xf32>
    %add3A_268 = arith.addf %dot_general3A_263, %add3A_267 : vector<1024x64xf32>
    %swap3A_269 = arith.constant 3 : index
    %swap3A_270 = arith.constant 0 : index
    %swap3A_271 = arith.constant 0 : index
    %swap3A_272 = vector.load %arg14[%swap3A_269, %swap3A_270, %swap3A_271] : memref<4x1024x64xf32, #tpu.memory_space<vmem>>, vector<1x1024x64xf32>
    %swap3A_273 = vector.shape_cast %swap3A_272 : vector<1x1024x64xf32> to vector<1024x64xf32>
    %swap3A_274 = vector.shape_cast %add3A_268 : vector<1024x64xf32> to vector<1x1024x64xf32>
    tpu.vector_store %arg14[%swap3A_269, %swap3A_270, %swap3A_271], %swap3A_274 {strides = array<i32>} : memref<4x1024x64xf32, #tpu.memory_space<vmem>>, vector<1x1024x64xf32>,
    return
  }
  func.func @transform_0(%arg0: i32) -> (i32, i32, i32) {
    %c0_i32 = arith.constant 0 : i32
    %c0_i32_0 = arith.constant 0 : i32
    %c0_i32_1 = arith.constant 0 : i32
    return %c0_i32, %arg0, %c0_i32_0 : i32, i32, i32
  }
  func.func @transform_1(%arg0: i32) -> (i32, i32, i32) {
    %c0_i32 = arith.constant 0 : i32
    %c0_i32_0 = arith.constant 0 : i32
    %c0_i32_1 = arith.constant 0 : i32
    return %c0_i32, %arg0, %c0_i32_0 : i32, i32, i32
  }
  func.func @transform_2(%arg0: i32) -> (i32, i32) {
    %c0_i32 = arith.constant 0 : i32
    %c0_i32_0 = arith.constant 0 : i32
    return %arg0, %c0_i32 : i32, i32
  }
  func.func @transform_3(%arg0: i32) -> (i32, i32) {
    %c0_i32 = arith.constant 0 : i32
    %c0_i32_0 = arith.constant 0 : i32
    %c0_i32_1 = arith.constant 0 : i32
    return %c0_i32, %c0_i32_0 : i32, i32
  }
  func.func @transform_4(%arg0: i32) -> (i32, i32) {
    %c0_i32 = arith.constant 0 : i32
    %c0_i32_0 = arith.constant 0 : i32
    %c0_i32_1 = arith.constant 0 : i32
    return %c0_i32, %c0_i32_0 : i32, i32
  }
  func.func @transform_5(%arg0: i32) -> (i32, i32) {
    %c0_i32 = arith.constant 0 : i32
    %c0_i32_0 = arith.constant 0 : i32
    %c0_i32_1 = arith.constant 0 : i32
    return %c0_i32, %c0_i32_0 : i32, i32
  }
  func.func @transform_6(%arg0: i32) -> (i32, i32) {
    %c0_i32 = arith.constant 0 : i32
    %c0_i32_0 = arith.constant 0 : i32
    %c0_i32_1 = arith.constant 0 : i32
    return %c0_i32, %c0_i32_0 : i32, i32
  }
  func.func @transform_7(%arg0: i32) -> (i32, i32) {
    %c0_i32 = arith.constant 0 : i32
    %c0_i32_0 = arith.constant 0 : i32
    %c0_i32_1 = arith.constant 0 : i32
    return %c0_i32, %c0_i32_0 : i32, i32
  }
  func.func @transform_8(%arg0: i32) -> (i32, i32) {
    %c0_i32 = arith.constant 0 : i32
    %c0_i32_0 = arith.constant 0 : i32
    %c0_i32_1 = arith.constant 0 : i32
    return %c0_i32, %c0_i32_0 : i32, i32
  }
  func.func @transform_9(%arg0: i32) -> (i32, i32) {
    %c0_i32 = arith.constant 0 : i32
    %c0_i32_0 = arith.constant 0 : i32
    %c0_i32_1 = arith.constant 0 : i32
    return %c0_i32, %c0_i32_0 : i32, i32
  }
  func.func @transform_10(%arg0: i32) -> (i32, i32) {
    %c0_i32 = arith.constant 0 : i32
    %c0_i32_0 = arith.constant 0 : i32
    %c0_i32_1 = arith.constant 0 : i32
    return %c0_i32, %c0_i32_0 : i32, i32
  }
  func.func @transform_11(%arg0: i32) -> (i32, i32, i32) {
    %c0_i32 = arith.constant 0 : i32
    %c0_i32_0 = arith.constant 0 : i32
    %c0_i32_1 = arith.constant 0 : i32
    return %c0_i32, %arg0, %c0_i32_0 : i32, i32, i32
  }
  func.func @transform_12(%arg0: i32) -> (i32, i32, i32) {
    %c0_i32 = arith.constant 0 : i32
    %c0_i32_0 = arith.constant 0 : i32
    %c0_i32_1 = arith.constant 0 : i32
    return %c0_i32, %arg0, %c0_i32_0 : i32, i32, i32
  }
  func.func @transform_13(%arg0: i32) -> (i32, i32, i32) {
    %c0_i32 = arith.constant 0 : i32
    %c0_i32_0 = arith.constant 0 : i32
    %c0_i32_1 = arith.constant 0 : i32
    return %c0_i32, %arg0, %c0_i32_0 : i32, i32, i32
  }
}

module attributes {stable_mosaic.version = 14 : i64} {
  func.func @_gru_body(%arg0: i32, %arg1: memref<4x1000x64xf32, #tpu.memory_space<vmem>>, %arg2: memref<4x1000x64xf32, #tpu.memory_space<vmem>>, %arg3: memref<4x1000x64xf32, #tpu.memory_space<vmem>>, %arg4: memref<64x64xf32, #tpu.memory_space<vmem>>, %arg5: memref<64x64xf32, #tpu.memory_space<vmem>>, %arg6: memref<64x64xf32, #tpu.memory_space<vmem>>, %arg7: memref<1x64xf32, #tpu.memory_space<vmem>>, %arg8: memref<4x1000x64xf32, #tpu.memory_space<vmem>>, %arg9: memref<8x64xf32, #tpu.memory_space<vmem>>) attributes {dimension_semantics = [#tpu.dimension_semantics<arbitrary>], iteration_bounds = array<i64: 10>, scalar_prefetch = 0 : i64, scratch_operands = 1 : i64, tpu.core_type = #tpu.core_type<tc>, window_params = [{transform_indices = @transform_0, window_bounds = array<i64: 4, 1000, 64>}, {transform_indices = @transform_1, window_bounds = array<i64: 4, 1000, 64>}, {transform_indices = @transform_2, window_bounds = array<i64: 4, 1000, 64>}, {pipeline_mode = #tpu.pipeline_mode<synchronous>, transform_indices = @transform_3, window_bounds = array<i64: 64, 64>}, {pipeline_mode = #tpu.pipeline_mode<synchronous>, transform_indices = @transform_4, window_bounds = array<i64: 64, 64>}, {pipeline_mode = #tpu.pipeline_mode<synchronous>, transform_indices = @transform_5, window_bounds = array<i64: 64, 64>}, {pipeline_mode = #tpu.pipeline_mode<synchronous>, transform_indices = @transform_6, window_bounds = array<i64: 1, 64>}, {transform_indices = @transform_7, window_bounds = array<i64: 4, 1000, 64>}]} {
    %eq3A = arith.constant 0 : i32
    %eq3A_0 = arith.cmpi eq, %arg0, %eq3A : i32
    %convert_element_type3A = arith.extui %eq3A_0 : i1 to i32
    %cond3A = arith.constant 0 : i32
    %cond3A_1 = arith.cmpi ne, %convert_element_type3A, %cond3A : i32
    scf.if %cond3A_1 {
      %broadcast_in_dim3A = arith.constant 0.000000e+00 : f32
      %broadcast_in_dim3A_23 = vector.broadcast %broadcast_in_dim3A : f32 to vector<8x64xf32>
      %swap3A_24 = arith.constant 0 : index
      %swap3A_25 = arith.constant 0 : index
      %swap3A_26 = vector.load %arg9[%swap3A_24, %swap3A_25] : memref<8x64xf32, #tpu.memory_space<vmem>>, vector<8x64xf32>
      tpu.vector_store %arg9[%swap3A_24, %swap3A_25], %broadcast_in_dim3A_23 {strides = array<i32>} : memref<8x64xf32, #tpu.memory_space<vmem>>, vector<8x64xf32>,
    } else {
    }
    %get3A = arith.constant 0 : index
    %get3A_2 = arith.constant 0 : index
    %get3A_3 = vector.load %arg4[%get3A, %get3A_2] : memref<64x64xf32, #tpu.memory_space<vmem>>, vector<64x64xf32>
    %get3A_4 = arith.constant 0 : index
    %get3A_5 = arith.constant 0 : index
    %get3A_6 = vector.load %arg5[%get3A_4, %get3A_5] : memref<64x64xf32, #tpu.memory_space<vmem>>, vector<64x64xf32>
    %get3A_7 = arith.constant 0 : index
    %get3A_8 = arith.constant 0 : index
    %get3A_9 = vector.load %arg6[%get3A_7, %get3A_8] : memref<64x64xf32, #tpu.memory_space<vmem>>, vector<64x64xf32>
    %get3A_10 = arith.constant 0 : index
    %get3A_11 = arith.constant 0 : index
    %get3A_12 = vector.load %arg7[%get3A_10, %get3A_11] : memref<1x64xf32, #tpu.memory_space<vmem>>, vector<1x64xf32>
    %get3A_13 = arith.constant 0 : index
    %get3A_14 = arith.constant 0 : index
    %get3A_15 = vector.load %arg9[%get3A_13, %get3A_14] : memref<8x64xf32, #tpu.memory_space<vmem>>, vector<4x64xf32>
    %scan3A = arith.constant 0 : i32
    %scan3A_16 = arith.constant 1000 : i32
    %scan3A_17 = arith.addi %scan3A, %scan3A_16 : i32
    %scan3A_18 = arith.constant 8 : i32
    %scan3A_19 = scf.for %scan3A_23 = %scan3A to %scan3A_17 step %scan3A_18 iter_args(%scan3A_24 = %get3A_15) -> (vector<4x64xf32>)  : i32 {
      %dot_general3A = arith.constant dense<0.000000e+00> : vector<4x64xf32>
      %dot_general3A_25 = tpu.matmul %scan3A_24, %get3A_3, %dot_general3A {dimension_numbers = #tpu.dot_dimension_numbers<[1], [0], [0], [1], [0, 0, 1, 1], [], []>, precision = #tpu.contract_precision<fp32>, transpose_lhs_hint = false} : vector<4x64xf32>, vector<64x64xf32>, vector<4x64xf32> -> vector<4x64xf32>
      %dot_general3A_26 = arith.constant dense<0.000000e+00> : vector<4x64xf32>
      %dot_general3A_27 = tpu.matmul %scan3A_24, %get3A_6, %dot_general3A_26 {dimension_numbers = #tpu.dot_dimension_numbers<[1], [0], [0], [1], [0, 0, 1, 1], [], []>, precision = #tpu.contract_precision<fp32>, transpose_lhs_hint = false} : vector<4x64xf32>, vector<64x64xf32>, vector<4x64xf32> -> vector<4x64xf32>
      %dot_general3A_28 = arith.constant dense<0.000000e+00> : vector<4x64xf32>
      %dot_general3A_29 = tpu.matmul %scan3A_24, %get3A_9, %dot_general3A_28 {dimension_numbers = #tpu.dot_dimension_numbers<[1], [0], [0], [1], [0, 0, 1, 1], [], []>, precision = #tpu.contract_precision<fp32>, transpose_lhs_hint = false} : vector<4x64xf32>, vector<64x64xf32>, vector<4x64xf32> -> vector<4x64xf32>
      %add3A = vector.broadcast %get3A_12 : vector<1x64xf32> to vector<4x64xf32>
      %add3A_30 = arith.addf %dot_general3A_29, %add3A : vector<4x64xf32>
      %get3A_31 = arith.constant 0 : index
      %get3A_32 = arith.index_cast %scan3A_23 : i32 to index
      %get3A_33 = arith.constant 0 : index
      %get3A_34 = vector.load %arg1[%get3A_31, %get3A_32, %get3A_33] : memref<4x1000x64xf32, #tpu.memory_space<vmem>>, vector<4x1x64xf32>
      %get3A_35 = vector.shape_cast %get3A_34 : vector<4x1x64xf32> to vector<4x64xf32>
      %add3A_36 = arith.addf %get3A_35, %dot_general3A_25 : vector<4x64xf32>
      %logistic3A = arith.negf %add3A_36 : vector<4x64xf32>
      %logistic3A_37 = math.exp %logistic3A : vector<4x64xf32>
      %logistic3A_38 = arith.constant 1.000000e+00 : f32
      %logistic3A_39 = vector.broadcast %logistic3A_38 : f32 to vector<4x64xf32>
      %logistic3A_40 = arith.addf %logistic3A_39, %logistic3A_37 : vector<4x64xf32>
      %logistic3A_41 = arith.divf %logistic3A_39, %logistic3A_40 : vector<4x64xf32>
      %get3A_42 = arith.constant 0 : index
      %get3A_43 = arith.index_cast %scan3A_23 : i32 to index
      %get3A_44 = arith.constant 0 : index
      %get3A_45 = vector.load %arg2[%get3A_42, %get3A_43, %get3A_44] : memref<4x1000x64xf32, #tpu.memory_space<vmem>>, vector<4x1x64xf32>
      %get3A_46 = vector.shape_cast %get3A_45 : vector<4x1x64xf32> to vector<4x64xf32>
      %add3A_47 = arith.addf %get3A_46, %dot_general3A_27 : vector<4x64xf32>
      %logistic3A_48 = arith.negf %add3A_47 : vector<4x64xf32>
      %logistic3A_49 = math.exp %logistic3A_48 : vector<4x64xf32>
      %logistic3A_50 = arith.constant 1.000000e+00 : f32
      %logistic3A_51 = vector.broadcast %logistic3A_50 : f32 to vector<4x64xf32>
      %logistic3A_52 = arith.addf %logistic3A_51, %logistic3A_49 : vector<4x64xf32>
      %logistic3A_53 = arith.divf %logistic3A_51, %logistic3A_52 : vector<4x64xf32>
      %get3A_54 = arith.constant 0 : index
      %get3A_55 = arith.index_cast %scan3A_23 : i32 to index
      %get3A_56 = arith.constant 0 : index
      %get3A_57 = vector.load %arg3[%get3A_54, %get3A_55, %get3A_56] : memref<4x1000x64xf32, #tpu.memory_space<vmem>>, vector<4x1x64xf32>
      %get3A_58 = vector.shape_cast %get3A_57 : vector<4x1x64xf32> to vector<4x64xf32>
      %mul3A = arith.mulf %logistic3A_41, %add3A_30 : vector<4x64xf32>
      %add3A_59 = arith.addf %get3A_58, %mul3A : vector<4x64xf32>
      %tanh3A = math.tanh %add3A_59 : vector<4x64xf32>
      %sub3A = arith.constant 1.000000e+00 : f32
      %sub3A_60 = vector.broadcast %sub3A : f32 to vector<4x64xf32>
      %sub3A_61 = arith.subf %sub3A_60, %logistic3A_53 : vector<4x64xf32>
      %mul3A_62 = arith.mulf %sub3A_61, %tanh3A : vector<4x64xf32>
      %mul3A_63 = arith.mulf %logistic3A_53, %scan3A_24 : vector<4x64xf32>
      %add3A_64 = arith.addf %mul3A_62, %mul3A_63 : vector<4x64xf32>
      %swap3A_65 = arith.constant 0 : index
      %swap3A_66 = arith.index_cast %scan3A_23 : i32 to index
      %swap3A_67 = arith.constant 0 : index
      %swap3A_68 = vector.load %arg8[%swap3A_65, %swap3A_66, %swap3A_67] : memref<4x1000x64xf32, #tpu.memory_space<vmem>>, vector<4x1x64xf32>
      %swap3A_69 = vector.shape_cast %swap3A_68 : vector<4x1x64xf32> to vector<4x64xf32>
      %swap3A_70 = vector.shape_cast %add3A_64 : vector<4x64xf32> to vector<4x1x64xf32>
      tpu.vector_store %arg8[%swap3A_65, %swap3A_66, %swap3A_67], %swap3A_70 {strides = array<i32>} : memref<4x1000x64xf32, #tpu.memory_space<vmem>>, vector<4x1x64xf32>,
      %scan3A_71 = arith.constant 1 : i32
      %scan3A_72 = arith.addi %scan3A_23, %scan3A_71 : i32
      %dot_general3A_73 = arith.constant dense<0.000000e+00> : vector<4x64xf32>
      %dot_general3A_74 = tpu.matmul %add3A_64, %get3A_3, %dot_general3A_73 {dimension_numbers = #tpu.dot_dimension_numbers<[1], [0], [0], [1], [0, 0, 1, 1], [], []>, precision = #tpu.contract_precision<fp32>, transpose_lhs_hint = false} : vector<4x64xf32>, vector<64x64xf32>, vector<4x64xf32> -> vector<4x64xf32>
      %dot_general3A_75 = arith.constant dense<0.000000e+00> : vector<4x64xf32>
      %dot_general3A_76 = tpu.matmul %add3A_64, %get3A_6, %dot_general3A_75 {dimension_numbers = #tpu.dot_dimension_numbers<[1], [0], [0], [1], [0, 0, 1, 1], [], []>, precision = #tpu.contract_precision<fp32>, transpose_lhs_hint = false} : vector<4x64xf32>, vector<64x64xf32>, vector<4x64xf32> -> vector<4x64xf32>
      %dot_general3A_77 = arith.constant dense<0.000000e+00> : vector<4x64xf32>
      %dot_general3A_78 = tpu.matmul %add3A_64, %get3A_9, %dot_general3A_77 {dimension_numbers = #tpu.dot_dimension_numbers<[1], [0], [0], [1], [0, 0, 1, 1], [], []>, precision = #tpu.contract_precision<fp32>, transpose_lhs_hint = false} : vector<4x64xf32>, vector<64x64xf32>, vector<4x64xf32> -> vector<4x64xf32>
      %add3A_79 = vector.broadcast %get3A_12 : vector<1x64xf32> to vector<4x64xf32>
      %add3A_80 = arith.addf %dot_general3A_78, %add3A_79 : vector<4x64xf32>
      %get3A_81 = arith.constant 0 : index
      %get3A_82 = arith.index_cast %scan3A_72 : i32 to index
      %get3A_83 = arith.constant 0 : index
      %get3A_84 = vector.load %arg1[%get3A_81, %get3A_82, %get3A_83] : memref<4x1000x64xf32, #tpu.memory_space<vmem>>, vector<4x1x64xf32>
      %get3A_85 = vector.shape_cast %get3A_84 : vector<4x1x64xf32> to vector<4x64xf32>
      %add3A_86 = arith.addf %get3A_85, %dot_general3A_74 : vector<4x64xf32>
      %logistic3A_87 = arith.negf %add3A_86 : vector<4x64xf32>
      %logistic3A_88 = math.exp %logistic3A_87 : vector<4x64xf32>
      %logistic3A_89 = arith.constant 1.000000e+00 : f32
      %logistic3A_90 = vector.broadcast %logistic3A_89 : f32 to vector<4x64xf32>
      %logistic3A_91 = arith.addf %logistic3A_90, %logistic3A_88 : vector<4x64xf32>
      %logistic3A_92 = arith.divf %logistic3A_90, %logistic3A_91 : vector<4x64xf32>
      %get3A_93 = arith.constant 0 : index
      %get3A_94 = arith.index_cast %scan3A_72 : i32 to index
      %get3A_95 = arith.constant 0 : index
      %get3A_96 = vector.load %arg2[%get3A_93, %get3A_94, %get3A_95] : memref<4x1000x64xf32, #tpu.memory_space<vmem>>, vector<4x1x64xf32>
      %get3A_97 = vector.shape_cast %get3A_96 : vector<4x1x64xf32> to vector<4x64xf32>
      %add3A_98 = arith.addf %get3A_97, %dot_general3A_76 : vector<4x64xf32>
      %logistic3A_99 = arith.negf %add3A_98 : vector<4x64xf32>
      %logistic3A_100 = math.exp %logistic3A_99 : vector<4x64xf32>
      %logistic3A_101 = arith.constant 1.000000e+00 : f32
      %logistic3A_102 = vector.broadcast %logistic3A_101 : f32 to vector<4x64xf32>
      %logistic3A_103 = arith.addf %logistic3A_102, %logistic3A_100 : vector<4x64xf32>
      %logistic3A_104 = arith.divf %logistic3A_102, %logistic3A_103 : vector<4x64xf32>
      %get3A_105 = arith.constant 0 : index
      %get3A_106 = arith.index_cast %scan3A_72 : i32 to index
      %get3A_107 = arith.constant 0 : index
      %get3A_108 = vector.load %arg3[%get3A_105, %get3A_106, %get3A_107] : memref<4x1000x64xf32, #tpu.memory_space<vmem>>, vector<4x1x64xf32>
      %get3A_109 = vector.shape_cast %get3A_108 : vector<4x1x64xf32> to vector<4x64xf32>
      %mul3A_110 = arith.mulf %logistic3A_92, %add3A_80 : vector<4x64xf32>
      %add3A_111 = arith.addf %get3A_109, %mul3A_110 : vector<4x64xf32>
      %tanh3A_112 = math.tanh %add3A_111 : vector<4x64xf32>
      %sub3A_113 = arith.constant 1.000000e+00 : f32
      %sub3A_114 = vector.broadcast %sub3A_113 : f32 to vector<4x64xf32>
      %sub3A_115 = arith.subf %sub3A_114, %logistic3A_104 : vector<4x64xf32>
      %mul3A_116 = arith.mulf %sub3A_115, %tanh3A_112 : vector<4x64xf32>
      %mul3A_117 = arith.mulf %logistic3A_104, %add3A_64 : vector<4x64xf32>
      %add3A_118 = arith.addf %mul3A_116, %mul3A_117 : vector<4x64xf32>
      %swap3A_119 = arith.constant 0 : index
      %swap3A_120 = arith.index_cast %scan3A_72 : i32 to index
      %swap3A_121 = arith.constant 0 : index
      %swap3A_122 = vector.load %arg8[%swap3A_119, %swap3A_120, %swap3A_121] : memref<4x1000x64xf32, #tpu.memory_space<vmem>>, vector<4x1x64xf32>
      %swap3A_123 = vector.shape_cast %swap3A_122 : vector<4x1x64xf32> to vector<4x64xf32>
      %swap3A_124 = vector.shape_cast %add3A_118 : vector<4x64xf32> to vector<4x1x64xf32>
      tpu.vector_store %arg8[%swap3A_119, %swap3A_120, %swap3A_121], %swap3A_124 {strides = array<i32>} : memref<4x1000x64xf32, #tpu.memory_space<vmem>>, vector<4x1x64xf32>,
      %scan3A_125 = arith.constant 2 : i32
      %scan3A_126 = arith.addi %scan3A_23, %scan3A_125 : i32
      %dot_general3A_127 = arith.constant dense<0.000000e+00> : vector<4x64xf32>
      %dot_general3A_128 = tpu.matmul %add3A_118, %get3A_3, %dot_general3A_127 {dimension_numbers = #tpu.dot_dimension_numbers<[1], [0], [0], [1], [0, 0, 1, 1], [], []>, precision = #tpu.contract_precision<fp32>, transpose_lhs_hint = false} : vector<4x64xf32>, vector<64x64xf32>, vector<4x64xf32> -> vector<4x64xf32>
      %dot_general3A_129 = arith.constant dense<0.000000e+00> : vector<4x64xf32>
      %dot_general3A_130 = tpu.matmul %add3A_118, %get3A_6, %dot_general3A_129 {dimension_numbers = #tpu.dot_dimension_numbers<[1], [0], [0], [1], [0, 0, 1, 1], [], []>, precision = #tpu.contract_precision<fp32>, transpose_lhs_hint = false} : vector<4x64xf32>, vector<64x64xf32>, vector<4x64xf32> -> vector<4x64xf32>
      %dot_general3A_131 = arith.constant dense<0.000000e+00> : vector<4x64xf32>
      %dot_general3A_132 = tpu.matmul %add3A_118, %get3A_9, %dot_general3A_131 {dimension_numbers = #tpu.dot_dimension_numbers<[1], [0], [0], [1], [0, 0, 1, 1], [], []>, precision = #tpu.contract_precision<fp32>, transpose_lhs_hint = false} : vector<4x64xf32>, vector<64x64xf32>, vector<4x64xf32> -> vector<4x64xf32>
      %add3A_133 = vector.broadcast %get3A_12 : vector<1x64xf32> to vector<4x64xf32>
      %add3A_134 = arith.addf %dot_general3A_132, %add3A_133 : vector<4x64xf32>
      %get3A_135 = arith.constant 0 : index
      %get3A_136 = arith.index_cast %scan3A_126 : i32 to index
      %get3A_137 = arith.constant 0 : index
      %get3A_138 = vector.load %arg1[%get3A_135, %get3A_136, %get3A_137] : memref<4x1000x64xf32, #tpu.memory_space<vmem>>, vector<4x1x64xf32>
      %get3A_139 = vector.shape_cast %get3A_138 : vector<4x1x64xf32> to vector<4x64xf32>
      %add3A_140 = arith.addf %get3A_139, %dot_general3A_128 : vector<4x64xf32>
      %logistic3A_141 = arith.negf %add3A_140 : vector<4x64xf32>
      %logistic3A_142 = math.exp %logistic3A_141 : vector<4x64xf32>
      %logistic3A_143 = arith.constant 1.000000e+00 : f32
      %logistic3A_144 = vector.broadcast %logistic3A_143 : f32 to vector<4x64xf32>
      %logistic3A_145 = arith.addf %logistic3A_144, %logistic3A_142 : vector<4x64xf32>
      %logistic3A_146 = arith.divf %logistic3A_144, %logistic3A_145 : vector<4x64xf32>
      %get3A_147 = arith.constant 0 : index
      %get3A_148 = arith.index_cast %scan3A_126 : i32 to index
      %get3A_149 = arith.constant 0 : index
      %get3A_150 = vector.load %arg2[%get3A_147, %get3A_148, %get3A_149] : memref<4x1000x64xf32, #tpu.memory_space<vmem>>, vector<4x1x64xf32>
      %get3A_151 = vector.shape_cast %get3A_150 : vector<4x1x64xf32> to vector<4x64xf32>
      %add3A_152 = arith.addf %get3A_151, %dot_general3A_130 : vector<4x64xf32>
      %logistic3A_153 = arith.negf %add3A_152 : vector<4x64xf32>
      %logistic3A_154 = math.exp %logistic3A_153 : vector<4x64xf32>
      %logistic3A_155 = arith.constant 1.000000e+00 : f32
      %logistic3A_156 = vector.broadcast %logistic3A_155 : f32 to vector<4x64xf32>
      %logistic3A_157 = arith.addf %logistic3A_156, %logistic3A_154 : vector<4x64xf32>
      %logistic3A_158 = arith.divf %logistic3A_156, %logistic3A_157 : vector<4x64xf32>
      %get3A_159 = arith.constant 0 : index
      %get3A_160 = arith.index_cast %scan3A_126 : i32 to index
      %get3A_161 = arith.constant 0 : index
      %get3A_162 = vector.load %arg3[%get3A_159, %get3A_160, %get3A_161] : memref<4x1000x64xf32, #tpu.memory_space<vmem>>, vector<4x1x64xf32>
      %get3A_163 = vector.shape_cast %get3A_162 : vector<4x1x64xf32> to vector<4x64xf32>
      %mul3A_164 = arith.mulf %logistic3A_146, %add3A_134 : vector<4x64xf32>
      %add3A_165 = arith.addf %get3A_163, %mul3A_164 : vector<4x64xf32>
      %tanh3A_166 = math.tanh %add3A_165 : vector<4x64xf32>
      %sub3A_167 = arith.constant 1.000000e+00 : f32
      %sub3A_168 = vector.broadcast %sub3A_167 : f32 to vector<4x64xf32>
      %sub3A_169 = arith.subf %sub3A_168, %logistic3A_158 : vector<4x64xf32>
      %mul3A_170 = arith.mulf %sub3A_169, %tanh3A_166 : vector<4x64xf32>
      %mul3A_171 = arith.mulf %logistic3A_158, %add3A_118 : vector<4x64xf32>
      %add3A_172 = arith.addf %mul3A_170, %mul3A_171 : vector<4x64xf32>
      %swap3A_173 = arith.constant 0 : index
      %swap3A_174 = arith.index_cast %scan3A_126 : i32 to index
      %swap3A_175 = arith.constant 0 : index
      %swap3A_176 = vector.load %arg8[%swap3A_173, %swap3A_174, %swap3A_175] : memref<4x1000x64xf32, #tpu.memory_space<vmem>>, vector<4x1x64xf32>
      %swap3A_177 = vector.shape_cast %swap3A_176 : vector<4x1x64xf32> to vector<4x64xf32>
      %swap3A_178 = vector.shape_cast %add3A_172 : vector<4x64xf32> to vector<4x1x64xf32>
      tpu.vector_store %arg8[%swap3A_173, %swap3A_174, %swap3A_175], %swap3A_178 {strides = array<i32>} : memref<4x1000x64xf32, #tpu.memory_space<vmem>>, vector<4x1x64xf32>,
      %scan3A_179 = arith.constant 3 : i32
      %scan3A_180 = arith.addi %scan3A_23, %scan3A_179 : i32
      %dot_general3A_181 = arith.constant dense<0.000000e+00> : vector<4x64xf32>
      %dot_general3A_182 = tpu.matmul %add3A_172, %get3A_3, %dot_general3A_181 {dimension_numbers = #tpu.dot_dimension_numbers<[1], [0], [0], [1], [0, 0, 1, 1], [], []>, precision = #tpu.contract_precision<fp32>, transpose_lhs_hint = false} : vector<4x64xf32>, vector<64x64xf32>, vector<4x64xf32> -> vector<4x64xf32>
      %dot_general3A_183 = arith.constant dense<0.000000e+00> : vector<4x64xf32>
      %dot_general3A_184 = tpu.matmul %add3A_172, %get3A_6, %dot_general3A_183 {dimension_numbers = #tpu.dot_dimension_numbers<[1], [0], [0], [1], [0, 0, 1, 1], [], []>, precision = #tpu.contract_precision<fp32>, transpose_lhs_hint = false} : vector<4x64xf32>, vector<64x64xf32>, vector<4x64xf32> -> vector<4x64xf32>
      %dot_general3A_185 = arith.constant dense<0.000000e+00> : vector<4x64xf32>
      %dot_general3A_186 = tpu.matmul %add3A_172, %get3A_9, %dot_general3A_185 {dimension_numbers = #tpu.dot_dimension_numbers<[1], [0], [0], [1], [0, 0, 1, 1], [], []>, precision = #tpu.contract_precision<fp32>, transpose_lhs_hint = false} : vector<4x64xf32>, vector<64x64xf32>, vector<4x64xf32> -> vector<4x64xf32>
      %add3A_187 = vector.broadcast %get3A_12 : vector<1x64xf32> to vector<4x64xf32>
      %add3A_188 = arith.addf %dot_general3A_186, %add3A_187 : vector<4x64xf32>
      %get3A_189 = arith.constant 0 : index
      %get3A_190 = arith.index_cast %scan3A_180 : i32 to index
      %get3A_191 = arith.constant 0 : index
      %get3A_192 = vector.load %arg1[%get3A_189, %get3A_190, %get3A_191] : memref<4x1000x64xf32, #tpu.memory_space<vmem>>, vector<4x1x64xf32>
      %get3A_193 = vector.shape_cast %get3A_192 : vector<4x1x64xf32> to vector<4x64xf32>
      %add3A_194 = arith.addf %get3A_193, %dot_general3A_182 : vector<4x64xf32>
      %logistic3A_195 = arith.negf %add3A_194 : vector<4x64xf32>
      %logistic3A_196 = math.exp %logistic3A_195 : vector<4x64xf32>
      %logistic3A_197 = arith.constant 1.000000e+00 : f32
      %logistic3A_198 = vector.broadcast %logistic3A_197 : f32 to vector<4x64xf32>
      %logistic3A_199 = arith.addf %logistic3A_198, %logistic3A_196 : vector<4x64xf32>
      %logistic3A_200 = arith.divf %logistic3A_198, %logistic3A_199 : vector<4x64xf32>
      %get3A_201 = arith.constant 0 : index
      %get3A_202 = arith.index_cast %scan3A_180 : i32 to index
      %get3A_203 = arith.constant 0 : index
      %get3A_204 = vector.load %arg2[%get3A_201, %get3A_202, %get3A_203] : memref<4x1000x64xf32, #tpu.memory_space<vmem>>, vector<4x1x64xf32>
      %get3A_205 = vector.shape_cast %get3A_204 : vector<4x1x64xf32> to vector<4x64xf32>
      %add3A_206 = arith.addf %get3A_205, %dot_general3A_184 : vector<4x64xf32>
      %logistic3A_207 = arith.negf %add3A_206 : vector<4x64xf32>
      %logistic3A_208 = math.exp %logistic3A_207 : vector<4x64xf32>
      %logistic3A_209 = arith.constant 1.000000e+00 : f32
      %logistic3A_210 = vector.broadcast %logistic3A_209 : f32 to vector<4x64xf32>
      %logistic3A_211 = arith.addf %logistic3A_210, %logistic3A_208 : vector<4x64xf32>
      %logistic3A_212 = arith.divf %logistic3A_210, %logistic3A_211 : vector<4x64xf32>
      %get3A_213 = arith.constant 0 : index
      %get3A_214 = arith.index_cast %scan3A_180 : i32 to index
      %get3A_215 = arith.constant 0 : index
      %get3A_216 = vector.load %arg3[%get3A_213, %get3A_214, %get3A_215] : memref<4x1000x64xf32, #tpu.memory_space<vmem>>, vector<4x1x64xf32>
      %get3A_217 = vector.shape_cast %get3A_216 : vector<4x1x64xf32> to vector<4x64xf32>
      %mul3A_218 = arith.mulf %logistic3A_200, %add3A_188 : vector<4x64xf32>
      %add3A_219 = arith.addf %get3A_217, %mul3A_218 : vector<4x64xf32>
      %tanh3A_220 = math.tanh %add3A_219 : vector<4x64xf32>
      %sub3A_221 = arith.constant 1.000000e+00 : f32
      %sub3A_222 = vector.broadcast %sub3A_221 : f32 to vector<4x64xf32>
      %sub3A_223 = arith.subf %sub3A_222, %logistic3A_212 : vector<4x64xf32>
      %mul3A_224 = arith.mulf %sub3A_223, %tanh3A_220 : vector<4x64xf32>
      %mul3A_225 = arith.mulf %logistic3A_212, %add3A_172 : vector<4x64xf32>
      %add3A_226 = arith.addf %mul3A_224, %mul3A_225 : vector<4x64xf32>
      %swap3A_227 = arith.constant 0 : index
      %swap3A_228 = arith.index_cast %scan3A_180 : i32 to index
      %swap3A_229 = arith.constant 0 : index
      %swap3A_230 = vector.load %arg8[%swap3A_227, %swap3A_228, %swap3A_229] : memref<4x1000x64xf32, #tpu.memory_space<vmem>>, vector<4x1x64xf32>
      %swap3A_231 = vector.shape_cast %swap3A_230 : vector<4x1x64xf32> to vector<4x64xf32>
      %swap3A_232 = vector.shape_cast %add3A_226 : vector<4x64xf32> to vector<4x1x64xf32>
      tpu.vector_store %arg8[%swap3A_227, %swap3A_228, %swap3A_229], %swap3A_232 {strides = array<i32>} : memref<4x1000x64xf32, #tpu.memory_space<vmem>>, vector<4x1x64xf32>,
      %scan3A_233 = arith.constant 4 : i32
      %scan3A_234 = arith.addi %scan3A_23, %scan3A_233 : i32
      %dot_general3A_235 = arith.constant dense<0.000000e+00> : vector<4x64xf32>
      %dot_general3A_236 = tpu.matmul %add3A_226, %get3A_3, %dot_general3A_235 {dimension_numbers = #tpu.dot_dimension_numbers<[1], [0], [0], [1], [0, 0, 1, 1], [], []>, precision = #tpu.contract_precision<fp32>, transpose_lhs_hint = false} : vector<4x64xf32>, vector<64x64xf32>, vector<4x64xf32> -> vector<4x64xf32>
      %dot_general3A_237 = arith.constant dense<0.000000e+00> : vector<4x64xf32>
      %dot_general3A_238 = tpu.matmul %add3A_226, %get3A_6, %dot_general3A_237 {dimension_numbers = #tpu.dot_dimension_numbers<[1], [0], [0], [1], [0, 0, 1, 1], [], []>, precision = #tpu.contract_precision<fp32>, transpose_lhs_hint = false} : vector<4x64xf32>, vector<64x64xf32>, vector<4x64xf32> -> vector<4x64xf32>
      %dot_general3A_239 = arith.constant dense<0.000000e+00> : vector<4x64xf32>
      %dot_general3A_240 = tpu.matmul %add3A_226, %get3A_9, %dot_general3A_239 {dimension_numbers = #tpu.dot_dimension_numbers<[1], [0], [0], [1], [0, 0, 1, 1], [], []>, precision = #tpu.contract_precision<fp32>, transpose_lhs_hint = false} : vector<4x64xf32>, vector<64x64xf32>, vector<4x64xf32> -> vector<4x64xf32>
      %add3A_241 = vector.broadcast %get3A_12 : vector<1x64xf32> to vector<4x64xf32>
      %add3A_242 = arith.addf %dot_general3A_240, %add3A_241 : vector<4x64xf32>
      %get3A_243 = arith.constant 0 : index
      %get3A_244 = arith.index_cast %scan3A_234 : i32 to index
      %get3A_245 = arith.constant 0 : index
      %get3A_246 = vector.load %arg1[%get3A_243, %get3A_244, %get3A_245] : memref<4x1000x64xf32, #tpu.memory_space<vmem>>, vector<4x1x64xf32>
      %get3A_247 = vector.shape_cast %get3A_246 : vector<4x1x64xf32> to vector<4x64xf32>
      %add3A_248 = arith.addf %get3A_247, %dot_general3A_236 : vector<4x64xf32>
      %logistic3A_249 = arith.negf %add3A_248 : vector<4x64xf32>
      %logistic3A_250 = math.exp %logistic3A_249 : vector<4x64xf32>
      %logistic3A_251 = arith.constant 1.000000e+00 : f32
      %logistic3A_252 = vector.broadcast %logistic3A_251 : f32 to vector<4x64xf32>
      %logistic3A_253 = arith.addf %logistic3A_252, %logistic3A_250 : vector<4x64xf32>
      %logistic3A_254 = arith.divf %logistic3A_252, %logistic3A_253 : vector<4x64xf32>
      %get3A_255 = arith.constant 0 : index
      %get3A_256 = arith.index_cast %scan3A_234 : i32 to index
      %get3A_257 = arith.constant 0 : index
      %get3A_258 = vector.load %arg2[%get3A_255, %get3A_256, %get3A_257] : memref<4x1000x64xf32, #tpu.memory_space<vmem>>, vector<4x1x64xf32>
      %get3A_259 = vector.shape_cast %get3A_258 : vector<4x1x64xf32> to vector<4x64xf32>
      %add3A_260 = arith.addf %get3A_259, %dot_general3A_238 : vector<4x64xf32>
      %logistic3A_261 = arith.negf %add3A_260 : vector<4x64xf32>
      %logistic3A_262 = math.exp %logistic3A_261 : vector<4x64xf32>
      %logistic3A_263 = arith.constant 1.000000e+00 : f32
      %logistic3A_264 = vector.broadcast %logistic3A_263 : f32 to vector<4x64xf32>
      %logistic3A_265 = arith.addf %logistic3A_264, %logistic3A_262 : vector<4x64xf32>
      %logistic3A_266 = arith.divf %logistic3A_264, %logistic3A_265 : vector<4x64xf32>
      %get3A_267 = arith.constant 0 : index
      %get3A_268 = arith.index_cast %scan3A_234 : i32 to index
      %get3A_269 = arith.constant 0 : index
      %get3A_270 = vector.load %arg3[%get3A_267, %get3A_268, %get3A_269] : memref<4x1000x64xf32, #tpu.memory_space<vmem>>, vector<4x1x64xf32>
      %get3A_271 = vector.shape_cast %get3A_270 : vector<4x1x64xf32> to vector<4x64xf32>
      %mul3A_272 = arith.mulf %logistic3A_254, %add3A_242 : vector<4x64xf32>
      %add3A_273 = arith.addf %get3A_271, %mul3A_272 : vector<4x64xf32>
      %tanh3A_274 = math.tanh %add3A_273 : vector<4x64xf32>
      %sub3A_275 = arith.constant 1.000000e+00 : f32
      %sub3A_276 = vector.broadcast %sub3A_275 : f32 to vector<4x64xf32>
      %sub3A_277 = arith.subf %sub3A_276, %logistic3A_266 : vector<4x64xf32>
      %mul3A_278 = arith.mulf %sub3A_277, %tanh3A_274 : vector<4x64xf32>
      %mul3A_279 = arith.mulf %logistic3A_266, %add3A_226 : vector<4x64xf32>
      %add3A_280 = arith.addf %mul3A_278, %mul3A_279 : vector<4x64xf32>
      %swap3A_281 = arith.constant 0 : index
      %swap3A_282 = arith.index_cast %scan3A_234 : i32 to index
      %swap3A_283 = arith.constant 0 : index
      %swap3A_284 = vector.load %arg8[%swap3A_281, %swap3A_282, %swap3A_283] : memref<4x1000x64xf32, #tpu.memory_space<vmem>>, vector<4x1x64xf32>
      %swap3A_285 = vector.shape_cast %swap3A_284 : vector<4x1x64xf32> to vector<4x64xf32>
      %swap3A_286 = vector.shape_cast %add3A_280 : vector<4x64xf32> to vector<4x1x64xf32>
      tpu.vector_store %arg8[%swap3A_281, %swap3A_282, %swap3A_283], %swap3A_286 {strides = array<i32>} : memref<4x1000x64xf32, #tpu.memory_space<vmem>>, vector<4x1x64xf32>,
      %scan3A_287 = arith.constant 5 : i32
      %scan3A_288 = arith.addi %scan3A_23, %scan3A_287 : i32
      %dot_general3A_289 = arith.constant dense<0.000000e+00> : vector<4x64xf32>
      %dot_general3A_290 = tpu.matmul %add3A_280, %get3A_3, %dot_general3A_289 {dimension_numbers = #tpu.dot_dimension_numbers<[1], [0], [0], [1], [0, 0, 1, 1], [], []>, precision = #tpu.contract_precision<fp32>, transpose_lhs_hint = false} : vector<4x64xf32>, vector<64x64xf32>, vector<4x64xf32> -> vector<4x64xf32>
      %dot_general3A_291 = arith.constant dense<0.000000e+00> : vector<4x64xf32>
      %dot_general3A_292 = tpu.matmul %add3A_280, %get3A_6, %dot_general3A_291 {dimension_numbers = #tpu.dot_dimension_numbers<[1], [0], [0], [1], [0, 0, 1, 1], [], []>, precision = #tpu.contract_precision<fp32>, transpose_lhs_hint = false} : vector<4x64xf32>, vector<64x64xf32>, vector<4x64xf32> -> vector<4x64xf32>
      %dot_general3A_293 = arith.constant dense<0.000000e+00> : vector<4x64xf32>
      %dot_general3A_294 = tpu.matmul %add3A_280, %get3A_9, %dot_general3A_293 {dimension_numbers = #tpu.dot_dimension_numbers<[1], [0], [0], [1], [0, 0, 1, 1], [], []>, precision = #tpu.contract_precision<fp32>, transpose_lhs_hint = false} : vector<4x64xf32>, vector<64x64xf32>, vector<4x64xf32> -> vector<4x64xf32>
      %add3A_295 = vector.broadcast %get3A_12 : vector<1x64xf32> to vector<4x64xf32>
      %add3A_296 = arith.addf %dot_general3A_294, %add3A_295 : vector<4x64xf32>
      %get3A_297 = arith.constant 0 : index
      %get3A_298 = arith.index_cast %scan3A_288 : i32 to index
      %get3A_299 = arith.constant 0 : index
      %get3A_300 = vector.load %arg1[%get3A_297, %get3A_298, %get3A_299] : memref<4x1000x64xf32, #tpu.memory_space<vmem>>, vector<4x1x64xf32>
      %get3A_301 = vector.shape_cast %get3A_300 : vector<4x1x64xf32> to vector<4x64xf32>
      %add3A_302 = arith.addf %get3A_301, %dot_general3A_290 : vector<4x64xf32>
      %logistic3A_303 = arith.negf %add3A_302 : vector<4x64xf32>
      %logistic3A_304 = math.exp %logistic3A_303 : vector<4x64xf32>
      %logistic3A_305 = arith.constant 1.000000e+00 : f32
      %logistic3A_306 = vector.broadcast %logistic3A_305 : f32 to vector<4x64xf32>
      %logistic3A_307 = arith.addf %logistic3A_306, %logistic3A_304 : vector<4x64xf32>
      %logistic3A_308 = arith.divf %logistic3A_306, %logistic3A_307 : vector<4x64xf32>
      %get3A_309 = arith.constant 0 : index
      %get3A_310 = arith.index_cast %scan3A_288 : i32 to index
      %get3A_311 = arith.constant 0 : index
      %get3A_312 = vector.load %arg2[%get3A_309, %get3A_310, %get3A_311] : memref<4x1000x64xf32, #tpu.memory_space<vmem>>, vector<4x1x64xf32>
      %get3A_313 = vector.shape_cast %get3A_312 : vector<4x1x64xf32> to vector<4x64xf32>
      %add3A_314 = arith.addf %get3A_313, %dot_general3A_292 : vector<4x64xf32>
      %logistic3A_315 = arith.negf %add3A_314 : vector<4x64xf32>
      %logistic3A_316 = math.exp %logistic3A_315 : vector<4x64xf32>
      %logistic3A_317 = arith.constant 1.000000e+00 : f32
      %logistic3A_318 = vector.broadcast %logistic3A_317 : f32 to vector<4x64xf32>
      %logistic3A_319 = arith.addf %logistic3A_318, %logistic3A_316 : vector<4x64xf32>
      %logistic3A_320 = arith.divf %logistic3A_318, %logistic3A_319 : vector<4x64xf32>
      %get3A_321 = arith.constant 0 : index
      %get3A_322 = arith.index_cast %scan3A_288 : i32 to index
      %get3A_323 = arith.constant 0 : index
      %get3A_324 = vector.load %arg3[%get3A_321, %get3A_322, %get3A_323] : memref<4x1000x64xf32, #tpu.memory_space<vmem>>, vector<4x1x64xf32>
      %get3A_325 = vector.shape_cast %get3A_324 : vector<4x1x64xf32> to vector<4x64xf32>
      %mul3A_326 = arith.mulf %logistic3A_308, %add3A_296 : vector<4x64xf32>
      %add3A_327 = arith.addf %get3A_325, %mul3A_326 : vector<4x64xf32>
      %tanh3A_328 = math.tanh %add3A_327 : vector<4x64xf32>
      %sub3A_329 = arith.constant 1.000000e+00 : f32
      %sub3A_330 = vector.broadcast %sub3A_329 : f32 to vector<4x64xf32>
      %sub3A_331 = arith.subf %sub3A_330, %logistic3A_320 : vector<4x64xf32>
      %mul3A_332 = arith.mulf %sub3A_331, %tanh3A_328 : vector<4x64xf32>
      %mul3A_333 = arith.mulf %logistic3A_320, %add3A_280 : vector<4x64xf32>
      %add3A_334 = arith.addf %mul3A_332, %mul3A_333 : vector<4x64xf32>
      %swap3A_335 = arith.constant 0 : index
      %swap3A_336 = arith.index_cast %scan3A_288 : i32 to index
      %swap3A_337 = arith.constant 0 : index
      %swap3A_338 = vector.load %arg8[%swap3A_335, %swap3A_336, %swap3A_337] : memref<4x1000x64xf32, #tpu.memory_space<vmem>>, vector<4x1x64xf32>
      %swap3A_339 = vector.shape_cast %swap3A_338 : vector<4x1x64xf32> to vector<4x64xf32>
      %swap3A_340 = vector.shape_cast %add3A_334 : vector<4x64xf32> to vector<4x1x64xf32>
      tpu.vector_store %arg8[%swap3A_335, %swap3A_336, %swap3A_337], %swap3A_340 {strides = array<i32>} : memref<4x1000x64xf32, #tpu.memory_space<vmem>>, vector<4x1x64xf32>,
      %scan3A_341 = arith.constant 6 : i32
      %scan3A_342 = arith.addi %scan3A_23, %scan3A_341 : i32
      %dot_general3A_343 = arith.constant dense<0.000000e+00> : vector<4x64xf32>
      %dot_general3A_344 = tpu.matmul %add3A_334, %get3A_3, %dot_general3A_343 {dimension_numbers = #tpu.dot_dimension_numbers<[1], [0], [0], [1], [0, 0, 1, 1], [], []>, precision = #tpu.contract_precision<fp32>, transpose_lhs_hint = false} : vector<4x64xf32>, vector<64x64xf32>, vector<4x64xf32> -> vector<4x64xf32>
      %dot_general3A_345 = arith.constant dense<0.000000e+00> : vector<4x64xf32>
      %dot_general3A_346 = tpu.matmul %add3A_334, %get3A_6, %dot_general3A_345 {dimension_numbers = #tpu.dot_dimension_numbers<[1], [0], [0], [1], [0, 0, 1, 1], [], []>, precision = #tpu.contract_precision<fp32>, transpose_lhs_hint = false} : vector<4x64xf32>, vector<64x64xf32>, vector<4x64xf32> -> vector<4x64xf32>
      %dot_general3A_347 = arith.constant dense<0.000000e+00> : vector<4x64xf32>
      %dot_general3A_348 = tpu.matmul %add3A_334, %get3A_9, %dot_general3A_347 {dimension_numbers = #tpu.dot_dimension_numbers<[1], [0], [0], [1], [0, 0, 1, 1], [], []>, precision = #tpu.contract_precision<fp32>, transpose_lhs_hint = false} : vector<4x64xf32>, vector<64x64xf32>, vector<4x64xf32> -> vector<4x64xf32>
      %add3A_349 = vector.broadcast %get3A_12 : vector<1x64xf32> to vector<4x64xf32>
      %add3A_350 = arith.addf %dot_general3A_348, %add3A_349 : vector<4x64xf32>
      %get3A_351 = arith.constant 0 : index
      %get3A_352 = arith.index_cast %scan3A_342 : i32 to index
      %get3A_353 = arith.constant 0 : index
      %get3A_354 = vector.load %arg1[%get3A_351, %get3A_352, %get3A_353] : memref<4x1000x64xf32, #tpu.memory_space<vmem>>, vector<4x1x64xf32>
      %get3A_355 = vector.shape_cast %get3A_354 : vector<4x1x64xf32> to vector<4x64xf32>
      %add3A_356 = arith.addf %get3A_355, %dot_general3A_344 : vector<4x64xf32>
      %logistic3A_357 = arith.negf %add3A_356 : vector<4x64xf32>
      %logistic3A_358 = math.exp %logistic3A_357 : vector<4x64xf32>
      %logistic3A_359 = arith.constant 1.000000e+00 : f32
      %logistic3A_360 = vector.broadcast %logistic3A_359 : f32 to vector<4x64xf32>
      %logistic3A_361 = arith.addf %logistic3A_360, %logistic3A_358 : vector<4x64xf32>
      %logistic3A_362 = arith.divf %logistic3A_360, %logistic3A_361 : vector<4x64xf32>
      %get3A_363 = arith.constant 0 : index
      %get3A_364 = arith.index_cast %scan3A_342 : i32 to index
      %get3A_365 = arith.constant 0 : index
      %get3A_366 = vector.load %arg2[%get3A_363, %get3A_364, %get3A_365] : memref<4x1000x64xf32, #tpu.memory_space<vmem>>, vector<4x1x64xf32>
      %get3A_367 = vector.shape_cast %get3A_366 : vector<4x1x64xf32> to vector<4x64xf32>
      %add3A_368 = arith.addf %get3A_367, %dot_general3A_346 : vector<4x64xf32>
      %logistic3A_369 = arith.negf %add3A_368 : vector<4x64xf32>
      %logistic3A_370 = math.exp %logistic3A_369 : vector<4x64xf32>
      %logistic3A_371 = arith.constant 1.000000e+00 : f32
      %logistic3A_372 = vector.broadcast %logistic3A_371 : f32 to vector<4x64xf32>
      %logistic3A_373 = arith.addf %logistic3A_372, %logistic3A_370 : vector<4x64xf32>
      %logistic3A_374 = arith.divf %logistic3A_372, %logistic3A_373 : vector<4x64xf32>
      %get3A_375 = arith.constant 0 : index
      %get3A_376 = arith.index_cast %scan3A_342 : i32 to index
      %get3A_377 = arith.constant 0 : index
      %get3A_378 = vector.load %arg3[%get3A_375, %get3A_376, %get3A_377] : memref<4x1000x64xf32, #tpu.memory_space<vmem>>, vector<4x1x64xf32>
      %get3A_379 = vector.shape_cast %get3A_378 : vector<4x1x64xf32> to vector<4x64xf32>
      %mul3A_380 = arith.mulf %logistic3A_362, %add3A_350 : vector<4x64xf32>
      %add3A_381 = arith.addf %get3A_379, %mul3A_380 : vector<4x64xf32>
      %tanh3A_382 = math.tanh %add3A_381 : vector<4x64xf32>
      %sub3A_383 = arith.constant 1.000000e+00 : f32
      %sub3A_384 = vector.broadcast %sub3A_383 : f32 to vector<4x64xf32>
      %sub3A_385 = arith.subf %sub3A_384, %logistic3A_374 : vector<4x64xf32>
      %mul3A_386 = arith.mulf %sub3A_385, %tanh3A_382 : vector<4x64xf32>
      %mul3A_387 = arith.mulf %logistic3A_374, %add3A_334 : vector<4x64xf32>
      %add3A_388 = arith.addf %mul3A_386, %mul3A_387 : vector<4x64xf32>
      %swap3A_389 = arith.constant 0 : index
      %swap3A_390 = arith.index_cast %scan3A_342 : i32 to index
      %swap3A_391 = arith.constant 0 : index
      %swap3A_392 = vector.load %arg8[%swap3A_389, %swap3A_390, %swap3A_391] : memref<4x1000x64xf32, #tpu.memory_space<vmem>>, vector<4x1x64xf32>
      %swap3A_393 = vector.shape_cast %swap3A_392 : vector<4x1x64xf32> to vector<4x64xf32>
      %swap3A_394 = vector.shape_cast %add3A_388 : vector<4x64xf32> to vector<4x1x64xf32>
      tpu.vector_store %arg8[%swap3A_389, %swap3A_390, %swap3A_391], %swap3A_394 {strides = array<i32>} : memref<4x1000x64xf32, #tpu.memory_space<vmem>>, vector<4x1x64xf32>,
      %scan3A_395 = arith.constant 7 : i32
      %scan3A_396 = arith.addi %scan3A_23, %scan3A_395 : i32
      %dot_general3A_397 = arith.constant dense<0.000000e+00> : vector<4x64xf32>
      %dot_general3A_398 = tpu.matmul %add3A_388, %get3A_3, %dot_general3A_397 {dimension_numbers = #tpu.dot_dimension_numbers<[1], [0], [0], [1], [0, 0, 1, 1], [], []>, precision = #tpu.contract_precision<fp32>, transpose_lhs_hint = false} : vector<4x64xf32>, vector<64x64xf32>, vector<4x64xf32> -> vector<4x64xf32>
      %dot_general3A_399 = arith.constant dense<0.000000e+00> : vector<4x64xf32>
      %dot_general3A_400 = tpu.matmul %add3A_388, %get3A_6, %dot_general3A_399 {dimension_numbers = #tpu.dot_dimension_numbers<[1], [0], [0], [1], [0, 0, 1, 1], [], []>, precision = #tpu.contract_precision<fp32>, transpose_lhs_hint = false} : vector<4x64xf32>, vector<64x64xf32>, vector<4x64xf32> -> vector<4x64xf32>
      %dot_general3A_401 = arith.constant dense<0.000000e+00> : vector<4x64xf32>
      %dot_general3A_402 = tpu.matmul %add3A_388, %get3A_9, %dot_general3A_401 {dimension_numbers = #tpu.dot_dimension_numbers<[1], [0], [0], [1], [0, 0, 1, 1], [], []>, precision = #tpu.contract_precision<fp32>, transpose_lhs_hint = false} : vector<4x64xf32>, vector<64x64xf32>, vector<4x64xf32> -> vector<4x64xf32>
      %add3A_403 = vector.broadcast %get3A_12 : vector<1x64xf32> to vector<4x64xf32>
      %add3A_404 = arith.addf %dot_general3A_402, %add3A_403 : vector<4x64xf32>
      %get3A_405 = arith.constant 0 : index
      %get3A_406 = arith.index_cast %scan3A_396 : i32 to index
      %get3A_407 = arith.constant 0 : index
      %get3A_408 = vector.load %arg1[%get3A_405, %get3A_406, %get3A_407] : memref<4x1000x64xf32, #tpu.memory_space<vmem>>, vector<4x1x64xf32>
      %get3A_409 = vector.shape_cast %get3A_408 : vector<4x1x64xf32> to vector<4x64xf32>
      %add3A_410 = arith.addf %get3A_409, %dot_general3A_398 : vector<4x64xf32>
      %logistic3A_411 = arith.negf %add3A_410 : vector<4x64xf32>
      %logistic3A_412 = math.exp %logistic3A_411 : vector<4x64xf32>
      %logistic3A_413 = arith.constant 1.000000e+00 : f32
      %logistic3A_414 = vector.broadcast %logistic3A_413 : f32 to vector<4x64xf32>
      %logistic3A_415 = arith.addf %logistic3A_414, %logistic3A_412 : vector<4x64xf32>
      %logistic3A_416 = arith.divf %logistic3A_414, %logistic3A_415 : vector<4x64xf32>
      %get3A_417 = arith.constant 0 : index
      %get3A_418 = arith.index_cast %scan3A_396 : i32 to index
      %get3A_419 = arith.constant 0 : index
      %get3A_420 = vector.load %arg2[%get3A_417, %get3A_418, %get3A_419] : memref<4x1000x64xf32, #tpu.memory_space<vmem>>, vector<4x1x64xf32>
      %get3A_421 = vector.shape_cast %get3A_420 : vector<4x1x64xf32> to vector<4x64xf32>
      %add3A_422 = arith.addf %get3A_421, %dot_general3A_400 : vector<4x64xf32>
      %logistic3A_423 = arith.negf %add3A_422 : vector<4x64xf32>
      %logistic3A_424 = math.exp %logistic3A_423 : vector<4x64xf32>
      %logistic3A_425 = arith.constant 1.000000e+00 : f32
      %logistic3A_426 = vector.broadcast %logistic3A_425 : f32 to vector<4x64xf32>
      %logistic3A_427 = arith.addf %logistic3A_426, %logistic3A_424 : vector<4x64xf32>
      %logistic3A_428 = arith.divf %logistic3A_426, %logistic3A_427 : vector<4x64xf32>
      %get3A_429 = arith.constant 0 : index
      %get3A_430 = arith.index_cast %scan3A_396 : i32 to index
      %get3A_431 = arith.constant 0 : index
      %get3A_432 = vector.load %arg3[%get3A_429, %get3A_430, %get3A_431] : memref<4x1000x64xf32, #tpu.memory_space<vmem>>, vector<4x1x64xf32>
      %get3A_433 = vector.shape_cast %get3A_432 : vector<4x1x64xf32> to vector<4x64xf32>
      %mul3A_434 = arith.mulf %logistic3A_416, %add3A_404 : vector<4x64xf32>
      %add3A_435 = arith.addf %get3A_433, %mul3A_434 : vector<4x64xf32>
      %tanh3A_436 = math.tanh %add3A_435 : vector<4x64xf32>
      %sub3A_437 = arith.constant 1.000000e+00 : f32
      %sub3A_438 = vector.broadcast %sub3A_437 : f32 to vector<4x64xf32>
      %sub3A_439 = arith.subf %sub3A_438, %logistic3A_428 : vector<4x64xf32>
      %mul3A_440 = arith.mulf %sub3A_439, %tanh3A_436 : vector<4x64xf32>
      %mul3A_441 = arith.mulf %logistic3A_428, %add3A_388 : vector<4x64xf32>
      %add3A_442 = arith.addf %mul3A_440, %mul3A_441 : vector<4x64xf32>
      %swap3A_443 = arith.constant 0 : index
      %swap3A_444 = arith.index_cast %scan3A_396 : i32 to index
      %swap3A_445 = arith.constant 0 : index
      %swap3A_446 = vector.load %arg8[%swap3A_443, %swap3A_444, %swap3A_445] : memref<4x1000x64xf32, #tpu.memory_space<vmem>>, vector<4x1x64xf32>
      %swap3A_447 = vector.shape_cast %swap3A_446 : vector<4x1x64xf32> to vector<4x64xf32>
      %swap3A_448 = vector.shape_cast %add3A_442 : vector<4x64xf32> to vector<4x1x64xf32>
      tpu.vector_store %arg8[%swap3A_443, %swap3A_444, %swap3A_445], %swap3A_448 {strides = array<i32>} : memref<4x1000x64xf32, #tpu.memory_space<vmem>>, vector<4x1x64xf32>,
      scf.yield %add3A_442 : vector<4x64xf32>
    }
    %scan3A_20 = arith.constant 1000 : i32
    %swap3A = arith.constant 0 : index
    %swap3A_21 = arith.constant 0 : index
    %swap3A_22 = vector.load %arg9[%swap3A, %swap3A_21] : memref<8x64xf32, #tpu.memory_space<vmem>>, vector<4x64xf32>
    tpu.vector_store %arg9[%swap3A, %swap3A_21], %scan3A_19 {strides = array<i32>} : memref<8x64xf32, #tpu.memory_space<vmem>>, vector<4x64xf32>,
    return
  }
  func.func @transform_0(%arg0: i32) -> (i32, i32, i32) {
    %c0_i32 = arith.constant 0 : i32
    %c0_i32_0 = arith.constant 0 : i32
    %c0_i32_1 = arith.constant 0 : i32
    return %c0_i32, %arg0, %c0_i32_0 : i32, i32, i32
  }
  func.func @transform_1(%arg0: i32) -> (i32, i32, i32) {
    %c0_i32 = arith.constant 0 : i32
    %c0_i32_0 = arith.constant 0 : i32
    %c0_i32_1 = arith.constant 0 : i32
    return %c0_i32, %arg0, %c0_i32_0 : i32, i32, i32
  }
  func.func @transform_2(%arg0: i32) -> (i32, i32, i32) {
    %c0_i32 = arith.constant 0 : i32
    %c0_i32_0 = arith.constant 0 : i32
    %c0_i32_1 = arith.constant 0 : i32
    return %c0_i32, %arg0, %c0_i32_0 : i32, i32, i32
  }
  func.func @transform_3(%arg0: i32) -> (i32, i32) {
    %c0_i32 = arith.constant 0 : i32
    %c0_i32_0 = arith.constant 0 : i32
    %c0_i32_1 = arith.constant 0 : i32
    return %c0_i32, %c0_i32_0 : i32, i32
  }
  func.func @transform_4(%arg0: i32) -> (i32, i32) {
    %c0_i32 = arith.constant 0 : i32
    %c0_i32_0 = arith.constant 0 : i32
    %c0_i32_1 = arith.constant 0 : i32
    return %c0_i32, %c0_i32_0 : i32, i32
  }
  func.func @transform_5(%arg0: i32) -> (i32, i32) {
    %c0_i32 = arith.constant 0 : i32
    %c0_i32_0 = arith.constant 0 : i32
    %c0_i32_1 = arith.constant 0 : i32
    return %c0_i32, %c0_i32_0 : i32, i32
  }
  func.func @transform_6(%arg0: i32) -> (i32, i32) {
    %c0_i32 = arith.constant 0 : i32
    %c0_i32_0 = arith.constant 0 : i32
    %c0_i32_1 = arith.constant 0 : i32
    return %c0_i32, %c0_i32_0 : i32, i32
  }
  func.func @transform_7(%arg0: i32) -> (i32, i32, i32) {
    %c0_i32 = arith.constant 0 : i32
    %c0_i32_0 = arith.constant 0 : i32
    %c0_i32_1 = arith.constant 0 : i32
    return %c0_i32, %arg0, %c0_i32_0 : i32, i32, i32
  }
}

module attributes {stable_mosaic.version = 14 : i64} {
  func.func @_head_body(%arg0: i32, %arg1: memref<4x1000x64xf32, #tpu.memory_space<vmem>>, %arg2: memref<64x12xf32, #tpu.memory_space<vmem>>, %arg3: memref<1x12xf32, #tpu.memory_space<vmem>>, %arg4: memref<4x1000x12xf32, #tpu.memory_space<vmem>>) attributes {dimension_semantics = [#tpu.dimension_semantics<arbitrary>], iteration_bounds = array<i64: 10>, scalar_prefetch = 0 : i64, scratch_operands = 0 : i64, tpu.core_type = #tpu.core_type<tc>, window_params = [{transform_indices = @transform_0, window_bounds = array<i64: 4, 1000, 64>}, {pipeline_mode = #tpu.pipeline_mode<synchronous>, transform_indices = @transform_1, window_bounds = array<i64: 64, 12>}, {pipeline_mode = #tpu.pipeline_mode<synchronous>, transform_indices = @transform_2, window_bounds = array<i64: 1, 12>}, {transform_indices = @transform_3, window_bounds = array<i64: 4, 1000, 12>}]} {
    %get3A = arith.constant 0 : index
    %get3A_0 = arith.constant 0 : index
    %get3A_1 = vector.load %arg2[%get3A, %get3A_0] : memref<64x12xf32, #tpu.memory_space<vmem>>, vector<64x12xf32>
    %get3A_2 = arith.constant 0 : index
    %get3A_3 = arith.constant 0 : index
    %get3A_4 = vector.load %arg3[%get3A_2, %get3A_3] : memref<1x12xf32, #tpu.memory_space<vmem>>, vector<1x12xf32>
    %get3A_5 = arith.constant 0 : index
    %get3A_6 = arith.constant 0 : index
    %get3A_7 = arith.constant 0 : index
    %get3A_8 = vector.load %arg1[%get3A_5, %get3A_6, %get3A_7] : memref<4x1000x64xf32, #tpu.memory_space<vmem>>, vector<1x1000x64xf32>
    %get3A_9 = vector.shape_cast %get3A_8 : vector<1x1000x64xf32> to vector<1000x64xf32>
    %dot_general3A = arith.constant dense<0.000000e+00> : vector<1000x12xf32>
    %dot_general3A_10 = tpu.matmul %get3A_9, %get3A_1, %dot_general3A {dimension_numbers = #tpu.dot_dimension_numbers<[1], [0], [0], [1], [0, 0, 1, 1], [], []>, precision = #tpu.contract_precision<fp32>, transpose_lhs_hint = false} : vector<1000x64xf32>, vector<64x12xf32>, vector<1000x12xf32> -> vector<1000x12xf32>
    %add3A = vector.broadcast %get3A_4 : vector<1x12xf32> to vector<1000x12xf32>
    %add3A_11 = arith.addf %dot_general3A_10, %add3A : vector<1000x12xf32>
    %swap3A = arith.constant 0 : index
    %swap3A_12 = arith.constant 0 : index
    %swap3A_13 = arith.constant 0 : index
    %swap3A_14 = vector.load %arg4[%swap3A, %swap3A_12, %swap3A_13] : memref<4x1000x12xf32, #tpu.memory_space<vmem>>, vector<1x1000x12xf32>
    %swap3A_15 = vector.shape_cast %swap3A_14 : vector<1x1000x12xf32> to vector<1000x12xf32>
    %swap3A_16 = vector.shape_cast %add3A_11 : vector<1000x12xf32> to vector<1x1000x12xf32>
    tpu.vector_store %arg4[%swap3A, %swap3A_12, %swap3A_13], %swap3A_16 {strides = array<i32>} : memref<4x1000x12xf32, #tpu.memory_space<vmem>>, vector<1x1000x12xf32>,
    %get3A_17 = arith.constant 1 : index
    %get3A_18 = arith.constant 0 : index
    %get3A_19 = arith.constant 0 : index
    %get3A_20 = vector.load %arg1[%get3A_17, %get3A_18, %get3A_19] : memref<4x1000x64xf32, #tpu.memory_space<vmem>>, vector<1x1000x64xf32>
    %get3A_21 = vector.shape_cast %get3A_20 : vector<1x1000x64xf32> to vector<1000x64xf32>
    %dot_general3A_22 = arith.constant dense<0.000000e+00> : vector<1000x12xf32>
    %dot_general3A_23 = tpu.matmul %get3A_21, %get3A_1, %dot_general3A_22 {dimension_numbers = #tpu.dot_dimension_numbers<[1], [0], [0], [1], [0, 0, 1, 1], [], []>, precision = #tpu.contract_precision<fp32>, transpose_lhs_hint = false} : vector<1000x64xf32>, vector<64x12xf32>, vector<1000x12xf32> -> vector<1000x12xf32>
    %add3A_24 = vector.broadcast %get3A_4 : vector<1x12xf32> to vector<1000x12xf32>
    %add3A_25 = arith.addf %dot_general3A_23, %add3A_24 : vector<1000x12xf32>
    %swap3A_26 = arith.constant 1 : index
    %swap3A_27 = arith.constant 0 : index
    %swap3A_28 = arith.constant 0 : index
    %swap3A_29 = vector.load %arg4[%swap3A_26, %swap3A_27, %swap3A_28] : memref<4x1000x12xf32, #tpu.memory_space<vmem>>, vector<1x1000x12xf32>
    %swap3A_30 = vector.shape_cast %swap3A_29 : vector<1x1000x12xf32> to vector<1000x12xf32>
    %swap3A_31 = vector.shape_cast %add3A_25 : vector<1000x12xf32> to vector<1x1000x12xf32>
    tpu.vector_store %arg4[%swap3A_26, %swap3A_27, %swap3A_28], %swap3A_31 {strides = array<i32>} : memref<4x1000x12xf32, #tpu.memory_space<vmem>>, vector<1x1000x12xf32>,
    %get3A_32 = arith.constant 2 : index
    %get3A_33 = arith.constant 0 : index
    %get3A_34 = arith.constant 0 : index
    %get3A_35 = vector.load %arg1[%get3A_32, %get3A_33, %get3A_34] : memref<4x1000x64xf32, #tpu.memory_space<vmem>>, vector<1x1000x64xf32>
    %get3A_36 = vector.shape_cast %get3A_35 : vector<1x1000x64xf32> to vector<1000x64xf32>
    %dot_general3A_37 = arith.constant dense<0.000000e+00> : vector<1000x12xf32>
    %dot_general3A_38 = tpu.matmul %get3A_36, %get3A_1, %dot_general3A_37 {dimension_numbers = #tpu.dot_dimension_numbers<[1], [0], [0], [1], [0, 0, 1, 1], [], []>, precision = #tpu.contract_precision<fp32>, transpose_lhs_hint = false} : vector<1000x64xf32>, vector<64x12xf32>, vector<1000x12xf32> -> vector<1000x12xf32>
    %add3A_39 = vector.broadcast %get3A_4 : vector<1x12xf32> to vector<1000x12xf32>
    %add3A_40 = arith.addf %dot_general3A_38, %add3A_39 : vector<1000x12xf32>
    %swap3A_41 = arith.constant 2 : index
    %swap3A_42 = arith.constant 0 : index
    %swap3A_43 = arith.constant 0 : index
    %swap3A_44 = vector.load %arg4[%swap3A_41, %swap3A_42, %swap3A_43] : memref<4x1000x12xf32, #tpu.memory_space<vmem>>, vector<1x1000x12xf32>
    %swap3A_45 = vector.shape_cast %swap3A_44 : vector<1x1000x12xf32> to vector<1000x12xf32>
    %swap3A_46 = vector.shape_cast %add3A_40 : vector<1000x12xf32> to vector<1x1000x12xf32>
    tpu.vector_store %arg4[%swap3A_41, %swap3A_42, %swap3A_43], %swap3A_46 {strides = array<i32>} : memref<4x1000x12xf32, #tpu.memory_space<vmem>>, vector<1x1000x12xf32>,
    %get3A_47 = arith.constant 3 : index
    %get3A_48 = arith.constant 0 : index
    %get3A_49 = arith.constant 0 : index
    %get3A_50 = vector.load %arg1[%get3A_47, %get3A_48, %get3A_49] : memref<4x1000x64xf32, #tpu.memory_space<vmem>>, vector<1x1000x64xf32>
    %get3A_51 = vector.shape_cast %get3A_50 : vector<1x1000x64xf32> to vector<1000x64xf32>
    %dot_general3A_52 = arith.constant dense<0.000000e+00> : vector<1000x12xf32>
    %dot_general3A_53 = tpu.matmul %get3A_51, %get3A_1, %dot_general3A_52 {dimension_numbers = #tpu.dot_dimension_numbers<[1], [0], [0], [1], [0, 0, 1, 1], [], []>, precision = #tpu.contract_precision<fp32>, transpose_lhs_hint = false} : vector<1000x64xf32>, vector<64x12xf32>, vector<1000x12xf32> -> vector<1000x12xf32>
    %add3A_54 = vector.broadcast %get3A_4 : vector<1x12xf32> to vector<1000x12xf32>
    %add3A_55 = arith.addf %dot_general3A_53, %add3A_54 : vector<1000x12xf32>
    %swap3A_56 = arith.constant 3 : index
    %swap3A_57 = arith.constant 0 : index
    %swap3A_58 = arith.constant 0 : index
    %swap3A_59 = vector.load %arg4[%swap3A_56, %swap3A_57, %swap3A_58] : memref<4x1000x12xf32, #tpu.memory_space<vmem>>, vector<1x1000x12xf32>
    %swap3A_60 = vector.shape_cast %swap3A_59 : vector<1x1000x12xf32> to vector<1000x12xf32>
    %swap3A_61 = vector.shape_cast %add3A_55 : vector<1000x12xf32> to vector<1x1000x12xf32>
    tpu.vector_store %arg4[%swap3A_56, %swap3A_57, %swap3A_58], %swap3A_61 {strides = array<i32>} : memref<4x1000x12xf32, #tpu.memory_space<vmem>>, vector<1x1000x12xf32>,
    return
  }
  func.func @transform_0(%arg0: i32) -> (i32, i32, i32) {
    %c0_i32 = arith.constant 0 : i32
    %c0_i32_0 = arith.constant 0 : i32
    %c0_i32_1 = arith.constant 0 : i32
    return %c0_i32, %arg0, %c0_i32_0 : i32, i32, i32
  }
  func.func @transform_1(%arg0: i32) -> (i32, i32) {
    %c0_i32 = arith.constant 0 : i32
    %c0_i32_0 = arith.constant 0 : i32
    %c0_i32_1 = arith.constant 0 : i32
    return %c0_i32, %c0_i32_0 : i32, i32
  }
  func.func @transform_2(%arg0: i32) -> (i32, i32) {
    %c0_i32 = arith.constant 0 : i32
    %c0_i32_0 = arith.constant 0 : i32
    %c0_i32_1 = arith.constant 0 : i32
    return %c0_i32, %c0_i32_0 : i32, i32
  }
  func.func @transform_3(%arg0: i32) -> (i32, i32, i32) {
    %c0_i32 = arith.constant 0 : i32
    %c0_i32_0 = arith.constant 0 : i32
    %c0_i32_1 = arith.constant 0 : i32
    return %c0_i32, %arg0, %c0_i32_0 : i32, i32, i32
  }
}

</mosaic_0001>

<sc_bundles>
// kernel: kernel.10.cloned.1.call-start
scs
__scs_entry_jumppad:
0x0: {  	(pc) =	sbr.rel $0x88, $3  }
0x1: {  	(tag) =	ssettag $0x0;
	lr =	simm.s32 $0x1  }
0x2: {  	[smem:$0x3F95] =	sst lr;
	_ =	strace $0xD0000000  }
0x3: {  	_ = 	snop  }
0x4: {  	_ = 	snop  }
0x5: {  	_ = 	snop  }
0x6: {  	_ = 	snop  }
0x7: {  	_ = 	snop  }
__scs_overlays_trampoline_lowered:
0x8: {  	[smem:$0x3FA4] =	sst s0  }
0x9: {  	[smem:$0x3FA5] =	sst s1  }
0xa: {  	[smem:$0x3FA6] =	sst s2  }
0xb: {  	[smem:$0x3FA7] =	sst s3  }
0xc: {  	[smem:$0x3FA8] =	sst s4  }
0xd: {  	[smem:$0x3FA9] =	sst s5  }
0xe: {  	[smem:$0x3FAA] =	sst s6  }
0xf: {  	[smem:$0x3FAB] =	sst s7  }
0x10: {  	[smem:$0x3FAC] =	sst s8  }
0x11: {  	[smem:$0x3FAD] =	sst s9;
	s0 =	simm.s32 @!p0 $0x0  }
0x12: {  	s1 =	sld [smem:$0x3F93];
	s0 =	simm.s32 @p0 $0x1  }
0x13: {  	[smem:$0x3FAE] =	sst s0;
	s0 =	simm.s32 @!p1 $0x0  }
0x14: {  	s2 =	sld [smem:$0x3F92];
	s0 =	simm.s32 @p1 $0x1  }
0x15: {  	[smem:$0x3FAF] =	sst s0;
	s0 =	simm.s32 @!p2 $0x0  }
0x16: {  	s3 =	sld [smem:$0x3FDB];
	s0 =	simm.s32 @p2 $0x1  }
0x17: {  	s4 =	simm.s32 $0x1BF5;
	[smem:$0x3FB1] =	sst s0  }
0x18: {  	s0 =	sld [smem:$0x3F94];
	_ =	swait.ge [sflag:s4], $0x0  }
0x19: {  	s7 =	sld [smem:$0x3F95]  }
0x1a: {  	s8 =	sadd.s32 $0xFFFFE003, lr  }
0x1b: {  	s9 =	sadd.s32 $0xFFFFFEF7, lr;
	s5 =	simm.s32 $0xFFFFFFFF;
	p2 =	slt.u32 s8, $0xFFFFF086  }
0x1c: {  	p1 =	slt.u32 s9, $0xF7A;
	s5 =	simm.s32 @!p2 $0x0  }
0x1d: {  	s5 =	simm.s32 @p1 $0x1;
	p0 =	seq.s32 s7, s2  }
0x1e: {  	s7 =	smul.u32 @!p0 $0xF7A, s2;
	p2 =	seq.s32 @!p0 s5, $0x0  }
0x1f: {  	s9 =	smul.u32 $0xF7A, s1;
	s8 =	simm.s32 @!p0 $0x1BF5;
	p2 =	por !p2, p0  }
0x20: {  	[sflag:s8] =	ssyncset.s32 @!p0 $0xFFFFF086;
	s6 =	sadd.s32 @!p0 s3, s7;
	s7 =	simm.s32 @!p0 $0x108  }
0x21: {  	s3 =	sadd.s32 s3, s9;
	s6 =	sadd.s32 @!p0 $0x88, s6;
	s7 =	simm.s32 @p2 $0x1082  }
0x22: {  	[simem:s7], [sflag:s8] =	dma.local @!p0 [hbm:s6], $0xF7A  }
0x23: {  	s9 =	sor.u32 $0xD0000000, s2;
	s6 =	simm.s32 $0x108;
	_ =	swait.ge @!p0 [sflag:s8], $0x0  }
0x24: {  	s3 =	sadd.s32 $0x88, s3;
	s6 =	simm.s32 @!p1 $0x1082;
	[sflag:s4] =	ssyncset.s32 $0xFFFFF086  }
0x25: {  	[simem:s6], [sflag:s4] =	dma.local [hbm:s3], $0xF7A  }
0x26: {  	[smem:$0x3F95] =	sst s1;
	(tag) =	ssettag s2;
	_ =	strace s9  }
0x27: {  	s1 =	sld [smem:$0x3FA5]  }
0x28: {  	s2 =	sld [smem:$0x3FA6]  }
0x29: {  	s4 =	sld [smem:$0x3FA8]  }
0x2a: {  	p0 =	seq.s32 s5, $0x0;
	s5 =	sld [smem:$0x3FA9]  }
0x2b: {  	s6 =	sld [smem:$0x3FAA]  }
0x2c: {  	s7 =	sld [smem:$0x3FAB]  }
0x2d: {  	s3 =	simm.s32 $0x108;
	s8 =	sld [smem:$0x3FAC]  }
0x2e: {  	s3 =	simm.s32 @!p0 $0x1082;
	s9 =	sld [smem:$0x3FAD]  }
0x2f: {  	lr =	sadd.s32 s0, s3;
	s0 =	sld [smem:$0x3FA4]  }
0x30: {  	s3 =	sld [smem:$0x3FA7]  }
0x31: {  	[smem:$0x3FB0] =	sst s10  }
0x32: {  	s10 =	sld [smem:$0x3FAE];
	_ =	sdelay $0x3  }
0x33: {  	p0 =	seq.s32 s10, $0x1;
	s10 =	sld [smem:$0x3FB0];
	_ =	sdelay $0x3  }
0x34: {  	[smem:$0x3FB0] =	sst s10  }
0x35: {  	s10 =	sld [smem:$0x3FAF];
	_ =	sdelay $0x3  }
0x36: {  	p1 =	seq.s32 s10, $0x1;
	s10 =	sld [smem:$0x3FB0];
	_ =	sdelay $0x3  }
0x37: {  	[smem:$0x3FB0] =	sst s10  }
0x38: {  	s10 =	sld [smem:$0x3FB1]  }
0x39: {  	_ = 	snop;
	(pc) =	sbr.ind lr, $3  }
0x3a: {  	_ = 	snop  }
0x3b: {  	_ = 	snop  }
0x3c: {  	p2 =	seq.s32 s10, $0x1;
	s10 =	sld [smem:$0x3FB0]  }
0x3d: {  	_ =	shalt  }
0x3e: {  	_ =	shalt  }
0x3f: {  	_ =	shalt  }
0x40: {  	_ =	shalt  }
0x41: {  	_ =	shalt  }
0x42: {  	_ =	shalt  }
0x43: {  	_ =	shalt  }
0x44: {  	_ =	shalt  }
0x45: {  	_ =	shalt  }
0x46: {  	_ =	shalt  }
0x47: {  	_ =	shalt  }
0x48: {  	_ =	shalt  }
0x49: {  	_ =	shalt  }
0x4a: {  	_ =	shalt  }
0x4b: {  	_ =	shalt  }
0x4c: {  	_ =	shalt  }
0x4d: {  	_ =	shalt  }
0x4e: {  	_ =	shalt  }
0x4f: {  	_ =	shalt  }
0x50: {  	_ =	shalt  }
0x51: {  	_ =	shalt  }
0x52: {  	_ =	shalt  }
0x53: {  	_ =	shalt  }
0x54: {  	_ =	shalt  }
0x55: {  	_ =	shalt  }
0x56: {  	_ =	shalt  }
0x57: {  	_ =	shalt  }
0x58: {  	_ =	shalt  }
0x59: {  	_ =	shalt  }
0x5a: {  	_ =	shalt  }
0x5b: {  	_ =	shalt  }
0x5c: {  	_ =	shalt  }
0x5d: {  	_ =	shalt  }
0x5e: {  	_ =	shalt  }
0x5f: {  	_ =	shalt  }
0x60: {  	_ =	shalt  }
0x61: {  	_ =	shalt  }
0x62: {  	_ =	shalt  }
0x63: {  	_ =	shalt  }
0x64: {  	_ =	shalt  }
0x65: {  	_ =	shalt  }
0x66: {  	_ =	shalt  }
0x67: {  	_ =	shalt  }
0x68: {  	_ =	shalt  }
0x69: {  	_ =	shalt  }
0x6a: {  	_ =	shalt  }
0x6b: {  	_ =	shalt  }
0x6c: {  	_ =	shalt  }
0x6d: {  	_ =	shalt  }
0x6e: {  	_ =	shalt  }
0x6f: {  	_ =	shalt  }
0x70: {  	_ =	shalt  }
0x71: {  	_ =	shalt  }
0x72: {  	_ =	shalt  }
0x73: {  	_ =	shalt  }
0x74: {  	_ =	shalt  }
0x75: {  	_ =	shalt  }
0x76: {  	_ =	shalt  }
0x77: {  	_ =	shalt  }
0x78: {  	_ =	shalt  }
0x79: {  	_ =	shalt  }
0x7a: {  	_ =	shalt  }
0x7b: {  	_ =	shalt  }
0x7c: {  	_ =	shalt  }
0x7d: {  	_ =	shalt  }
0x7e: {  	_ =	shalt  }
0x7f: {  	_ =	shalt  }
0x80: {  	_ =	shalt  }
0x81: {  	_ =	shalt  }
0x82: {  	_ =	shalt  }
0x83: {  	_ =	shalt  }
0x84: {  	_ =	shalt  }
0x85: {  	_ =	shalt  }
0x86: {  	_ =	shalt  }
0x87: {  	_ =	shalt  }
.Lfunc_end0:
.L_simem_size_0:
called_computation_lowered:
.L_overlay_start_0:
0x88: {  	s2 =	sld [smem:$0x3FD9]  }
0x89: {  	s3 =	sld [smem:$0x3FFE];
	_ =	sdelay $0x1  }
0x8a: {  	s1 =	srdreg.scid  }
0x8b: {  	s0 =	sand.u32 $0x1, s1  }
0x8c: {  	s16 =	sshll.u32 s0, $0xA;
	s2 =	sadd.s32 s3, s2  }
0x8d: {  	s2 =	sadd.s32 s2, s16  }
0x8e: {  	[smem:$0x3FBC] =	sst s2  }
0x8f: {  	_ = 	snop  }
0x90: {  	(tm) =	ssettm $0x1  }
0x91: {  	s17 =	sld [smem:$0x3FFB];
	_ =	sdelay $0x3  }
0x92: {  	_ =	strace s17  }
0x93: {  	s2 =	sld [smem:$0x3FFC];
	_ =	sdelay $0x3  }
0x94: {  	_ =	strace s2  }
0x95: {  	s2 =	sld [smem:$0x3FFD];
	_ =	sdelay $0x3  }
0x96: {  	_ =	strace s2  }
0x97: {  	_ =	strace $0x8FFFFFFF  }
0x98: {  	s18 =	sld [smem:$0x3FDB];
	_ =	sdelay $0x1  }
0x99: {  	s19 =	simm.s32 $_scs_section_size  }
0x9a: {  	s4 =	simm.s32 $_size__tile_overlayer_lowered;
	s5 =	simm.s32 $_tile_overlayer_lowered  }
0x9b: {  	s22 =	simm.s32 $0x1BFF;
	s21 =	sshll.u32 s5, $0x1;
	s2 =	sadd.s32 s19, s18  }
0x9c: {  	s6 =	simm.s32 $0x0;
	s20 =	sshll.u32 s4, $0x1;
	s4 =	sadd.s32 s21, s2  }
0x9d: {  	[timem:s6], [sflag:s22] =	dma.local [hbm:s4], s20  }
0x9e: {  	_ =	swait.ge [sflag:s22], s20  }
0x9f: {  	s3 =	ssub.s32 $0x0, s20;
	[sflag:s22] =	ssyncset.done $0x0  }
0xa0: {  	[sflag:s22] =	ssyncadd.s32 s3;
	_ =	sdelay $0x1  }
0xa1: {  	s23 =	simm.s32 $0x1B8B  }
0xa2: {  	_ =	swait.ge [sflag:s23], $0x1  }
0xa3: {  	[sflag:s23] =	ssyncset.done $0x0  }
0xa4: {  	s25 =	simm.s32 $0x1B8E;
	s24 =	sld [smem:$0x3FFE];
	[sflag:s23] =	ssyncadd.s32 $0xFFFFFFFF  }
0xa5: {  	s26 =	simm.s32 $execute0_lowered;
	[smem:$0x3FD2] =	sst s25  }
0xa6: {  	s4 =	sshll.u32 s26, $0x1;
	_ =	strace $0x80000046;
	[dreg:$0x1] =	wrdreg $0xFFFFFFFF  }
0xa7: {  	s28 =	simm.s32 $_size_execute0_lowered;
	s2 =	sadd.s32 s2, s4;
	[dreg:$0x0] =	wrdreg $0x0  }
0xa8: {  	s4 =	sshll.u32 s28, $0x1;
	[dreg:$0x2] =	wrdreg s2  }
0xa9: {  	[dreg:$0x3] =	wrdreg s4  }
0xaa: {  	[dreg:$0x4] =	wrdreg $0xC0  }
0xab: {  	_ =	task [dreg:s6], $0x5FFFF  }
0xac: {  	[dreg:$0x1] =	wrdreg $0xFFFFFFFF  }
0xad: {  	[dreg:$0x0] =	wrdreg $0x60  }
0xae: {  	[dreg:$0x2] =	wrdreg s24  }
0xaf: {  	[dreg:$0x3] =	wrdreg $0x54000  }
0xb0: {  	[dreg:$0x4] =	wrdreg $0x9  }
0xb1: {  	_ =	task.clear_ibuf [dreg:s6], $0x5FFFF;
	_ =	strace $0x90000046  }
0xb2: {  	s29 =	simm.s32 $0x9;
	_ =	strace $0x80000048  }
0xb3: {  	_ =	swait.ge [sflag:s29], $0x1  }
0xb4: {  	[sflag:s29] =	ssyncadd.s32 $0xFFFFFFFF  }
0xb5: {  	_ =	strace $0x90000048  }
0xb6: {  	_ =	sfence  }
0xb7: {  	s30 =	sld [smem:$0x0];
	_ =	sdelay $0x2  }
0xb8: {  	s31 =	sshll.u32 s1, $0xD;
	s1 =	sshrl.u32 s1, $0x2  }
0xb9: {  	s3 =	sand.u32 $0x4000, s31;
	s1 =	sadd.s32 s1, s30  }
0xba: {  	s0 =	sor.u32 s3, s0;
	s1 =	sshll.u32 s1, $0x11  }
0xbb: {  	s0 =	sor.u32 s1, s0  }
0xbc: {  	s0 =	sadd.s32 $0x8F2B, s0  }
0xbd: {  	[sflag:s0] =	ssyncadd.remote.s32 $0x1  }
0xbe: {  	_ =	sfence.sel $0xFFFF  }
0xbf: {  	[dreg:$0x0] =	wrdreg $0xFFFFFFFF;
	(pc) =	sbr.abs _section_cstart, $3  }
0xc0: {  	[dreg:$0x1] =	wrdreg $0xFFFFFFFF  }
0xc1: {  	_ =	task.clear_ibuf [dreg:s6], $0x2FFFF;
	_ =	strace $0x9FFFFFFF  }
0xc2: {  	(tm) =	ssettm $0x7FFFFFFF  }
0xc3: {  	_ =	shalt  }
tec
execute0_lowered:
.L_overlay_start_1:
0x0: {  	(tag) =	ssettag $0x1  }
0x1: {  	s5 =	rddreg [dreg:$0x0]  }
0x2: {  	s0 =	srdreg.scid;
	s2 =	rddreg [dreg:$0x1]  }
0x3: {  	s3 =	simm.s32 $0x0;
	s12 =	simm.s32 $0x5000;
	s4 =	sand.u32 $0x1, s0  }
0x4: {  	s13 =	simm.s32 $0x1;
	s0 =	stileid.u32;
	s7 =	smul.u32 $0x140000, s4  }
0x5: {  	s14 =	simm.s32 $0x80;
	s1 =	sshll.u32 s4, $0x4;
	s8 =	smul.u32 $0x14000, s0  }
0x6: {  	s15 =	simm.s32 $0x1000;
	s26 =	smul.u32 $0x50000, s0;
	s1 =	sor.u32 s0, s1  }
0x7: {  	[smem:$0x7FF] =	sst s3;
	s4 =	ssub.s32 $0x2, s4;
	s6 =	smul.u32 $0x5000, s1  }
0x8: {  	s29 =	sshrl.u32 s4, $0x1;
	s1 =	rddreg [dreg:$0x2];
	s7 =	sadd.s32 s8, s7  }
0x9: {  	_ =	strace $0x80000047;
	s28 =	sshrl.u32 s7, $0x3;
	s6 =	sshrl.u32 s6, $0x3  }
0xa: {  	s30 =	ssub.s32 s4, s29;
	s11 =	sadd.s32 s6, s5;
	s5 =	sadd.s32 s28, s5  }
0xb: {  	s31 =	sshrl.u32 s26, $0x2;
	s6 =	smax.u32 s30, $0x1;
	s4 =	sadd.s32 $0x2C000, s5  }
0xc: {  	s5 =	sadd.s32 s31, s2;
	s7 =	sadd.s32 $0x4000, s11;
	s8 =	sadd.s32 $0x4200, s11  }
0xd: {  	v0 =	vimm.f32 $1.000000000e+00;
	v1 =	vimm.f32 $0.0e+00;
	s9 =	sadd.s32 $0x4400, s11;
	s10 =	sadd.s32 $0x4600, s11;
	s11 =	sadd.s32 $0x4800, s11  }
.LBB2_1:
0xe: {  	s16 =	simm.s32 $0x0;
	s17 =	simm.s32 $0x200  }
.LBB2_2:
0xf: {  	p0 =	sne.s32 s17, $0xFE00;
	[tilespmem:s16+$0x1070] =	vst v0  }
0x10: {  	[tilespmem:s16+$0x1000] =	vst v0  }
0x11: {  	[tilespmem:s16+$0x1010] =	vst v0  }
.Ltmp0:
0x12: {  	[tilespmem:s16+$0x1020] =	vst v0;
	(pc) =	sbr.rel @p0 .LBB2_2-.Ltmp0, $4  }
0x13: {  	[tilespmem:s16+$0x1030] =	vst v0  }
0x14: {  	[tilespmem:s16+$0x1040] =	vst v0  }
0x15: {  	[tilespmem:s16+$0x1050] =	vst v0  }
0x16: {  	[tilespmem:s16+$0x1060] =	vst v0;
	s16 =	sshra.s32 s17, $0x2;
	s17 =	sadd.s32 $0x200, s17  }
0x17: {  	[tilespmem:s16+$0x1070] =	vst v0  }
0x18: {  	[tilespmem:s16+$0x1000] =	vst v0  }
0x19: {  	[tilespmem:s16+$0x1010] =	vst v0  }
0x1a: {  	[tilespmem:s16+$0x1020] =	vst v0  }
0x1b: {  	[tilespmem:s16+$0x1030] =	vst v0  }
0x1c: {  	[tilespmem:s16+$0x1040] =	vst v0  }
0x1d: {  	[tilespmem:s16+$0x1050] =	vst v0  }
0x1e: {  	[tilespmem:s16+$0x1060] =	vst v0  }
0x1f: {  	[tilespmem:$0x5000] =	vst v1  }
0x20: {  	[tilespmem:$0x5010] =	vst v1  }
0x21: {  	[tilespmem:$0x5020] =	vst v1  }
0x22: {  	[tilespmem:$0x5030] =	vst v1  }
0x23: {  	[tilespmem:$0x5040] =	vst v1  }
0x24: {  	[tilespmem:$0x5050] =	vst v1  }
0x25: {  	[tilespmem:$0x5060] =	vst v1  }
0x26: {  	[tilespmem:$0x5070] =	vst v1  }
0x27: {  	[tilespmem:$0x5080] =	vst v1  }
0x28: {  	[tilespmem:$0x5090] =	vst v1  }
0x29: {  	[tilespmem:$0x50A0] =	vst v1  }
0x2a: {  	[tilespmem:$0x50B0] =	vst v1  }
0x2b: {  	[tilespmem:$0x50C0] =	vst v1  }
0x2c: {  	[tilespmem:$0x50D0] =	vst v1  }
0x2d: {  	[tilespmem:$0x50E0] =	vst v1  }
0x2e: {  	[tilespmem:$0x50F0] =	vst v1  }
0x2f: {  	[tilespmem:$0x5100] =	vst v1  }
0x30: {  	[tilespmem:$0x5110] =	vst v1  }
0x31: {  	[tilespmem:$0x5120] =	vst v1  }
0x32: {  	[tilespmem:$0x5130] =	vst v1  }
0x33: {  	[tilespmem:$0x5140] =	vst v1  }
0x34: {  	[tilespmem:$0x5150] =	vst v1  }
0x35: {  	[tilespmem:$0x5160] =	vst v1  }
0x36: {  	[tilespmem:$0x5170] =	vst v1  }
0x37: {  	[tilespmem:$0x5180] =	vst v1  }
0x38: {  	[tilespmem:$0x5190] =	vst v1  }
0x39: {  	[tilespmem:$0x51A0] =	vst v1  }
0x3a: {  	[tilespmem:$0x51B0] =	vst v1  }
0x3b: {  	[tilespmem:$0x51C0] =	vst v1  }
0x3c: {  	[tilespmem:$0x51D0] =	vst v1  }
0x3d: {  	[tilespmem:$0x51E0] =	vst v1  }
0x3e: {  	[tilespmem:$0x51F0] =	vst v1  }
0x3f: {  	[tilespmem:$0x5200] =	vst v1  }
0x40: {  	[tilespmem:$0x5210] =	vst v1  }
0x41: {  	[tilespmem:$0x5220] =	vst v1  }
0x42: {  	[tilespmem:$0x5230] =	vst v1  }
0x43: {  	[tilespmem:$0x5240] =	vst v1  }
0x44: {  	[tilespmem:$0x5250] =	vst v1  }
0x45: {  	[tilespmem:$0x5260] =	vst v1  }
0x46: {  	[tilespmem:$0x5270] =	vst v1  }
0x47: {  	[tilespmem:$0x5280] =	vst v1  }
0x48: {  	[tilespmem:$0x5290] =	vst v1  }
0x49: {  	[tilespmem:$0x52A0] =	vst v1  }
0x4a: {  	[tilespmem:$0x52B0] =	vst v1  }
0x4b: {  	[tilespmem:$0x52C0] =	vst v1  }
0x4c: {  	[tilespmem:$0x52D0] =	vst v1  }
0x4d: {  	[tilespmem:$0x52E0] =	vst v1  }
0x4e: {  	[tilespmem:$0x52F0] =	vst v1  }
0x4f: {  	[tilespmem:$0x5300] =	vst v1  }
0x50: {  	[tilespmem:$0x5310] =	vst v1  }
0x51: {  	[tilespmem:$0x5320] =	vst v1  }
0x52: {  	[tilespmem:$0x5330] =	vst v1  }
0x53: {  	[tilespmem:$0x5340] =	vst v1  }
0x54: {  	[tilespmem:$0x5350] =	vst v1  }
0x55: {  	[tilespmem:$0x5360] =	vst v1  }
0x56: {  	[tilespmem:$0x5370] =	vst v1  }
0x57: {  	[tilespmem:$0x5380] =	vst v1  }
0x58: {  	[tilespmem:$0x5390] =	vst v1  }
0x59: {  	[tilespmem:$0x53A0] =	vst v1  }
0x5a: {  	[tilespmem:$0x53B0] =	vst v1  }
0x5b: {  	[tilespmem:$0x53C0] =	vst v1  }
0x5c: {  	[tilespmem:$0x53D0] =	vst v1  }
0x5d: {  	[tilespmem:$0x53E0] =	vst v1  }
0x5e: {  	s31 =	sadd.s32 $0x0, s5;
	[tilespmem:$0x53F0] =	vst v1  }
0x5f: {  	[spmem:s31] =	stream.linear.scatter [tilespmem:s12], [sflag:$0x1], $0x400, $0x38;
	[tilespmem:$0x19400] =	vst v63  }
0x60: {  	s16 =	simm.s32 $0x1000;
	_ =	swait.ge [sflag:s13], $0x400  }
.LBB2_4:
0x61: {  	s17 =	sshra.s32 s16, $0x2;
	[sflag:s13] =	ssyncset.done $0x0;
	p0 =	sne.s32 s16, $0x4F000  }
.Ltmp1:
0x62: {  	s17 =	sadd.s32 s17, s5;
	[sflag:s13] =	ssyncadd.s32 $0xFFFFFC00;
	(pc) =	sbr.rel @p0 .LBB2_4-.Ltmp1, $3  }
0x63: {  	[spmem:s17] =	stream.linear.scatter [tilespmem:s12], [sflag:$0x1], $0x400, $0x38;
	[tilespmem:$0x19400] =	vst v63  }
0x64: {  	s16 =	sadd.s32 $0x1000, s16;
	_ =	sdelay $0x1  }
0x65: {  	_ =	swait.ge [sflag:s13], $0x400  }
0x66: {  	[sflag:s13] =	ssyncset.done $0x0  }
0x67: {  	[sflag:s13] =	ssyncadd.s32 $0xFFFFFC00  }
0x68: {  	s16 =	simm.s32 $0x0;
	[bflag:$0x0] =	sbarrier.arrive $0xFFFF  }
0x69: {  	[tilespmem:s16], [sflag:$0x1] =	stream.linear.gather [hbm4b:s7+s16], $0x1000, $0x38;
	[tilespmem:$0x19400] =	vst v63  }
0x6a: {  	_ =	swait.ge [sflag:s13], $0x1000  }
0x6b: {  	[sflag:s13] =	ssyncset.done $0x0  }
0x6c: {  	s31 =	simm.s32 $0x0;
	[sflag:s13] =	ssyncadd.s32 $0xFFFFF000  }
0x6d: {  	[spmem:s2] =	stream.indirect.scatter.add.f32 [tilespmem:s15], [sflag:$0x1], $0x80, s31, s14, $0xb8;
	[tilespmem:$0x19400] =	vst v63  }
0x6e: {  	_ =	swait.ge [sflag:s13], $0x4000  }
0x6f: {  	s16 =	simm.s32 $0x200;
	[sflag:s13] =	ssyncset.done $0x0  }
.LBB2_6:
0x70: {  	s17 =	sshra.s32 s16, $0x2;
	[sflag:s13] =	ssyncadd.s32 $0xFFFFC000;
	p0 =	sne.s32 s16, $0x3E00  }
0x71: {  	[spmem:s2] =	stream.indirect.scatter.add.f32 [tilespmem:s15], [sflag:$0x1], $0x80, s17, s14, $0xb8;
	[tilespmem:$0x19400] =	vst v63  }
.Ltmp2:
0x72: {  	_ = 	snop;
	(pc) =	sbr.rel @p0 .LBB2_6-.Ltmp2, $4  }
0x73: {  	_ = 	snop  }
0x74: {  	s16 =	sadd.s32 $0x200, s16  }
0x75: {  	_ =	swait.ge [sflag:s13], $0x4000  }
0x76: {  	[sflag:s13] =	ssyncset.done $0x0  }
0x77: {  	[sflag:s13] =	ssyncadd.s32 $0xFFFFC000;
	s16 =	simm.s32 $0x0  }
0x78: {  	[tilespmem:s16], [sflag:$0x1] =	stream.linear.gather [hbm4b:s8+s16], $0x1000, $0x38;
	[tilespmem:$0x19400] =	vst v63  }
0x79: {  	_ =	swait.ge [sflag:s13], $0x1000  }
0x7a: {  	[sflag:s13] =	ssyncset.done $0x0  }
0x7b: {  	s31 =	simm.s32 $0x0;
	[sflag:s13] =	ssyncadd.s32 $0xFFFFF000  }
0x7c: {  	[spmem:s2] =	stream.indirect.scatter.add.f32 [tilespmem:s15], [sflag:$0x1], $0x80, s31, s14, $0xb8;
	[tilespmem:$0x19400] =	vst v63  }
0x7d: {  	_ =	swait.ge [sflag:s13], $0x4000  }
0x7e: {  	s16 =	simm.s32 $0x200;
	[sflag:s13] =	ssyncset.done $0x0  }
.LBB2_8:
0x7f: {  	s17 =	sshra.s32 s16, $0x2;
	[sflag:s13] =	ssyncadd.s32 $0xFFFFC000;
	p0 =	sne.s32 s16, $0x3E00  }
0x80: {  	[spmem:s2] =	stream.indirect.scatter.add.f32 [tilespmem:s15], [sflag:$0x1], $0x80, s17, s14, $0xb8;
	[tilespmem:$0x19400] =	vst v63  }
.Ltmp3:
0x81: {  	_ = 	snop;
	(pc) =	sbr.rel @p0 .LBB2_8-.Ltmp3, $4  }
0x82: {  	_ = 	snop  }
0x83: {  	s16 =	sadd.s32 $0x200, s16  }
0x84: {  	_ =	swait.ge [sflag:s13], $0x4000  }
0x85: {  	[sflag:s13] =	ssyncset.done $0x0  }
0x86: {  	[sflag:s13] =	ssyncadd.s32 $0xFFFFC000;
	s16 =	simm.s32 $0x0  }
0x87: {  	[tilespmem:s16], [sflag:$0x1] =	stream.linear.gather [hbm4b:s9+s16], $0x1000, $0x38;
	[tilespmem:$0x19400] =	vst v63  }
0x88: {  	_ =	swait.ge [sflag:s13], $0x1000  }
0x89: {  	[sflag:s13] =	ssyncset.done $0x0  }
0x8a: {  	s31 =	simm.s32 $0x0;
	[sflag:s13] =	ssyncadd.s32 $0xFFFFF000  }
0x8b: {  	[spmem:s2] =	stream.indirect.scatter.add.f32 [tilespmem:s15], [sflag:$0x1], $0x80, s31, s14, $0xb8;
	[tilespmem:$0x19400] =	vst v63  }
0x8c: {  	_ =	swait.ge [sflag:s13], $0x4000  }
0x8d: {  	s16 =	simm.s32 $0x200;
	[sflag:s13] =	ssyncset.done $0x0  }
.LBB2_10:
0x8e: {  	s17 =	sshra.s32 s16, $0x2;
	[sflag:s13] =	ssyncadd.s32 $0xFFFFC000;
	p0 =	sne.s32 s16, $0x3E00  }
0x8f: {  	[spmem:s2] =	stream.indirect.scatter.add.f32 [tilespmem:s15], [sflag:$0x1], $0x80, s17, s14, $0xb8;
	[tilespmem:$0x19400] =	vst v63  }
.Ltmp4:
0x90: {  	_ = 	snop;
	(pc) =	sbr.rel @p0 .LBB2_10-.Ltmp4, $4  }
0x91: {  	_ = 	snop  }
0x92: {  	s16 =	sadd.s32 $0x200, s16  }
0x93: {  	_ =	swait.ge [sflag:s13], $0x4000  }
0x94: {  	[sflag:s13] =	ssyncset.done $0x0  }
0x95: {  	[sflag:s13] =	ssyncadd.s32 $0xFFFFC000;
	s16 =	simm.s32 $0x0  }
0x96: {  	[tilespmem:s16], [sflag:$0x1] =	stream.linear.gather [hbm4b:s10+s16], $0x1000, $0x38;
	[tilespmem:$0x19400] =	vst v63  }
0x97: {  	_ =	swait.ge [sflag:s13], $0x1000  }
0x98: {  	[sflag:s13] =	ssyncset.done $0x0  }
0x99: {  	s31 =	simm.s32 $0x0;
	[sflag:s13] =	ssyncadd.s32 $0xFFFFF000  }
0x9a: {  	[spmem:s2] =	stream.indirect.scatter.add.f32 [tilespmem:s15], [sflag:$0x1], $0x80, s31, s14, $0xb8;
	[tilespmem:$0x19400] =	vst v63  }
0x9b: {  	_ =	swait.ge [sflag:s13], $0x4000  }
0x9c: {  	s16 =	simm.s32 $0x200;
	[sflag:s13] =	ssyncset.done $0x0  }
.LBB2_12:
0x9d: {  	s17 =	sshra.s32 s16, $0x2;
	[sflag:s13] =	ssyncadd.s32 $0xFFFFC000;
	p0 =	sne.s32 s16, $0x3E00  }
0x9e: {  	[spmem:s2] =	stream.indirect.scatter.add.f32 [tilespmem:s15], [sflag:$0x1], $0x80, s17, s14, $0xb8;
	[tilespmem:$0x19400] =	vst v63  }
.Ltmp5:
0x9f: {  	_ = 	snop;
	(pc) =	sbr.rel @p0 .LBB2_12-.Ltmp5, $4  }
0xa0: {  	_ = 	snop  }
0xa1: {  	s16 =	sadd.s32 $0x200, s16  }
0xa2: {  	_ =	swait.ge [sflag:s13], $0x4000  }
0xa3: {  	[sflag:s13] =	ssyncset.done $0x0  }
0xa4: {  	[sflag:s13] =	ssyncadd.s32 $0xFFFFC000;
	s16 =	simm.s32 $0x0  }
0xa5: {  	[tilespmem:s16], [sflag:$0x1] =	stream.linear.gather [hbm4b:s11+s16], $0x1000, $0x38;
	[tilespmem:$0x19400] =	vst v63  }
0xa6: {  	_ =	swait.ge [sflag:s13], $0x1000  }
0xa7: {  	[sflag:s13] =	ssyncset.done $0x0  }
0xa8: {  	s31 =	simm.s32 $0x0;
	[sflag:s13] =	ssyncadd.s32 $0xFFFFF000  }
0xa9: {  	[spmem:s2] =	stream.indirect.scatter.add.f32 [tilespmem:s15], [sflag:$0x1], $0x80, s31, s14, $0xb8;
	[tilespmem:$0x19400] =	vst v63  }
0xaa: {  	_ =	swait.ge [sflag:s13], $0x4000  }
0xab: {  	s16 =	simm.s32 $0x200;
	[sflag:s13] =	ssyncset.done $0x0  }
.LBB2_14:
0xac: {  	s17 =	sshra.s32 s16, $0x2;
	[sflag:s13] =	ssyncadd.s32 $0xFFFFC000;
	p0 =	sne.s32 s16, $0x3E00  }
0xad: {  	[spmem:s2] =	stream.indirect.scatter.add.f32 [tilespmem:s15], [sflag:$0x1], $0x80, s17, s14, $0xb8;
	[tilespmem:$0x19400] =	vst v63  }
.Ltmp6:
0xae: {  	_ = 	snop;
	(pc) =	sbr.rel @p0 .LBB2_14-.Ltmp6, $4  }
0xaf: {  	_ = 	snop  }
0xb0: {  	s16 =	sadd.s32 $0x200, s16  }
0xb1: {  	_ =	swait.ge [sflag:s13], $0x4000  }
0xb2: {  	[sflag:s13] =	ssyncset.done $0x0  }
0xb3: {  	[sflag:s13] =	ssyncadd.s32 $0xFFFFC000;
	s3 =	sadd.s32 $0x1, s3  }
0xb4: {  	s16 =	sshll.u32 s0, $0x6;
	s17 =	sshrl.u32 s5, $0x3;
	p0 =	sne.s32 s3, s6  }
.Ltmp7:
0xb5: {  	[bflag:$0x0] =	sbarrier.arrive $0xFFFF;
	s16 =	sor.u32 $0x1C01, s16;
	(pc) =	sbr.rel @p0 .LBB2_1-.Ltmp7, $4  }
0xb6: {  	[hbm:s4], [sflag:s16] =	dma.local [spmem:s17], $0x2800  }
0xb7: {  	_ =	swait.ge [sflag:s13], $0x2800  }
0xb8: {  	[sflag:s13] =	ssyncset.done $0x0  }
0xb9: {  	[sflag:s13] =	ssyncadd.s32 $0xFFFFD800  }
0xba: {  	_ =	sfence.sel $0x180000  }
0xbb: {  	[bflag:$0x0] =	sbarrier.arrive $0xFFFF  }
0xbc: {  	p0 =	sne.s32 s0, $0x0;
	_ =	strace $0x90000047  }
0xbd: {  	s0 =	sadd.s32 @!p0 $0x100000, s1;
	[bflag:$0x2] =	sbarrier.arrive $0xFFFF  }
0xbe: {  	[sflag:s0] =	ssyncadd.tile.s32 @!p0 $0x1;
	_ =	shalt  }
.Lfunc_end2:
_tile_overlayer_lowered:
.L_overlay_start_2:
0xbf: {  	(tag) =	ssettag $0x2  }
0xc0: {  	s0 =	rddreg [dreg:$0x0];
	s2 =	stileid.u32  }
0xc1: {  	s1 =	rddreg [dreg:$0x1];
	p0 =	sne.s32 s2, $0x0  }
0xc2: {  	s3 =	rddreg [dreg:$0x2];
	[bflag:$0x3] =	sbarrier.arrive $0xFFFF;
	s2 =	simm.s32 @!p0 $0x1C01  }
0xc3: {  	[timem:s3], [sflag:s2] =	dma.local @!p0 [hbm:s0], s1  }
0xc4: {  	s0 =	simm.s32 @!p0 $0x1  }
0xc5: {  	_ =	swait.ge @!p0 [sflag:s0], s1  }
0xc6: {  	s1 =	ssub.s32 @!p0 $0x0, s1;
	[sflag:s0] =	ssyncset.done @!p0 $0x0  }
0xc7: {  	[sflag:s0] =	ssyncadd.s32 @!p0 s1  }
0xc8: {  	[bflag:$0x3] =	sbarrier.arrive $0xFFFF  }
0xc9: {  	_ =	shalt  }

// kernel: kernel.13.cloned.1.call-start
scs
__scs_entry_jumppad:
0x0: {  	(pc) =	sbr.rel $0x88, $3  }
0x1: {  	(tag) =	ssettag $0x0;
	lr =	simm.s32 $0x1  }
0x2: {  	[smem:$0x3F95] =	sst lr;
	_ =	strace $0xD0000000  }
0x3: {  	_ = 	snop  }
0x4: {  	_ = 	snop  }
0x5: {  	_ = 	snop  }
0x6: {  	_ = 	snop  }
0x7: {  	_ = 	snop  }
__scs_overlays_trampoline_lowered:
0x8: {  	[smem:$0x3FA4] =	sst s0  }
0x9: {  	[smem:$0x3FA5] =	sst s1  }
0xa: {  	[smem:$0x3FA6] =	sst s2  }
0xb: {  	[smem:$0x3FA7] =	sst s3  }
0xc: {  	[smem:$0x3FA8] =	sst s4  }
0xd: {  	[smem:$0x3FA9] =	sst s5  }
0xe: {  	[smem:$0x3FAA] =	sst s6  }
0xf: {  	[smem:$0x3FAB] =	sst s7  }
0x10: {  	[smem:$0x3FAC] =	sst s8  }
0x11: {  	[smem:$0x3FAD] =	sst s9;
	s0 =	simm.s32 @!p0 $0x0  }
0x12: {  	s1 =	sld [smem:$0x3F93];
	s0 =	simm.s32 @p0 $0x1  }
0x13: {  	[smem:$0x3FAE] =	sst s0;
	s0 =	simm.s32 @!p1 $0x0  }
0x14: {  	s2 =	sld [smem:$0x3F92];
	s0 =	simm.s32 @p1 $0x1  }
0x15: {  	[smem:$0x3FAF] =	sst s0;
	s0 =	simm.s32 @!p2 $0x0  }
0x16: {  	s3 =	sld [smem:$0x3FDB];
	s0 =	simm.s32 @p2 $0x1  }
0x17: {  	s4 =	simm.s32 $0x1BF5;
	[smem:$0x3FB1] =	sst s0  }
0x18: {  	s0 =	sld [smem:$0x3F94];
	_ =	swait.ge [sflag:s4], $0x0  }
0x19: {  	s7 =	sld [smem:$0x3F95]  }
0x1a: {  	s8 =	sadd.s32 $0xFFFFE003, lr  }
0x1b: {  	s9 =	sadd.s32 $0xFFFFFEF7, lr;
	s5 =	simm.s32 $0xFFFFFFFF;
	p2 =	slt.u32 s8, $0xFFFFF086  }
0x1c: {  	p1 =	slt.u32 s9, $0xF7A;
	s5 =	simm.s32 @!p2 $0x0  }
0x1d: {  	s5 =	simm.s32 @p1 $0x1;
	p0 =	seq.s32 s7, s2  }
0x1e: {  	s7 =	smul.u32 @!p0 $0xF7A, s2;
	p2 =	seq.s32 @!p0 s5, $0x0  }
0x1f: {  	s9 =	smul.u32 $0xF7A, s1;
	s8 =	simm.s32 @!p0 $0x1BF5;
	p2 =	por !p2, p0  }
0x20: {  	[sflag:s8] =	ssyncset.s32 @!p0 $0xFFFFF086;
	s6 =	sadd.s32 @!p0 s3, s7;
	s7 =	simm.s32 @!p0 $0x108  }
0x21: {  	s3 =	sadd.s32 s3, s9;
	s6 =	sadd.s32 @!p0 $0x88, s6;
	s7 =	simm.s32 @p2 $0x1082  }
0x22: {  	[simem:s7], [sflag:s8] =	dma.local @!p0 [hbm:s6], $0xF7A  }
0x23: {  	s9 =	sor.u32 $0xD0000000, s2;
	s6 =	simm.s32 $0x108;
	_ =	swait.ge @!p0 [sflag:s8], $0x0  }
0x24: {  	s3 =	sadd.s32 $0x88, s3;
	s6 =	simm.s32 @!p1 $0x1082;
	[sflag:s4] =	ssyncset.s32 $0xFFFFF086  }
0x25: {  	[simem:s6], [sflag:s4] =	dma.local [hbm:s3], $0xF7A  }
0x26: {  	[smem:$0x3F95] =	sst s1;
	(tag) =	ssettag s2;
	_ =	strace s9  }
0x27: {  	s1 =	sld [smem:$0x3FA5]  }
0x28: {  	s2 =	sld [smem:$0x3FA6]  }
0x29: {  	s4 =	sld [smem:$0x3FA8]  }
0x2a: {  	p0 =	seq.s32 s5, $0x0;
	s5 =	sld [smem:$0x3FA9]  }
0x2b: {  	s6 =	sld [smem:$0x3FAA]  }
0x2c: {  	s7 =	sld [smem:$0x3FAB]  }
0x2d: {  	s3 =	simm.s32 $0x108;
	s8 =	sld [smem:$0x3FAC]  }
0x2e: {  	s3 =	simm.s32 @!p0 $0x1082;
	s9 =	sld [smem:$0x3FAD]  }
0x2f: {  	lr =	sadd.s32 s0, s3;
	s0 =	sld [smem:$0x3FA4]  }
0x30: {  	s3 =	sld [smem:$0x3FA7]  }
0x31: {  	[smem:$0x3FB0] =	sst s10  }
0x32: {  	s10 =	sld [smem:$0x3FAE];
	_ =	sdelay $0x3  }
0x33: {  	p0 =	seq.s32 s10, $0x1;
	s10 =	sld [smem:$0x3FB0];
	_ =	sdelay $0x3  }
0x34: {  	[smem:$0x3FB0] =	sst s10  }
0x35: {  	s10 =	sld [smem:$0x3FAF];
	_ =	sdelay $0x3  }
0x36: {  	p1 =	seq.s32 s10, $0x1;
	s10 =	sld [smem:$0x3FB0];
	_ =	sdelay $0x3  }
0x37: {  	[smem:$0x3FB0] =	sst s10  }
0x38: {  	s10 =	sld [smem:$0x3FB1]  }
0x39: {  	_ = 	snop;
	(pc) =	sbr.ind lr, $3  }
0x3a: {  	_ = 	snop  }
0x3b: {  	_ = 	snop  }
0x3c: {  	p2 =	seq.s32 s10, $0x1;
	s10 =	sld [smem:$0x3FB0]  }
0x3d: {  	_ =	shalt  }
0x3e: {  	_ =	shalt  }
0x3f: {  	_ =	shalt  }
0x40: {  	_ =	shalt  }
0x41: {  	_ =	shalt  }
0x42: {  	_ =	shalt  }
0x43: {  	_ =	shalt  }
0x44: {  	_ =	shalt  }
0x45: {  	_ =	shalt  }
0x46: {  	_ =	shalt  }
0x47: {  	_ =	shalt  }
0x48: {  	_ =	shalt  }
0x49: {  	_ =	shalt  }
0x4a: {  	_ =	shalt  }
0x4b: {  	_ =	shalt  }
0x4c: {  	_ =	shalt  }
0x4d: {  	_ =	shalt  }
0x4e: {  	_ =	shalt  }
0x4f: {  	_ =	shalt  }
0x50: {  	_ =	shalt  }
0x51: {  	_ =	shalt  }
0x52: {  	_ =	shalt  }
0x53: {  	_ =	shalt  }
0x54: {  	_ =	shalt  }
0x55: {  	_ =	shalt  }
0x56: {  	_ =	shalt  }
0x57: {  	_ =	shalt  }
0x58: {  	_ =	shalt  }
0x59: {  	_ =	shalt  }
0x5a: {  	_ =	shalt  }
0x5b: {  	_ =	shalt  }
0x5c: {  	_ =	shalt  }
0x5d: {  	_ =	shalt  }
0x5e: {  	_ =	shalt  }
0x5f: {  	_ =	shalt  }
0x60: {  	_ =	shalt  }
0x61: {  	_ =	shalt  }
0x62: {  	_ =	shalt  }
0x63: {  	_ =	shalt  }
0x64: {  	_ =	shalt  }
0x65: {  	_ =	shalt  }
0x66: {  	_ =	shalt  }
0x67: {  	_ =	shalt  }
0x68: {  	_ =	shalt  }
0x69: {  	_ =	shalt  }
0x6a: {  	_ =	shalt  }
0x6b: {  	_ =	shalt  }
0x6c: {  	_ =	shalt  }
0x6d: {  	_ =	shalt  }
0x6e: {  	_ =	shalt  }
0x6f: {  	_ =	shalt  }
0x70: {  	_ =	shalt  }
0x71: {  	_ =	shalt  }
0x72: {  	_ =	shalt  }
0x73: {  	_ =	shalt  }
0x74: {  	_ =	shalt  }
0x75: {  	_ =	shalt  }
0x76: {  	_ =	shalt  }
0x77: {  	_ =	shalt  }
0x78: {  	_ =	shalt  }
0x79: {  	_ =	shalt  }
0x7a: {  	_ =	shalt  }
0x7b: {  	_ =	shalt  }
0x7c: {  	_ =	shalt  }
0x7d: {  	_ =	shalt  }
0x7e: {  	_ =	shalt  }
0x7f: {  	_ =	shalt  }
0x80: {  	_ =	shalt  }
0x81: {  	_ =	shalt  }
0x82: {  	_ =	shalt  }
0x83: {  	_ =	shalt  }
0x84: {  	_ =	shalt  }
0x85: {  	_ =	shalt  }
0x86: {  	_ =	shalt  }
0x87: {  	_ =	shalt  }
.Lfunc_end0:
.L_simem_size_0:
called_computation.1_lowered:
.L_overlay_start_0:
0x88: {  	s2 =	sld [smem:$0x3FD9]  }
0x89: {  	s3 =	sld [smem:$0x3FFE];
	_ =	sdelay $0x1  }
0x8a: {  	s1 =	srdreg.scid  }
0x8b: {  	s0 =	sand.u32 $0x1, s1  }
0x8c: {  	s16 =	sshll.u32 s0, $0xA;
	s2 =	sadd.s32 s3, s2  }
0x8d: {  	s2 =	sadd.s32 s2, s16  }
0x8e: {  	[smem:$0x3FBC] =	sst s2  }
0x8f: {  	_ = 	snop  }
0x90: {  	(tm) =	ssettm $0x1  }
0x91: {  	s17 =	sld [smem:$0x3FFB];
	_ =	sdelay $0x3  }
0x92: {  	_ =	strace s17  }
0x93: {  	s2 =	sld [smem:$0x3FFC];
	_ =	sdelay $0x3  }
0x94: {  	_ =	strace s2  }
0x95: {  	s2 =	sld [smem:$0x3FFD];
	_ =	sdelay $0x3  }
0x96: {  	_ =	strace s2  }
0x97: {  	_ =	strace $0x8FFFFFFF  }
0x98: {  	s18 =	sld [smem:$0x3FDB];
	_ =	sdelay $0x1  }
0x99: {  	s19 =	simm.s32 $_scs_section_size  }
0x9a: {  	s4 =	simm.s32 $_size__tile_overlayer_lowered;
	s5 =	simm.s32 $_tile_overlayer_lowered  }
0x9b: {  	s22 =	simm.s32 $0x1BFF;
	s21 =	sshll.u32 s5, $0x1;
	s2 =	sadd.s32 s19, s18  }
0x9c: {  	s6 =	simm.s32 $0x0;
	s20 =	sshll.u32 s4, $0x1;
	s4 =	sadd.s32 s21, s2  }
0x9d: {  	[timem:s6], [sflag:s22] =	dma.local [hbm:s4], s20  }
0x9e: {  	_ =	swait.ge [sflag:s22], s20  }
0x9f: {  	s3 =	ssub.s32 $0x0, s20;
	[sflag:s22] =	ssyncset.done $0x0  }
0xa0: {  	[sflag:s22] =	ssyncadd.s32 s3;
	_ =	sdelay $0x1  }
0xa1: {  	s23 =	simm.s32 $0x1B8B  }
0xa2: {  	_ =	swait.ge [sflag:s23], $0x1  }
0xa3: {  	[sflag:s23] =	ssyncset.done $0x0  }
0xa4: {  	s25 =	simm.s32 $0x1B8E;
	s24 =	sld [smem:$0x3FFE];
	[sflag:s23] =	ssyncadd.s32 $0xFFFFFFFF  }
0xa5: {  	s26 =	simm.s32 $execute0_lowered;
	[smem:$0x3FD2] =	sst s25  }
0xa6: {  	s4 =	sshll.u32 s26, $0x1;
	_ =	strace $0x80000049;
	[dreg:$0x1] =	wrdreg $0xFFFFFFFF  }
0xa7: {  	s28 =	simm.s32 $_size_execute0_lowered;
	s2 =	sadd.s32 s2, s4;
	[dreg:$0x0] =	wrdreg $0x0  }
0xa8: {  	s4 =	sshll.u32 s28, $0x1;
	[dreg:$0x2] =	wrdreg s2  }
0xa9: {  	[dreg:$0x3] =	wrdreg s4  }
0xaa: {  	[dreg:$0x4] =	wrdreg $0xC0  }
0xab: {  	_ =	task [dreg:s6], $0x5FFFF  }
0xac: {  	[dreg:$0x1] =	wrdreg $0xFFFFFFFF  }
0xad: {  	[dreg:$0x0] =	wrdreg $0x60  }
0xae: {  	[dreg:$0x2] =	wrdreg s24  }
0xaf: {  	[dreg:$0x3] =	wrdreg $0xA4000  }
0xb0: {  	[dreg:$0x4] =	wrdreg $0x9  }
0xb1: {  	_ =	task.clear_ibuf [dreg:s6], $0x5FFFF;
	_ =	strace $0x90000049  }
0xb2: {  	s29 =	simm.s32 $0x9;
	_ =	strace $0x8000004B  }
0xb3: {  	_ =	swait.ge [sflag:s29], $0x1  }
0xb4: {  	[sflag:s29] =	ssyncadd.s32 $0xFFFFFFFF  }
0xb5: {  	_ =	strace $0x9000004B  }
0xb6: {  	_ =	sfence  }
0xb7: {  	s30 =	sld [smem:$0x0];
	_ =	sdelay $0x2  }
0xb8: {  	s31 =	sshll.u32 s1, $0xD;
	s1 =	sshrl.u32 s1, $0x2  }
0xb9: {  	s3 =	sand.u32 $0x4000, s31;
	s1 =	sadd.s32 s1, s30  }
0xba: {  	s0 =	sor.u32 s3, s0;
	s1 =	sshll.u32 s1, $0x11  }
0xbb: {  	s0 =	sor.u32 s1, s0  }
0xbc: {  	s0 =	sadd.s32 $0x8F2B, s0  }
0xbd: {  	[sflag:s0] =	ssyncadd.remote.s32 $0x1  }
0xbe: {  	_ =	sfence.sel $0xFFFF  }
0xbf: {  	[dreg:$0x0] =	wrdreg $0xFFFFFFFF;
	(pc) =	sbr.abs _section_cstart, $3  }
0xc0: {  	[dreg:$0x1] =	wrdreg $0xFFFFFFFF  }
0xc1: {  	_ =	task.clear_ibuf [dreg:s6], $0x2FFFF;
	_ =	strace $0x9FFFFFFF  }
0xc2: {  	(tm) =	ssettm $0x7FFFFFFF  }
0xc3: {  	_ =	shalt  }
tec
execute0_lowered:
.L_overlay_start_1:
0x0: {  	(tag) =	ssettag $0x1  }
0x1: {  	s7 =	rddreg [dreg:$0x0]  }
0x2: {  	s1 =	rddreg [dreg:$0x1];
	s2 =	srdreg.scid  }
0x3: {  	s0 =	rddreg [dreg:$0x2];
	s3 =	simm.s32 $0x0;
	s12 =	simm.s32 $0x3  }
0x4: {  	s13 =	simm.s32 $0x1000;
	s14 =	simm.s32 $0x80;
	s15 =	simm.s32 $0x2000  }
0x5: {  	s16 =	simm.s32 $0x6000;
	s17 =	simm.s32 $0x1;
	s18 =	simm.s32 $0x2  }
0x6: {  	s19 =	simm.s32 $0xF80;
	s20 =	simm.s32 $0x1F00;
	s21 =	simm.s32 $0x1F80  }
0x7: {  	s8 =	sand.u32 $0x1, s2;
	s2 =	stileid.u32;
	[smem:$0x7FF] =	sst s3  }
0x8: {  	s4 =	sadd.s32 $0x2C000, s7;
	s5 =	sadd.s32 $0x18000, s7;
	s9 =	smul.u32 $0x140000, s8  }
0x9: {  	s6 =	sadd.s32 $0x4000, s7;
	s10 =	smul.u32 $0x14000, s2;
	_ =	strace $0x8000004A  }
0xa: {  	s29 =	ssub.s32 $0x2, s8;
	s11 =	smul.u32 $0x50000, s2;
	s8 =	sshll.u32 s8, $0x4  }
0xb: {  	s22 =	sshll.u32 s2, $0x6;
	s30 =	sshrl.u32 s29, $0x1;
	s9 =	sadd.s32 s10, s9  }
0xc: {  	s31 =	sor.u32 s2, s8;
	s22 =	sor.u32 $0x1C03, s22;
	s9 =	sshrl.u32 s9, $0x3  }
0xd: {  	s10 =	ssub.s32 s29, s30;
	s11 =	sshrl.u32 s11, $0x2;
	s9 =	sadd.s32 s9, s7  }
0xe: {  	s10 =	smax.u32 s10, $0x1;
	s8 =	sadd.s32 $0x54000, s9;
	s9 =	sadd.s32 s11, s1  }
0xf: {  	v0 =	vimm.f32 $0.0e+00;
	s7 =	smul.u32 $0x5000, s31;
	s11 =	simm.s32 $0xA000;
	s23 =	sshrl.u32 s9, $0x3  }
.LBB2_1:
0x10: {  	[tilespmem:$0xA000] =	vst v0  }
0x11: {  	[tilespmem:$0xA010] =	vst v0  }
0x12: {  	[tilespmem:$0xA020] =	vst v0  }
0x13: {  	[tilespmem:$0xA030] =	vst v0  }
0x14: {  	[tilespmem:$0xA040] =	vst v0  }
0x15: {  	[tilespmem:$0xA050] =	vst v0  }
0x16: {  	[tilespmem:$0xA060] =	vst v0  }
0x17: {  	[tilespmem:$0xA070] =	vst v0  }
0x18: {  	[tilespmem:$0xA080] =	vst v0  }
0x19: {  	[tilespmem:$0xA090] =	vst v0  }
0x1a: {  	[tilespmem:$0xA0A0] =	vst v0  }
0x1b: {  	[tilespmem:$0xA0B0] =	vst v0  }
0x1c: {  	[tilespmem:$0xA0C0] =	vst v0  }
0x1d: {  	[tilespmem:$0xA0D0] =	vst v0  }
0x1e: {  	[tilespmem:$0xA0E0] =	vst v0  }
0x1f: {  	[tilespmem:$0xA0F0] =	vst v0  }
0x20: {  	[tilespmem:$0xA100] =	vst v0  }
0x21: {  	[tilespmem:$0xA110] =	vst v0  }
0x22: {  	[tilespmem:$0xA120] =	vst v0  }
0x23: {  	[tilespmem:$0xA130] =	vst v0  }
0x24: {  	[tilespmem:$0xA140] =	vst v0  }
0x25: {  	[tilespmem:$0xA150] =	vst v0  }
0x26: {  	[tilespmem:$0xA160] =	vst v0  }
0x27: {  	[tilespmem:$0xA170] =	vst v0  }
0x28: {  	[tilespmem:$0xA180] =	vst v0  }
0x29: {  	[tilespmem:$0xA190] =	vst v0  }
0x2a: {  	[tilespmem:$0xA1A0] =	vst v0  }
0x2b: {  	[tilespmem:$0xA1B0] =	vst v0  }
0x2c: {  	[tilespmem:$0xA1C0] =	vst v0  }
0x2d: {  	[tilespmem:$0xA1D0] =	vst v0  }
0x2e: {  	[tilespmem:$0xA1E0] =	vst v0  }
0x2f: {  	[tilespmem:$0xA1F0] =	vst v0  }
0x30: {  	[tilespmem:$0xA200] =	vst v0  }
0x31: {  	[tilespmem:$0xA210] =	vst v0  }
0x32: {  	[tilespmem:$0xA220] =	vst v0  }
0x33: {  	[tilespmem:$0xA230] =	vst v0  }
0x34: {  	[tilespmem:$0xA240] =	vst v0  }
0x35: {  	[tilespmem:$0xA250] =	vst v0  }
0x36: {  	[tilespmem:$0xA260] =	vst v0  }
0x37: {  	[tilespmem:$0xA270] =	vst v0  }
0x38: {  	[tilespmem:$0xA280] =	vst v0  }
0x39: {  	[tilespmem:$0xA290] =	vst v0  }
0x3a: {  	[tilespmem:$0xA2A0] =	vst v0  }
0x3b: {  	[tilespmem:$0xA2B0] =	vst v0  }
0x3c: {  	[tilespmem:$0xA2C0] =	vst v0  }
0x3d: {  	[tilespmem:$0xA2D0] =	vst v0  }
0x3e: {  	[tilespmem:$0xA2E0] =	vst v0  }
0x3f: {  	[tilespmem:$0xA2F0] =	vst v0  }
0x40: {  	[tilespmem:$0xA300] =	vst v0  }
0x41: {  	[tilespmem:$0xA310] =	vst v0  }
0x42: {  	[tilespmem:$0xA320] =	vst v0  }
0x43: {  	[tilespmem:$0xA330] =	vst v0  }
0x44: {  	[tilespmem:$0xA340] =	vst v0  }
0x45: {  	[tilespmem:$0xA350] =	vst v0  }
0x46: {  	[tilespmem:$0xA360] =	vst v0  }
0x47: {  	[tilespmem:$0xA370] =	vst v0  }
0x48: {  	[tilespmem:$0xA380] =	vst v0  }
0x49: {  	[tilespmem:$0xA390] =	vst v0  }
0x4a: {  	[tilespmem:$0xA3A0] =	vst v0  }
0x4b: {  	[tilespmem:$0xA3B0] =	vst v0  }
0x4c: {  	[tilespmem:$0xA3C0] =	vst v0  }
0x4d: {  	[tilespmem:$0xA3D0] =	vst v0  }
0x4e: {  	[tilespmem:$0xA3E0] =	vst v0  }
0x4f: {  	[tilespmem:$0xA3F0] =	vst v0;
	s24 =	sadd.s32 $0x0, s9  }
0x50: {  	[spmem:s24] =	stream.linear.scatter [tilespmem:s11], [sflag:$0x3], $0x400, $0x38;
	[tilespmem:$0x1E400] =	vst v63  }
0x51: {  	s24 =	simm.s32 $0x1000;
	_ =	swait.ge [sflag:s12], $0x400  }
.LBB2_2:
0x52: {  	s25 =	sshra.s32 s24, $0x2;
	[sflag:s12] =	ssyncset.done $0x0;
	p0 =	sne.s32 s24, $0x4F000  }
.Ltmp0:
0x53: {  	s25 =	sadd.s32 s25, s9;
	[sflag:s12] =	ssyncadd.s32 $0xFFFFFC00;
	(pc) =	sbr.rel @p0 .LBB2_2-.Ltmp0, $3  }
0x54: {  	[spmem:s25] =	stream.linear.scatter [tilespmem:s11], [sflag:$0x3], $0x400, $0x38;
	[tilespmem:$0x1E400] =	vst v63  }
0x55: {  	s24 =	sadd.s32 $0x1000, s24;
	_ =	sdelay $0x1  }
0x56: {  	_ =	swait.ge [sflag:s12], $0x400  }
0x57: {  	[sflag:s12] =	ssyncset.done $0x0  }
0x58: {  	[sflag:s12] =	ssyncadd.s32 $0xFFFFFC00  }
0x59: {  	s24 =	simm.s32 $0x0;
	s25 =	simm.s32 $0x0;
	[bflag:$0x0] =	sbarrier.arrive $0xFFFF  }
.LBB2_4:
0x5a: {  	s26 =	sshll.u32 s25, $0xC  }
0x5b: {  	s26 =	sadd.s32 s7, s26  }
0x5c: {  	s26 =	sshrl.u32 s26, $0x3  }
0x5d: {  	s28 =	sadd.s32 s5, s26  }
0x5e: {  	[tilespmem:s24], [sflag:$0x3] =	stream.linear.gather [hbm4b:s28+s24], $0x1000, $0x38;
	[tilespmem:$0x1E400] =	vst v63  }
0x5f: {  	_ =	swait.ge [sflag:s12], $0x1000  }
0x60: {  	[sflag:s12] =	ssyncset.done $0x0  }
0x61: {  	s26 =	sadd.s32 s6, s26;
	[sflag:s12] =	ssyncadd.s32 $0xFFFFF000  }
0x62: {  	[tilespmem:s13], [sflag:$0x3] =	stream.linear.gather [hbm4b:s26+s24], $0x1000, $0x38;
	[tilespmem:$0x1E400] =	vst v63  }
0x63: {  	_ =	swait.ge [sflag:s12], $0x1000  }
0x64: {  	[sflag:s12] =	ssyncset.done $0x0  }
0x65: {  	[sflag:s12] =	ssyncadd.s32 $0xFFFFF000  }
0x66: {  	[tilespmem:s15], [sflag:$0x1] =	stream.indirect.gather [hbm4b:s4+s14], $0x80, s24, s14, $0xb8;
	[tilespmem:$0x1E400] =	vst v63  }
0x67: {  	s31 =	simm.s32 $0x80  }
0x68: {  	[tilespmem:s16], [sflag:$0x2] =	stream.indirect.gather [hbm4b:s4+s14], $0x80, s31, s14, $0xb8;
	[tilespmem:$0x1E400] =	vst v63  }
0x69: {  	_ =	swait.ge [sflag:s17], $0x4000  }
0x6a: {  	[sflag:s17] =	ssyncset.done $0x0  }
0x6b: {  	s29 =	simm.s32 $0x1000;
	[sflag:s17] =	ssyncadd.s32 $0xFFFFC000  }
0x6c: {  	[spmem:s1] =	stream.indirect.scatter.add.f32 [tilespmem:s15], [sflag:$0x3], $0x80, s29, s14, $0xb8;
	[tilespmem:$0x1E400] =	vst v63  }
0x6d: {  	_ =	swait.ge [sflag:s12], $0x4000  }
0x6e: {  	[sflag:s12] =	ssyncset.done $0x0  }
0x6f: {  	s30 =	simm.s32 $0x100;
	[sflag:s12] =	ssyncadd.s32 $0xFFFFC000  }
0x70: {  	[tilespmem:s15], [sflag:$0x1] =	stream.indirect.gather [hbm4b:s4+s14], $0x80, s30, s14, $0xb8;
	[tilespmem:$0x1E400] =	vst v63  }
0x71: {  	_ =	swait.ge [sflag:s18], $0x4000  }
0x72: {  	[sflag:s18] =	ssyncset.done $0x0  }
0x73: {  	s31 =	simm.s32 $0x1080;
	[sflag:s18] =	ssyncadd.s32 $0xFFFFC000  }
0x74: {  	[spmem:s1] =	stream.indirect.scatter.add.f32 [tilespmem:s16], [sflag:$0x3], $0x80, s31, s14, $0xb8;
	[tilespmem:$0x1E400] =	vst v63  }
0x75: {  	_ =	swait.ge [sflag:s12], $0x4000  }
0x76: {  	s28 =	simm.s32 $0x800;
	s26 =	simm.s32 $0x100;
	[sflag:s12] =	ssyncset.done $0x0  }
.LBB2_5:
0x77: {  	s29 =	sadd.s32 $0x80, s26  }
0x78: {  	[sflag:s12] =	ssyncadd.s32 $0xFFFFC000;
	s30 =	smov.u32 s28;
	s31 =	sadd.s32 $0x400, s28  }
0x79: {  	[tilespmem:s16], [sflag:$0x2] =	stream.indirect.gather [hbm4b:s4+s14], $0x80, s29, s14, $0xb8;
	[tilespmem:$0x1E400] =	vst v63  }
0x7a: {  	p0 =	sne.s32 s28, $0x3800;
	_ =	swait.ge [sflag:s17], $0x4000  }
0x7b: {  	[sflag:s17] =	ssyncset.done $0x0  }
0x7c: {  	s28 =	sadd.s32 $0x1000, s26;
	[sflag:s17] =	ssyncadd.s32 $0xFFFFC000  }
0x7d: {  	[spmem:s1] =	stream.indirect.scatter.add.f32 [tilespmem:s15], [sflag:$0x3], $0x80, s28, s14, $0xb8;
	[tilespmem:$0x1E400] =	vst v63  }
0x7e: {  	_ =	swait.ge [sflag:s12], $0x4000  }
0x7f: {  	[sflag:s12] =	ssyncset.done $0x0  }
0x80: {  	s28 =	sadd.s32 $0x100, s26;
	[sflag:s12] =	ssyncadd.s32 $0xFFFFC000  }
0x81: {  	[tilespmem:s15], [sflag:$0x1] =	stream.indirect.gather [hbm4b:s4+s14], $0x80, s28, s14, $0xb8;
	[tilespmem:$0x1E400] =	vst v63  }
0x82: {  	_ =	swait.ge [sflag:s18], $0x4000  }
.Ltmp1:
0x83: {  	[sflag:s18] =	ssyncset.done $0x0;
	(pc) =	sbr.rel @p0 .LBB2_5-.Ltmp1, $4  }
0x84: {  	s26 =	sadd.s32 $0x1080, s26;
	[sflag:s18] =	ssyncadd.s32 $0xFFFFC000  }
0x85: {  	[spmem:s1] =	stream.indirect.scatter.add.f32 [tilespmem:s16], [sflag:$0x3], $0x80, s26, s14, $0xb8;
	[tilespmem:$0x1E400] =	vst v63  }
0x86: {  	_ =	swait.ge [sflag:s12], $0x4000  }
0x87: {  	s28 =	smov.u32 s31;
	s26 =	sshra.s32 s30, $0x2;
	[sflag:s12] =	ssyncset.done $0x0  }
0x88: {  	s28 =	sadd.s32 $0x80, s26;
	[sflag:s12] =	ssyncadd.s32 $0xFFFFC000  }
0x89: {  	[tilespmem:s16], [sflag:$0x2] =	stream.indirect.gather [hbm4b:s4+s14], $0x80, s28, s14, $0xb8;
	[tilespmem:$0x1E400] =	vst v63  }
0x8a: {  	_ =	swait.ge [sflag:s17], $0x4000  }
0x8b: {  	[sflag:s17] =	ssyncset.done $0x0  }
0x8c: {  	s29 =	sadd.s32 $0x1000, s26;
	[sflag:s17] =	ssyncadd.s32 $0xFFFFC000  }
0x8d: {  	[spmem:s1] =	stream.indirect.scatter.add.f32 [tilespmem:s15], [sflag:$0x3], $0x80, s29, s14, $0xb8;
	[tilespmem:$0x1E400] =	vst v63  }
0x8e: {  	_ =	swait.ge [sflag:s12], $0x4000  }
0x8f: {  	[sflag:s12] =	ssyncset.done $0x0  }
0x90: {  	s30 =	sadd.s32 $0x100, s26;
	[sflag:s12] =	ssyncadd.s32 $0xFFFFC000  }
0x91: {  	[tilespmem:s15], [sflag:$0x1] =	stream.indirect.gather [hbm4b:s4+s14], $0x80, s30, s14, $0xb8;
	[tilespmem:$0x1E400] =	vst v63  }
0x92: {  	_ =	swait.ge [sflag:s18], $0x4000  }
0x93: {  	[sflag:s18] =	ssyncset.done $0x0  }
0x94: {  	s31 =	sadd.s32 $0x1080, s26;
	[sflag:s18] =	ssyncadd.s32 $0xFFFFC000  }
0x95: {  	[spmem:s1] =	stream.indirect.scatter.add.f32 [tilespmem:s16], [sflag:$0x3], $0x80, s31, s14, $0xb8;
	[tilespmem:$0x1E400] =	vst v63  }
0x96: {  	_ =	swait.ge [sflag:s12], $0x4000  }
0x97: {  	[sflag:s12] =	ssyncset.done $0x0  }
0x98: {  	[sflag:s12] =	ssyncadd.s32 $0xFFFFC000  }
0x99: {  	[tilespmem:s16], [sflag:$0x2] =	stream.indirect.gather [hbm4b:s4+s14], $0x80, s19, s14, $0xb8;
	[tilespmem:$0x1E400] =	vst v63  }
0x9a: {  	_ =	swait.ge [sflag:s17], $0x4000  }
0x9b: {  	[sflag:s17] =	ssyncset.done $0x0  }
0x9c: {  	[sflag:s17] =	ssyncadd.s32 $0xFFFFC000  }
0x9d: {  	[spmem:s1] =	stream.indirect.scatter.add.f32 [tilespmem:s15], [sflag:$0x3], $0x80, s20, s14, $0xb8;
	[tilespmem:$0x1E400] =	vst v63  }
0x9e: {  	_ =	swait.ge [sflag:s12], $0x4000  }
0x9f: {  	[sflag:s12] =	ssyncset.done $0x0  }
0xa0: {  	[sflag:s12] =	ssyncadd.s32 $0xFFFFC000  }
0xa1: {  	s25 =	sadd.s32 $0x1, s25;
	_ =	swait.ge [sflag:s18], $0x4000  }
0xa2: {  	p0 =	sne.s32 s25, $0x5;
	[sflag:s18] =	ssyncset.done $0x0  }
.Ltmp2:
0xa3: {  	[sflag:s18] =	ssyncadd.s32 $0xFFFFC000;
	(pc) =	sbr.rel @p0 .LBB2_4-.Ltmp2, $4  }
0xa4: {  	[spmem:s1] =	stream.indirect.scatter.add.f32 [tilespmem:s16], [sflag:$0x3], $0x80, s21, s14, $0xb8;
	[tilespmem:$0x1E400] =	vst v63  }
0xa5: {  	_ =	swait.ge [sflag:s12], $0x4000  }
0xa6: {  	[sflag:s12] =	ssyncset.done $0x0  }
0xa7: {  	[sflag:s12] =	ssyncadd.s32 $0xFFFFC000  }
0xa8: {  	s3 =	sadd.s32 $0x1, s3  }
0xa9: {  	p0 =	sne.s32 s3, s10  }
.Ltmp3:
0xaa: {  	[bflag:$0x0] =	sbarrier.arrive $0xFFFF;
	(pc) =	sbr.rel @p0 .LBB2_1-.Ltmp3, $4  }
0xab: {  	[hbm:s8], [sflag:s22] =	dma.local [spmem:s23], $0x2800  }
0xac: {  	_ =	swait.ge [sflag:s12], $0x2800  }
0xad: {  	[sflag:s12] =	ssyncset.done $0x0  }
0xae: {  	[sflag:s12] =	ssyncadd.s32 $0xFFFFD800  }
0xaf: {  	_ =	sfence.sel $0x180000  }
0xb0: {  	[bflag:$0x0] =	sbarrier.arrive $0xFFFF  }
0xb1: {  	p0 =	sne.s32 s2, $0x0;
	_ =	strace $0x9000004A  }
0xb2: {  	s0 =	sadd.s32 @!p0 $0x100000, s0;
	[bflag:$0x2] =	sbarrier.arrive $0xFFFF  }
0xb3: {  	[sflag:s0] =	ssyncadd.tile.s32 @!p0 $0x1;
	_ =	shalt  }
.Lfunc_end2:
_tile_overlayer_lowered:
.L_overlay_start_2:
0xb4: {  	(tag) =	ssettag $0x2  }
0xb5: {  	s0 =	rddreg [dreg:$0x0];
	s2 =	stileid.u32  }
0xb6: {  	s1 =	rddreg [dreg:$0x1];
	p0 =	sne.s32 s2, $0x0  }
0xb7: {  	s3 =	rddreg [dreg:$0x2];
	[bflag:$0x3] =	sbarrier.arrive $0xFFFF;
	s2 =	simm.s32 @!p0 $0x1C03  }
0xb8: {  	[timem:s3], [sflag:s2] =	dma.local @!p0 [hbm:s0], s1  }
0xb9: {  	s0 =	simm.s32 @!p0 $0x3  }
0xba: {  	_ =	swait.ge @!p0 [sflag:s0], s1  }
0xbb: {  	s1 =	ssub.s32 @!p0 $0x0, s1;
	[sflag:s0] =	ssyncset.done @!p0 $0x0  }
0xbc: {  	[sflag:s0] =	ssyncadd.s32 @!p0 s1  }
0xbd: {  	[bflag:$0x3] =	sbarrier.arrive $0xFFFF  }
0xbe: {  	_ =	shalt  }

// kernel: kernel.16.cloned.1.call-start
scs
__scs_entry_jumppad:
0x0: {  	(pc) =	sbr.rel $0x88, $3  }
0x1: {  	(tag) =	ssettag $0x0;
	lr =	simm.s32 $0x1  }
0x2: {  	[smem:$0x3F95] =	sst lr;
	_ =	strace $0xD0000000  }
0x3: {  	_ = 	snop  }
0x4: {  	_ = 	snop  }
0x5: {  	_ = 	snop  }
0x6: {  	_ = 	snop  }
0x7: {  	_ = 	snop  }
__scs_overlays_trampoline_lowered:
0x8: {  	[smem:$0x3FA4] =	sst s0  }
0x9: {  	[smem:$0x3FA5] =	sst s1  }
0xa: {  	[smem:$0x3FA6] =	sst s2  }
0xb: {  	[smem:$0x3FA7] =	sst s3  }
0xc: {  	[smem:$0x3FA8] =	sst s4  }
0xd: {  	[smem:$0x3FA9] =	sst s5  }
0xe: {  	[smem:$0x3FAA] =	sst s6  }
0xf: {  	[smem:$0x3FAB] =	sst s7  }
0x10: {  	[smem:$0x3FAC] =	sst s8  }
0x11: {  	[smem:$0x3FAD] =	sst s9;
	s0 =	simm.s32 @!p0 $0x0  }
0x12: {  	s1 =	sld [smem:$0x3F93];
	s0 =	simm.s32 @p0 $0x1  }
0x13: {  	[smem:$0x3FAE] =	sst s0;
	s0 =	simm.s32 @!p1 $0x0  }
0x14: {  	s2 =	sld [smem:$0x3F92];
	s0 =	simm.s32 @p1 $0x1  }
0x15: {  	[smem:$0x3FAF] =	sst s0;
	s0 =	simm.s32 @!p2 $0x0  }
0x16: {  	s3 =	sld [smem:$0x3FDB];
	s0 =	simm.s32 @p2 $0x1  }
0x17: {  	s4 =	simm.s32 $0x1BF5;
	[smem:$0x3FB1] =	sst s0  }
0x18: {  	s0 =	sld [smem:$0x3F94];
	_ =	swait.ge [sflag:s4], $0x0  }
0x19: {  	s7 =	sld [smem:$0x3F95]  }
0x1a: {  	s8 =	sadd.s32 $0xFFFFE003, lr  }
0x1b: {  	s9 =	sadd.s32 $0xFFFFFEF7, lr;
	s5 =	simm.s32 $0xFFFFFFFF;
	p2 =	slt.u32 s8, $0xFFFFF086  }
0x1c: {  	p1 =	slt.u32 s9, $0xF7A;
	s5 =	simm.s32 @!p2 $0x0  }
0x1d: {  	s5 =	simm.s32 @p1 $0x1;
	p0 =	seq.s32 s7, s2  }
0x1e: {  	s7 =	smul.u32 @!p0 $0xF7A, s2;
	p2 =	seq.s32 @!p0 s5, $0x0  }
0x1f: {  	s9 =	smul.u32 $0xF7A, s1;
	s8 =	simm.s32 @!p0 $0x1BF5;
	p2 =	por !p2, p0  }
0x20: {  	[sflag:s8] =	ssyncset.s32 @!p0 $0xFFFFF086;
	s6 =	sadd.s32 @!p0 s3, s7;
	s7 =	simm.s32 @!p0 $0x108  }
0x21: {  	s3 =	sadd.s32 s3, s9;
	s6 =	sadd.s32 @!p0 $0x88, s6;
	s7 =	simm.s32 @p2 $0x1082  }
0x22: {  	[simem:s7], [sflag:s8] =	dma.local @!p0 [hbm:s6], $0xF7A  }
0x23: {  	s9 =	sor.u32 $0xD0000000, s2;
	s6 =	simm.s32 $0x108;
	_ =	swait.ge @!p0 [sflag:s8], $0x0  }
0x24: {  	s3 =	sadd.s32 $0x88, s3;
	s6 =	simm.s32 @!p1 $0x1082;
	[sflag:s4] =	ssyncset.s32 $0xFFFFF086  }
0x25: {  	[simem:s6], [sflag:s4] =	dma.local [hbm:s3], $0xF7A  }
0x26: {  	[smem:$0x3F95] =	sst s1;
	(tag) =	ssettag s2;
	_ =	strace s9  }
0x27: {  	s1 =	sld [smem:$0x3FA5]  }
0x28: {  	s2 =	sld [smem:$0x3FA6]  }
0x29: {  	s4 =	sld [smem:$0x3FA8]  }
0x2a: {  	p0 =	seq.s32 s5, $0x0;
	s5 =	sld [smem:$0x3FA9]  }
0x2b: {  	s6 =	sld [smem:$0x3FAA]  }
0x2c: {  	s7 =	sld [smem:$0x3FAB]  }
0x2d: {  	s3 =	simm.s32 $0x108;
	s8 =	sld [smem:$0x3FAC]  }
0x2e: {  	s3 =	simm.s32 @!p0 $0x1082;
	s9 =	sld [smem:$0x3FAD]  }
0x2f: {  	lr =	sadd.s32 s0, s3;
	s0 =	sld [smem:$0x3FA4]  }
0x30: {  	s3 =	sld [smem:$0x3FA7]  }
0x31: {  	[smem:$0x3FB0] =	sst s10  }
0x32: {  	s10 =	sld [smem:$0x3FAE];
	_ =	sdelay $0x3  }
0x33: {  	p0 =	seq.s32 s10, $0x1;
	s10 =	sld [smem:$0x3FB0];
	_ =	sdelay $0x3  }
0x34: {  	[smem:$0x3FB0] =	sst s10  }
0x35: {  	s10 =	sld [smem:$0x3FAF];
	_ =	sdelay $0x3  }
0x36: {  	p1 =	seq.s32 s10, $0x1;
	s10 =	sld [smem:$0x3FB0];
	_ =	sdelay $0x3  }
0x37: {  	[smem:$0x3FB0] =	sst s10  }
0x38: {  	s10 =	sld [smem:$0x3FB1]  }
0x39: {  	_ = 	snop;
	(pc) =	sbr.ind lr, $3  }
0x3a: {  	_ = 	snop  }
0x3b: {  	_ = 	snop  }
0x3c: {  	p2 =	seq.s32 s10, $0x1;
	s10 =	sld [smem:$0x3FB0]  }
0x3d: {  	_ =	shalt  }
0x3e: {  	_ =	shalt  }
0x3f: {  	_ =	shalt  }
0x40: {  	_ =	shalt  }
0x41: {  	_ =	shalt  }
0x42: {  	_ =	shalt  }
0x43: {  	_ =	shalt  }
0x44: {  	_ =	shalt  }
0x45: {  	_ =	shalt  }
0x46: {  	_ =	shalt  }
0x47: {  	_ =	shalt  }
0x48: {  	_ =	shalt  }
0x49: {  	_ =	shalt  }
0x4a: {  	_ =	shalt  }
0x4b: {  	_ =	shalt  }
0x4c: {  	_ =	shalt  }
0x4d: {  	_ =	shalt  }
0x4e: {  	_ =	shalt  }
0x4f: {  	_ =	shalt  }
0x50: {  	_ =	shalt  }
0x51: {  	_ =	shalt  }
0x52: {  	_ =	shalt  }
0x53: {  	_ =	shalt  }
0x54: {  	_ =	shalt  }
0x55: {  	_ =	shalt  }
0x56: {  	_ =	shalt  }
0x57: {  	_ =	shalt  }
0x58: {  	_ =	shalt  }
0x59: {  	_ =	shalt  }
0x5a: {  	_ =	shalt  }
0x5b: {  	_ =	shalt  }
0x5c: {  	_ =	shalt  }
0x5d: {  	_ =	shalt  }
0x5e: {  	_ =	shalt  }
0x5f: {  	_ =	shalt  }
0x60: {  	_ =	shalt  }
0x61: {  	_ =	shalt  }
0x62: {  	_ =	shalt  }
0x63: {  	_ =	shalt  }
0x64: {  	_ =	shalt  }
0x65: {  	_ =	shalt  }
0x66: {  	_ =	shalt  }
0x67: {  	_ =	shalt  }
0x68: {  	_ =	shalt  }
0x69: {  	_ =	shalt  }
0x6a: {  	_ =	shalt  }
0x6b: {  	_ =	shalt  }
0x6c: {  	_ =	shalt  }
0x6d: {  	_ =	shalt  }
0x6e: {  	_ =	shalt  }
0x6f: {  	_ =	shalt  }
0x70: {  	_ =	shalt  }
0x71: {  	_ =	shalt  }
0x72: {  	_ =	shalt  }
0x73: {  	_ =	shalt  }
0x74: {  	_ =	shalt  }
0x75: {  	_ =	shalt  }
0x76: {  	_ =	shalt  }
0x77: {  	_ =	shalt  }
0x78: {  	_ =	shalt  }
0x79: {  	_ =	shalt  }
0x7a: {  	_ =	shalt  }
0x7b: {  	_ =	shalt  }
0x7c: {  	_ =	shalt  }
0x7d: {  	_ =	shalt  }
0x7e: {  	_ =	shalt  }
0x7f: {  	_ =	shalt  }
0x80: {  	_ =	shalt  }
0x81: {  	_ =	shalt  }
0x82: {  	_ =	shalt  }
0x83: {  	_ =	shalt  }
0x84: {  	_ =	shalt  }
0x85: {  	_ =	shalt  }
0x86: {  	_ =	shalt  }
0x87: {  	_ =	shalt  }
.Lfunc_end0:
.L_simem_size_0:
called_computation.2_lowered:
.L_overlay_start_0:
0x88: {  	s2 =	sld [smem:$0x3FD9]  }
0x89: {  	s3 =	sld [smem:$0x3FFE];
	_ =	sdelay $0x1  }
0x8a: {  	s1 =	srdreg.scid  }
0x8b: {  	s0 =	sand.u32 $0x1, s1  }
0x8c: {  	s16 =	sshll.u32 s0, $0xA;
	s2 =	sadd.s32 s3, s2  }
0x8d: {  	s2 =	sadd.s32 s2, s16  }
0x8e: {  	[smem:$0x3FBC] =	sst s2  }
0x8f: {  	_ = 	snop  }
0x90: {  	(tm) =	ssettm $0x1  }
0x91: {  	s17 =	sld [smem:$0x3FFB];
	_ =	sdelay $0x3  }
0x92: {  	_ =	strace s17  }
0x93: {  	s2 =	sld [smem:$0x3FFC];
	_ =	sdelay $0x3  }
0x94: {  	_ =	strace s2  }
0x95: {  	s2 =	sld [smem:$0x3FFD];
	_ =	sdelay $0x3  }
0x96: {  	_ =	strace s2  }
0x97: {  	_ =	strace $0x8FFFFFFF  }
0x98: {  	s18 =	sld [smem:$0x3FDB];
	_ =	sdelay $0x1  }
0x99: {  	s19 =	simm.s32 $_scs_section_size  }
0x9a: {  	s4 =	simm.s32 $_size__tile_overlayer_lowered;
	s5 =	simm.s32 $_tile_overlayer_lowered  }
0x9b: {  	s22 =	simm.s32 $0x1BFF;
	s21 =	sshll.u32 s5, $0x1;
	s2 =	sadd.s32 s19, s18  }
0x9c: {  	s6 =	simm.s32 $0x0;
	s20 =	sshll.u32 s4, $0x1;
	s4 =	sadd.s32 s21, s2  }
0x9d: {  	[timem:s6], [sflag:s22] =	dma.local [hbm:s4], s20  }
0x9e: {  	_ =	swait.ge [sflag:s22], s20  }
0x9f: {  	s3 =	ssub.s32 $0x0, s20;
	[sflag:s22] =	ssyncset.done $0x0  }
0xa0: {  	[sflag:s22] =	ssyncadd.s32 s3;
	_ =	sdelay $0x1  }
0xa1: {  	s23 =	simm.s32 $0x1B8B  }
0xa2: {  	_ =	swait.ge [sflag:s23], $0x1  }
0xa3: {  	[sflag:s23] =	ssyncset.done $0x0  }
0xa4: {  	s25 =	simm.s32 $0x1B8E;
	s24 =	sld [smem:$0x3FFE];
	[sflag:s23] =	ssyncadd.s32 $0xFFFFFFFF  }
0xa5: {  	s26 =	simm.s32 $execute0_lowered;
	[smem:$0x3FD2] =	sst s25  }
0xa6: {  	s4 =	sshll.u32 s26, $0x1;
	_ =	strace $0x8000004C;
	[dreg:$0x1] =	wrdreg $0xFFFFFFFF  }
0xa7: {  	s28 =	simm.s32 $_size_execute0_lowered;
	s2 =	sadd.s32 s2, s4;
	[dreg:$0x0] =	wrdreg $0x0  }
0xa8: {  	s4 =	sshll.u32 s28, $0x1;
	[dreg:$0x2] =	wrdreg s2  }
0xa9: {  	[dreg:$0x3] =	wrdreg s4  }
0xaa: {  	[dreg:$0x4] =	wrdreg $0xC0  }
0xab: {  	_ =	task [dreg:s6], $0x5FFFF  }
0xac: {  	[dreg:$0x1] =	wrdreg $0xFFFFFFFF  }
0xad: {  	[dreg:$0x0] =	wrdreg $0x60  }
0xae: {  	[dreg:$0x2] =	wrdreg s24  }
0xaf: {  	[dreg:$0x3] =	wrdreg $0xA4000  }
0xb0: {  	[dreg:$0x4] =	wrdreg $0x9  }
0xb1: {  	_ =	task.clear_ibuf [dreg:s6], $0x5FFFF;
	_ =	strace $0x9000004C  }
0xb2: {  	s29 =	simm.s32 $0x9;
	_ =	strace $0x8000004E  }
0xb3: {  	_ =	swait.ge [sflag:s29], $0x1  }
0xb4: {  	[sflag:s29] =	ssyncadd.s32 $0xFFFFFFFF  }
0xb5: {  	_ =	strace $0x9000004E  }
0xb6: {  	_ =	sfence  }
0xb7: {  	s30 =	sld [smem:$0x0];
	_ =	sdelay $0x2  }
0xb8: {  	s31 =	sshll.u32 s1, $0xD;
	s1 =	sshrl.u32 s1, $0x2  }
0xb9: {  	s3 =	sand.u32 $0x4000, s31;
	s1 =	sadd.s32 s1, s30  }
0xba: {  	s0 =	sor.u32 s3, s0;
	s1 =	sshll.u32 s1, $0x11  }
0xbb: {  	s0 =	sor.u32 s1, s0  }
0xbc: {  	s0 =	sadd.s32 $0x8F2B, s0  }
0xbd: {  	[sflag:s0] =	ssyncadd.remote.s32 $0x1  }
0xbe: {  	_ =	sfence.sel $0xFFFF  }
0xbf: {  	[dreg:$0x0] =	wrdreg $0xFFFFFFFF;
	(pc) =	sbr.abs _section_cstart, $3  }
0xc0: {  	[dreg:$0x1] =	wrdreg $0xFFFFFFFF  }
0xc1: {  	_ =	task.clear_ibuf [dreg:s6], $0x2FFFF;
	_ =	strace $0x9FFFFFFF  }
0xc2: {  	(tm) =	ssettm $0x7FFFFFFF  }
0xc3: {  	_ =	shalt  }
tec
execute0_lowered:
.L_overlay_start_1:
0x0: {  	(tag) =	ssettag $0x1  }
0x1: {  	s6 =	rddreg [dreg:$0x0]  }
0x2: {  	s0 =	srdreg.scid;
	s1 =	rddreg [dreg:$0x1]  }
0x3: {  	s3 =	simm.s32 $0x0;
	s2 =	stileid.u32;
	s13 =	simm.s32 $0x1000  }
0x4: {  	s14 =	simm.s32 $0x80;
	s15 =	simm.s32 $0x2000;
	s16 =	simm.s32 $0x6000  }
0x5: {  	s17 =	simm.s32 $0x1;
	s18 =	simm.s32 $0x2;
	s19 =	simm.s32 $0xF80  }
0x6: {  	s20 =	simm.s32 $0x1F00;
	s21 =	simm.s32 $0x1F80;
	s8 =	smul.u32 $0x14000, s2  }
0x7: {  	s5 =	sand.u32 $0x1, s0;
	s0 =	rddreg [dreg:$0x2];
	s10 =	smul.u32 $0x50000, s2  }
0x8: {  	[smem:$0x7FF] =	sst s3;
	s22 =	sshll.u32 s2, $0x6;
	s4 =	smul.u32 $0x28000, s5  }
0x9: {  	s7 =	smul.u32 $0x140000, s5;
	_ =	strace $0x8000004D;
	s30 =	ssub.s32 $0x2, s5  }
0xa: {  	s5 =	sadd.s32 $0x4000, s6;
	s22 =	sor.u32 $0x1C03, s22;
	s31 =	sshrl.u32 s30, $0x1  }
0xb: {  	s10 =	sshrl.u32 s10, $0x2;
	s9 =	sadd.s32 s4, s6;
	s7 =	sadd.s32 s8, s7  }
0xc: {  	s4 =	sadd.s32 $0x18000, s6;
	s12 =	ssub.s32 s30, s31;
	s7 =	sshrl.u32 s7, $0x3  }
0xd: {  	s11 =	sadd.s32 s7, s6;
	s6 =	smul.u32 $0xA000, s2;
	s7 =	sadd.s32 $0x2C000, s9  }
0xe: {  	s9 =	sadd.s32 s10, s1;
	s10 =	smax.u32 s12, $0x1;
	s12 =	simm.s32 $0x3  }
0xf: {  	v0 =	vimm.f32 $0.0e+00;
	s8 =	sadd.s32 $0x7C000, s11;
	s11 =	simm.s32 $0xA000;
	s23 =	sshrl.u32 s9, $0x3  }
.LBB2_1:
0x10: {  	[tilespmem:$0xA000] =	vst v0  }
0x11: {  	[tilespmem:$0xA010] =	vst v0  }
0x12: {  	[tilespmem:$0xA020] =	vst v0  }
0x13: {  	[tilespmem:$0xA030] =	vst v0  }
0x14: {  	[tilespmem:$0xA040] =	vst v0  }
0x15: {  	[tilespmem:$0xA050] =	vst v0  }
0x16: {  	[tilespmem:$0xA060] =	vst v0  }
0x17: {  	[tilespmem:$0xA070] =	vst v0  }
0x18: {  	[tilespmem:$0xA080] =	vst v0  }
0x19: {  	[tilespmem:$0xA090] =	vst v0  }
0x1a: {  	[tilespmem:$0xA0A0] =	vst v0  }
0x1b: {  	[tilespmem:$0xA0B0] =	vst v0  }
0x1c: {  	[tilespmem:$0xA0C0] =	vst v0  }
0x1d: {  	[tilespmem:$0xA0D0] =	vst v0  }
0x1e: {  	[tilespmem:$0xA0E0] =	vst v0  }
0x1f: {  	[tilespmem:$0xA0F0] =	vst v0  }
0x20: {  	[tilespmem:$0xA100] =	vst v0  }
0x21: {  	[tilespmem:$0xA110] =	vst v0  }
0x22: {  	[tilespmem:$0xA120] =	vst v0  }
0x23: {  	[tilespmem:$0xA130] =	vst v0  }
0x24: {  	[tilespmem:$0xA140] =	vst v0  }
0x25: {  	[tilespmem:$0xA150] =	vst v0  }
0x26: {  	[tilespmem:$0xA160] =	vst v0  }
0x27: {  	[tilespmem:$0xA170] =	vst v0  }
0x28: {  	[tilespmem:$0xA180] =	vst v0  }
0x29: {  	[tilespmem:$0xA190] =	vst v0  }
0x2a: {  	[tilespmem:$0xA1A0] =	vst v0  }
0x2b: {  	[tilespmem:$0xA1B0] =	vst v0  }
0x2c: {  	[tilespmem:$0xA1C0] =	vst v0  }
0x2d: {  	[tilespmem:$0xA1D0] =	vst v0  }
0x2e: {  	[tilespmem:$0xA1E0] =	vst v0  }
0x2f: {  	[tilespmem:$0xA1F0] =	vst v0  }
0x30: {  	[tilespmem:$0xA200] =	vst v0  }
0x31: {  	[tilespmem:$0xA210] =	vst v0  }
0x32: {  	[tilespmem:$0xA220] =	vst v0  }
0x33: {  	[tilespmem:$0xA230] =	vst v0  }
0x34: {  	[tilespmem:$0xA240] =	vst v0  }
0x35: {  	[tilespmem:$0xA250] =	vst v0  }
0x36: {  	[tilespmem:$0xA260] =	vst v0  }
0x37: {  	[tilespmem:$0xA270] =	vst v0  }
0x38: {  	[tilespmem:$0xA280] =	vst v0  }
0x39: {  	[tilespmem:$0xA290] =	vst v0  }
0x3a: {  	[tilespmem:$0xA2A0] =	vst v0  }
0x3b: {  	[tilespmem:$0xA2B0] =	vst v0  }
0x3c: {  	[tilespmem:$0xA2C0] =	vst v0  }
0x3d: {  	[tilespmem:$0xA2D0] =	vst v0  }
0x3e: {  	[tilespmem:$0xA2E0] =	vst v0  }
0x3f: {  	[tilespmem:$0xA2F0] =	vst v0  }
0x40: {  	[tilespmem:$0xA300] =	vst v0  }
0x41: {  	[tilespmem:$0xA310] =	vst v0  }
0x42: {  	[tilespmem:$0xA320] =	vst v0  }
0x43: {  	[tilespmem:$0xA330] =	vst v0  }
0x44: {  	[tilespmem:$0xA340] =	vst v0  }
0x45: {  	[tilespmem:$0xA350] =	vst v0  }
0x46: {  	[tilespmem:$0xA360] =	vst v0  }
0x47: {  	[tilespmem:$0xA370] =	vst v0  }
0x48: {  	[tilespmem:$0xA380] =	vst v0  }
0x49: {  	[tilespmem:$0xA390] =	vst v0  }
0x4a: {  	[tilespmem:$0xA3A0] =	vst v0  }
0x4b: {  	[tilespmem:$0xA3B0] =	vst v0  }
0x4c: {  	[tilespmem:$0xA3C0] =	vst v0  }
0x4d: {  	[tilespmem:$0xA3D0] =	vst v0  }
0x4e: {  	[tilespmem:$0xA3E0] =	vst v0  }
0x4f: {  	[tilespmem:$0xA3F0] =	vst v0;
	s24 =	sadd.s32 $0x0, s9  }
0x50: {  	[spmem:s24] =	stream.linear.scatter [tilespmem:s11], [sflag:$0x3], $0x400, $0x38;
	[tilespmem:$0x1E400] =	vst v63  }
0x51: {  	s24 =	simm.s32 $0x1000;
	_ =	swait.ge [sflag:s12], $0x400  }
.LBB2_2:
0x52: {  	s25 =	sshra.s32 s24, $0x2;
	[sflag:s12] =	ssyncset.done $0x0;
	p0 =	sne.s32 s24, $0x4F000  }
.Ltmp0:
0x53: {  	s25 =	sadd.s32 s25, s9;
	[sflag:s12] =	ssyncadd.s32 $0xFFFFFC00;
	(pc) =	sbr.rel @p0 .LBB2_2-.Ltmp0, $3  }
0x54: {  	[spmem:s25] =	stream.linear.scatter [tilespmem:s11], [sflag:$0x3], $0x400, $0x38;
	[tilespmem:$0x1E400] =	vst v63  }
0x55: {  	s24 =	sadd.s32 $0x1000, s24;
	_ =	sdelay $0x1  }
0x56: {  	_ =	swait.ge [sflag:s12], $0x400  }
0x57: {  	[sflag:s12] =	ssyncset.done $0x0  }
0x58: {  	[sflag:s12] =	ssyncadd.s32 $0xFFFFFC00  }
0x59: {  	s24 =	simm.s32 $0x0;
	s25 =	simm.s32 $0x0;
	[bflag:$0x0] =	sbarrier.arrive $0xFFFF  }
.LBB2_4:
0x5a: {  	s26 =	sshll.u32 s25, $0xC  }
0x5b: {  	s26 =	sadd.s32 s6, s26  }
0x5c: {  	s26 =	sshrl.u32 s26, $0x3  }
0x5d: {  	s28 =	sadd.s32 s4, s26  }
0x5e: {  	[tilespmem:s24], [sflag:$0x3] =	stream.linear.gather [hbm4b:s28+s24], $0x1000, $0x38;
	[tilespmem:$0x1E400] =	vst v63  }
0x5f: {  	_ =	swait.ge [sflag:s12], $0x1000  }
0x60: {  	[sflag:s12] =	ssyncset.done $0x0  }
0x61: {  	s26 =	sadd.s32 s5, s26;
	[sflag:s12] =	ssyncadd.s32 $0xFFFFF000  }
0x62: {  	[tilespmem:s13], [sflag:$0x3] =	stream.linear.gather [hbm4b:s26+s24], $0x1000, $0x38;
	[tilespmem:$0x1E400] =	vst v63  }
0x63: {  	_ =	swait.ge [sflag:s12], $0x1000  }
0x64: {  	[sflag:s12] =	ssyncset.done $0x0  }
0x65: {  	[sflag:s12] =	ssyncadd.s32 $0xFFFFF000  }
0x66: {  	[tilespmem:s15], [sflag:$0x1] =	stream.indirect.gather [hbm4b:s7+s14], $0x80, s24, s14, $0xb8;
	[tilespmem:$0x1E400] =	vst v63  }
0x67: {  	s31 =	simm.s32 $0x80  }
0x68: {  	[tilespmem:s16], [sflag:$0x2] =	stream.indirect.gather [hbm4b:s7+s14], $0x80, s31, s14, $0xb8;
	[tilespmem:$0x1E400] =	vst v63  }
0x69: {  	_ =	swait.ge [sflag:s17], $0x4000  }
0x6a: {  	[sflag:s17] =	ssyncset.done $0x0  }
0x6b: {  	s29 =	simm.s32 $0x1000;
	[sflag:s17] =	ssyncadd.s32 $0xFFFFC000  }
0x6c: {  	[spmem:s1] =	stream.indirect.scatter.add.f32 [tilespmem:s15], [sflag:$0x3], $0x80, s29, s14, $0xb8;
	[tilespmem:$0x1E400] =	vst v63  }
0x6d: {  	_ =	swait.ge [sflag:s12], $0x4000  }
0x6e: {  	[sflag:s12] =	ssyncset.done $0x0  }
0x6f: {  	s30 =	simm.s32 $0x100;
	[sflag:s12] =	ssyncadd.s32 $0xFFFFC000  }
0x70: {  	[tilespmem:s15], [sflag:$0x1] =	stream.indirect.gather [hbm4b:s7+s14], $0x80, s30, s14, $0xb8;
	[tilespmem:$0x1E400] =	vst v63  }
0x71: {  	_ =	swait.ge [sflag:s18], $0x4000  }
0x72: {  	[sflag:s18] =	ssyncset.done $0x0  }
0x73: {  	s31 =	simm.s32 $0x1080;
	[sflag:s18] =	ssyncadd.s32 $0xFFFFC000  }
0x74: {  	[spmem:s1] =	stream.indirect.scatter.add.f32 [tilespmem:s16], [sflag:$0x3], $0x80, s31, s14, $0xb8;
	[tilespmem:$0x1E400] =	vst v63  }
0x75: {  	_ =	swait.ge [sflag:s12], $0x4000  }
0x76: {  	s28 =	simm.s32 $0x800;
	s26 =	simm.s32 $0x100;
	[sflag:s12] =	ssyncset.done $0x0  }
.LBB2_5:
0x77: {  	s29 =	sadd.s32 $0x80, s26  }
0x78: {  	[sflag:s12] =	ssyncadd.s32 $0xFFFFC000;
	s30 =	smov.u32 s28;
	s31 =	sadd.s32 $0x400, s28  }
0x79: {  	[tilespmem:s16], [sflag:$0x2] =	stream.indirect.gather [hbm4b:s7+s14], $0x80, s29, s14, $0xb8;
	[tilespmem:$0x1E400] =	vst v63  }
0x7a: {  	p0 =	sne.s32 s28, $0x3800;
	_ =	swait.ge [sflag:s17], $0x4000  }
0x7b: {  	[sflag:s17] =	ssyncset.done $0x0  }
0x7c: {  	s28 =	sadd.s32 $0x1000, s26;
	[sflag:s17] =	ssyncadd.s32 $0xFFFFC000  }
0x7d: {  	[spmem:s1] =	stream.indirect.scatter.add.f32 [tilespmem:s15], [sflag:$0x3], $0x80, s28, s14, $0xb8;
	[tilespmem:$0x1E400] =	vst v63  }
0x7e: {  	_ =	swait.ge [sflag:s12], $0x4000  }
0x7f: {  	[sflag:s12] =	ssyncset.done $0x0  }
0x80: {  	s28 =	sadd.s32 $0x100, s26;
	[sflag:s12] =	ssyncadd.s32 $0xFFFFC000  }
0x81: {  	[tilespmem:s15], [sflag:$0x1] =	stream.indirect.gather [hbm4b:s7+s14], $0x80, s28, s14, $0xb8;
	[tilespmem:$0x1E400] =	vst v63  }
0x82: {  	_ =	swait.ge [sflag:s18], $0x4000  }
.Ltmp1:
0x83: {  	[sflag:s18] =	ssyncset.done $0x0;
	(pc) =	sbr.rel @p0 .LBB2_5-.Ltmp1, $4  }
0x84: {  	s26 =	sadd.s32 $0x1080, s26;
	[sflag:s18] =	ssyncadd.s32 $0xFFFFC000  }
0x85: {  	[spmem:s1] =	stream.indirect.scatter.add.f32 [tilespmem:s16], [sflag:$0x3], $0x80, s26, s14, $0xb8;
	[tilespmem:$0x1E400] =	vst v63  }
0x86: {  	_ =	swait.ge [sflag:s12], $0x4000  }
0x87: {  	s28 =	smov.u32 s31;
	s26 =	sshra.s32 s30, $0x2;
	[sflag:s12] =	ssyncset.done $0x0  }
0x88: {  	s28 =	sadd.s32 $0x80, s26;
	[sflag:s12] =	ssyncadd.s32 $0xFFFFC000  }
0x89: {  	[tilespmem:s16], [sflag:$0x2] =	stream.indirect.gather [hbm4b:s7+s14], $0x80, s28, s14, $0xb8;
	[tilespmem:$0x1E400] =	vst v63  }
0x8a: {  	_ =	swait.ge [sflag:s17], $0x4000  }
0x8b: {  	[sflag:s17] =	ssyncset.done $0x0  }
0x8c: {  	s29 =	sadd.s32 $0x1000, s26;
	[sflag:s17] =	ssyncadd.s32 $0xFFFFC000  }
0x8d: {  	[spmem:s1] =	stream.indirect.scatter.add.f32 [tilespmem:s15], [sflag:$0x3], $0x80, s29, s14, $0xb8;
	[tilespmem:$0x1E400] =	vst v63  }
0x8e: {  	_ =	swait.ge [sflag:s12], $0x4000  }
0x8f: {  	[sflag:s12] =	ssyncset.done $0x0  }
0x90: {  	s30 =	sadd.s32 $0x100, s26;
	[sflag:s12] =	ssyncadd.s32 $0xFFFFC000  }
0x91: {  	[tilespmem:s15], [sflag:$0x1] =	stream.indirect.gather [hbm4b:s7+s14], $0x80, s30, s14, $0xb8;
	[tilespmem:$0x1E400] =	vst v63  }
0x92: {  	_ =	swait.ge [sflag:s18], $0x4000  }
0x93: {  	[sflag:s18] =	ssyncset.done $0x0  }
0x94: {  	s31 =	sadd.s32 $0x1080, s26;
	[sflag:s18] =	ssyncadd.s32 $0xFFFFC000  }
0x95: {  	[spmem:s1] =	stream.indirect.scatter.add.f32 [tilespmem:s16], [sflag:$0x3], $0x80, s31, s14, $0xb8;
	[tilespmem:$0x1E400] =	vst v63  }
0x96: {  	_ =	swait.ge [sflag:s12], $0x4000  }
0x97: {  	[sflag:s12] =	ssyncset.done $0x0  }
0x98: {  	[sflag:s12] =	ssyncadd.s32 $0xFFFFC000  }
0x99: {  	[tilespmem:s16], [sflag:$0x2] =	stream.indirect.gather [hbm4b:s7+s14], $0x80, s19, s14, $0xb8;
	[tilespmem:$0x1E400] =	vst v63  }
0x9a: {  	_ =	swait.ge [sflag:s17], $0x4000  }
0x9b: {  	[sflag:s17] =	ssyncset.done $0x0  }
0x9c: {  	[sflag:s17] =	ssyncadd.s32 $0xFFFFC000  }
0x9d: {  	[spmem:s1] =	stream.indirect.scatter.add.f32 [tilespmem:s15], [sflag:$0x3], $0x80, s20, s14, $0xb8;
	[tilespmem:$0x1E400] =	vst v63  }
0x9e: {  	_ =	swait.ge [sflag:s12], $0x4000  }
0x9f: {  	[sflag:s12] =	ssyncset.done $0x0  }
0xa0: {  	[sflag:s12] =	ssyncadd.s32 $0xFFFFC000  }
0xa1: {  	s25 =	sadd.s32 $0x1, s25;
	_ =	swait.ge [sflag:s18], $0x4000  }
0xa2: {  	p0 =	sne.s32 s25, $0xA;
	[sflag:s18] =	ssyncset.done $0x0  }
.Ltmp2:
0xa3: {  	[sflag:s18] =	ssyncadd.s32 $0xFFFFC000;
	(pc) =	sbr.rel @p0 .LBB2_4-.Ltmp2, $4  }
0xa4: {  	[spmem:s1] =	stream.indirect.scatter.add.f32 [tilespmem:s16], [sflag:$0x3], $0x80, s21, s14, $0xb8;
	[tilespmem:$0x1E400] =	vst v63  }
0xa5: {  	_ =	swait.ge [sflag:s12], $0x4000  }
0xa6: {  	[sflag:s12] =	ssyncset.done $0x0  }
0xa7: {  	[sflag:s12] =	ssyncadd.s32 $0xFFFFC000  }
0xa8: {  	s3 =	sadd.s32 $0x1, s3  }
0xa9: {  	p0 =	sne.s32 s3, s10  }
.Ltmp3:
0xaa: {  	[bflag:$0x0] =	sbarrier.arrive $0xFFFF;
	(pc) =	sbr.rel @p0 .LBB2_1-.Ltmp3, $4  }
0xab: {  	[hbm:s8], [sflag:s22] =	dma.local [spmem:s23], $0x2800  }
0xac: {  	_ =	swait.ge [sflag:s12], $0x2800  }
0xad: {  	[sflag:s12] =	ssyncset.done $0x0  }
0xae: {  	[sflag:s12] =	ssyncadd.s32 $0xFFFFD800  }
0xaf: {  	_ =	sfence.sel $0x180000  }
0xb0: {  	[bflag:$0x0] =	sbarrier.arrive $0xFFFF  }
0xb1: {  	p0 =	sne.s32 s2, $0x0;
	_ =	strace $0x9000004D  }
0xb2: {  	s0 =	sadd.s32 @!p0 $0x100000, s0;
	[bflag:$0x2] =	sbarrier.arrive $0xFFFF  }
0xb3: {  	[sflag:s0] =	ssyncadd.tile.s32 @!p0 $0x1;
	_ =	shalt  }
.Lfunc_end2:
_tile_overlayer_lowered:
.L_overlay_start_2:
0xb4: {  	(tag) =	ssettag $0x2  }
0xb5: {  	s0 =	rddreg [dreg:$0x0];
	s2 =	stileid.u32  }
0xb6: {  	s1 =	rddreg [dreg:$0x1];
	p0 =	sne.s32 s2, $0x0  }
0xb7: {  	s3 =	rddreg [dreg:$0x2];
	[bflag:$0x3] =	sbarrier.arrive $0xFFFF;
	s2 =	simm.s32 @!p0 $0x1C03  }
0xb8: {  	[timem:s3], [sflag:s2] =	dma.local @!p0 [hbm:s0], s1  }
0xb9: {  	s0 =	simm.s32 @!p0 $0x3  }
0xba: {  	_ =	swait.ge @!p0 [sflag:s0], s1  }
0xbb: {  	s1 =	ssub.s32 @!p0 $0x0, s1;
	[sflag:s0] =	ssyncset.done @!p0 $0x0  }
0xbc: {  	[sflag:s0] =	ssyncadd.s32 @!p0 s1  }
0xbd: {  	[bflag:$0x3] =	sbarrier.arrive $0xFFFF  }
0xbe: {  	_ =	shalt  }

</sc_bundles>
